<compile_context>
chip_gen: v7x
topology: tpu7x:2x2x1
jax: 0.10.2.dev20260603
libtpu: 0.0.44.dev20260713+nightly
codegen_flags: <defaults>
</compile_context>

<pallas_src>
import functools

import jax
import jax.numpy as jnp
from jax import lax
from jax.experimental import pallas as pl
from jax.experimental.pallas import tpu as pltpu
from jax.experimental.pallas import tpu_sc as plsc

N = 10000
NP = 10240
E = 320000
D = 128
H = 128

CHUNK = 128
NCHUNK = 2560
EP = NCHUNK * CHUNK
NSUB = 16
CH_PER_SUB = NCHUNK // NSUB
PAIRS = CH_PER_SUB // 2
QUADS = CH_PER_SUB // 4
ROWS_PER_SUB = NP // NSUB
ZROWS = 64
BN = 1280
BND = 1000

_mesh = lambda: plsc.VectorSubcoreMesh(core_axis_name="c", subcore_axis_name="s")



def _sc_degree(ei_chunks):

  @functools.partial(
      pl.kernel,
      out_type=jax.ShapeDtypeStruct((2, NP), jnp.float32),
      mesh=_mesh(),
      scratch_types=[
          pltpu.VMEM((2, CHUNK), jnp.int32),
          pltpu.VMEM((2, CHUNK), jnp.int32),
          pltpu.VMEM((2, CHUNK), jnp.int32),
          pltpu.VMEM((2, CHUNK), jnp.int32),
          pltpu.VMEM((CHUNK,), jnp.float32),
          pltpu.VMEM((ROWS_PER_SUB,), jnp.float32),
          pltpu.VMEM_SHARED((NP,), jnp.float32),
          pltpu.SemaphoreType.DMA,
          pltpu.SemaphoreType.DMA,
          pltpu.SemaphoreType.DMA,
          pltpu.SemaphoreType.DMA,
      ],
  )
  def deg_kernel(ei_hbm, deg_hbm, idx0_v, idx1_v, idx2_v, idx3_v, ones_v,
                 zbuf_v, hist_sh, ss0, ss1, ss2, ss3):
    c = lax.axis_index("c")
    s = lax.axis_index("s")

    def fill_ones(i, _):
      ones_v[pl.ds(i * 16, 16)] = jnp.full((16,), 1.0, jnp.float32)
      return 0
    lax.fori_loop(0, CHUNK // 16, fill_ones, 0)

    def fill_z(i, _):
      zbuf_v[pl.ds(i * 16, 16)] = jnp.zeros((16,), jnp.float32)
      return 0
    lax.fori_loop(0, ROWS_PER_SUB // 16, fill_z, 0)

    pltpu.sync_copy(zbuf_v, hist_sh.at[pl.ds(s * ROWS_PER_SUB, ROWS_PER_SUB)])
    plsc.subcore_barrier()

    base = s * CH_PER_SUB
    idxs = [idx0_v, idx1_v, idx2_v, idx3_v]
    sss = [ss0, ss1, ss2, ss3]
    for j in range(4):
      pltpu.sync_copy(ei_hbm.at[base + j], idxs[j])
      pltpu.async_copy(ones_v, hist_sh.at[idxs[j].at[c]], sss[j], add=True)

    def quad(q, _):
      for j in range(4):
        pltpu.make_async_copy(ones_v, hist_sh.at[idxs[j].at[c]],
                              sss[j]).wait()

        @pl.when(q + 1 < QUADS)
        def _():
          pltpu.sync_copy(ei_hbm.at[base + 4 * (q + 1) + j], idxs[j])
          pltpu.async_copy(ones_v, hist_sh.at[idxs[j].at[c]], sss[j],
                          add=True)
      return 0

    lax.fori_loop(0, QUADS, quad, 0)
    plsc.subcore_barrier()

    sl = pl.ds(s * ROWS_PER_SUB, ROWS_PER_SUB)
    pltpu.sync_copy(hist_sh.at[sl], zbuf_v)
    pltpu.sync_copy(zbuf_v, deg_hbm.at[c, sl])

  return deg_kernel(ei_chunks)


def _sc_prop(h0, h1, ei_chunks):

  @functools.partial(
      pl.kernel,
      out_type=[jax.ShapeDtypeStruct((NP, H), jnp.float32),
                jax.ShapeDtypeStruct((NP, H), jnp.float32)],
      mesh=_mesh(),
      scratch_types=[
          pltpu.VMEM((2, CHUNK), jnp.int32),
          pltpu.VMEM((2, CHUNK), jnp.int32),
          pltpu.VMEM((CHUNK, H), jnp.float32),
          pltpu.VMEM((CHUNK, H), jnp.float32),
          pltpu.VMEM((ZROWS, H), jnp.float32),
          pltpu.VMEM_SHARED((NP, H), jnp.float32),
          pltpu.SemaphoreType.DMA,
          pltpu.SemaphoreType.DMA,
          pltpu.SemaphoreType.DMA,
          pltpu.SemaphoreType.DMA,
      ],
  )
  def prop_kernel(h0_hbm, h1_hbm, ei_hbm, out0_hbm, out1_hbm,
                  idx0_v, idx1_v, rows0_v, rows1_v, zbuf_v, acc_sh,
                  gs0, gs1, ss0, ss1):
    c = lax.axis_index("c")
    s = lax.axis_index("s")

    def fill_z(t, _):
      zbuf_v[t // 8, pl.ds((t % 8) * 16, 16)] = jnp.zeros((16,), jnp.float32)
      return 0
    lax.fori_loop(0, ZROWS * (H // 16), fill_z, 0)

    base = s * CH_PER_SUB
    pltpu.sync_copy(ei_hbm.at[base], idx0_v)

    @pl.when(c == 0)
    def _():
      pltpu.async_copy(h0_hbm.at[idx0_v.at[0]], rows0_v, gs0)

    @pl.when(c == 1)
    def _():
      pltpu.async_copy(h1_hbm.at[idx0_v.at[0]], rows0_v, gs0)

    def zero_acc(j, _):
      pltpu.sync_copy(zbuf_v,
                      acc_sh.at[pl.ds(s * ROWS_PER_SUB + j * ZROWS, ZROWS)])
      return 0
    lax.fori_loop(0, ROWS_PER_SUB // ZROWS, zero_acc, 0)
    plsc.subcore_barrier()

    def do_edges(h_hbm):
      def pair(p, _):
        @pl.when(p >= 1)
        def _():
          pltpu.make_async_copy(rows1_v, acc_sh.at[idx1_v.at[1]], ss1).wait()
        pltpu.sync_copy(ei_hbm.at[base + 2 * p + 1], idx1_v)
        pltpu.async_copy(h_hbm.at[idx1_v.at[0]], rows1_v, gs1)
        pltpu.make_async_copy(h_hbm.at[idx0_v.at[0]], rows0_v, gs0).wait()
        pltpu.async_copy(rows0_v, acc_sh.at[idx0_v.at[1]], ss0, add=True)

        pltpu.make_async_copy(rows0_v, acc_sh.at[idx0_v.at[1]], ss0).wait()

        @pl.when(p + 1 < PAIRS)
        def _():
          pltpu.sync_copy(ei_hbm.at[base + 2 * p + 2], idx0_v)
          pltpu.async_copy(h_hbm.at[idx0_v.at[0]], rows0_v, gs0)
        pltpu.make_async_copy(h_hbm.at[idx1_v.at[0]], rows1_v, gs1).wait()
        pltpu.async_copy(rows1_v, acc_sh.at[idx1_v.at[1]], ss1, add=True)
        return 0

      lax.fori_loop(0, PAIRS, pair, 0)
      pltpu.make_async_copy(rows1_v, acc_sh.at[idx1_v.at[1]], ss1).wait()

    @pl.when(c == 0)
    def _():
      do_edges(h0_hbm)

    @pl.when(c == 1)
    def _():
      do_edges(h1_hbm)

    plsc.subcore_barrier()

    def copy_out(out_hbm):
      def co(j, _):
        sl = pl.ds(s * ROWS_PER_SUB + j * ZROWS, ZROWS)
        pltpu.sync_copy(acc_sh.at[sl], zbuf_v)
        pltpu.sync_copy(zbuf_v, out_hbm.at[sl])
        return 0
      lax.fori_loop(0, ROWS_PER_SUB // ZROWS, co, 0)

    @pl.when(c == 0)
    def _():
      copy_out(out0_hbm)

    @pl.when(c == 1)
    def _():
      copy_out(out1_hbm)

  return prop_kernel(h0, h1, ei_chunks)



def _norms(deg_ref, i):
  dout = deg_ref[0, pl.ds(i * BN, BN)]
  din = deg_ref[1, pl.ds(i * BN, BN)]
  ns = jnp.where(dout > 0, lax.rsqrt(dout), 0.0)[:, None]
  nd = jnp.where(din > 0, lax.rsqrt(din), 0.0)[:, None]
  return ns, nd


def _tc_scale_x(x0, x1, deg):
  def body(x0_ref, x1_ref, deg_ref, h0_ref, h1_ref):
    i = pl.program_id(0)
    ns, _ = _norms(deg_ref, i)
    h0_ref[...] = x0_ref[...] * ns
    h1_ref[...] = x1_ref[...] * ns

  return pl.pallas_call(
      body,
      grid=(NP // BN,),
      in_specs=[
          pl.BlockSpec((BN, D), lambda i: (i, 0)),
          pl.BlockSpec((BN, D), lambda i: (i, 0)),
          pl.BlockSpec((2, NP), lambda i: (0, 0)),
      ],
      out_specs=[pl.BlockSpec((BN, D), lambda i: (i, 0)),
                 pl.BlockSpec((BN, D), lambda i: (i, 0))],
      out_shape=[jax.ShapeDtypeStruct((NP, D), jnp.float32),
                 jax.ShapeDtypeStruct((NP, D), jnp.float32)],
  )(x0, x1, deg)


def _tc_mid(a0, a1, W10, W11, b1s, deg):
  def body(a0_ref, a1_ref, w0_ref, w1_ref, b_ref, deg_ref, g0_ref, g1_ref):
    i = pl.program_id(0)
    ns, nd = _norms(deg_ref, i)
    h0 = jax.nn.relu(jnp.dot(a0_ref[...] * nd, w0_ref[...],
                             preferred_element_type=jnp.float32)
                     + b_ref[0][None, :])
    h1 = jax.nn.relu(jnp.dot(a1_ref[...] * nd, w1_ref[...],
                             preferred_element_type=jnp.float32)
                     + b_ref[1][None, :])
    g0_ref[...] = h0 * ns
    g1_ref[...] = h1 * ns

  return pl.pallas_call(
      body,
      grid=(NP // BN,),
      in_specs=[
          pl.BlockSpec((BN, D), lambda i: (i, 0)),
          pl.BlockSpec((BN, D), lambda i: (i, 0)),
          pl.BlockSpec((D, H), lambda i: (0, 0)),
          pl.BlockSpec((D, H), lambda i: (0, 0)),
          pl.BlockSpec((2, H), lambda i: (0, 0)),
          pl.BlockSpec((2, NP), lambda i: (0, 0)),
      ],
      out_specs=[pl.BlockSpec((BN, H), lambda i: (i, 0)),
                 pl.BlockSpec((BN, H), lambda i: (i, 0))],
      out_shape=[jax.ShapeDtypeStruct((NP, H), jnp.float32),
                 jax.ShapeDtypeStruct((NP, H), jnp.float32)],
  )(a0, a1, W10, W11, b1s, deg)


def _tc_znorm(a0, a1, W20, W21, b2s, deg):
  def body(a0_ref, a1_ref, w0_ref, w1_ref, b2_ref, deg_ref, z0_ref, z1_ref):
    i = pl.program_id(0)
    _, nd = _norms(deg_ref, i)
    z0_ref[...] = jnp.dot(a0_ref[...] * nd, w0_ref[...],
                          preferred_element_type=jnp.float32) + b2_ref[0][None, :]
    z1_ref[...] = jnp.dot(a1_ref[...] * nd, w1_ref[...],
                          preferred_element_type=jnp.float32) + b2_ref[1][None, :]

  return pl.pallas_call(
      body,
      grid=(NP // BN,),
      in_specs=[
          pl.BlockSpec((BN, H), lambda i: (i, 0)),
          pl.BlockSpec((BN, H), lambda i: (i, 0)),
          pl.BlockSpec((H, H), lambda i: (0, 0)),
          pl.BlockSpec((H, H), lambda i: (0, 0)),
          pl.BlockSpec((2, H), lambda i: (0, 0)),
          pl.BlockSpec((2, NP), lambda i: (0, 0)),
      ],
      out_specs=[pl.BlockSpec((BN, H), lambda i: (i, 0)),
                 pl.BlockSpec((BN, H), lambda i: (i, 0))],
      out_shape=[jax.ShapeDtypeStruct((NP, H), jnp.float32),
                 jax.ShapeDtypeStruct((NP, H), jnp.float32)],
  )(a0, a1, W20, W21, b2s, deg)


def _elu(x):
  return jnp.where(x > 0, x, jnp.exp(x) - 1.0)


def _tc_decode(z0, z1, dW1, db1, dW2, db2):
  def body(z0_ref, z1_ref, w1_ref, bb1_ref, w2_ref, bb2_ref, out_ref):
    z0 = z0_ref[...]
    z1 = z1_ref[...]
    h0 = _elu(jnp.dot(z0, w1_ref[0], preferred_element_type=jnp.float32)
              + bb1_ref[0][None, :])
    d0 = _elu(jnp.dot(h0, w2_ref[0], preferred_element_type=jnp.float32)
              + bb2_ref[0][None, :])
    h1 = _elu(jnp.dot(z1, w1_ref[1], preferred_element_type=jnp.float32)
              + bb1_ref[1][None, :])
    d1 = _elu(jnp.dot(h1, w2_ref[1], preferred_element_type=jnp.float32)
              + bb2_ref[1][None, :])
    out_ref[0] = z0
    out_ref[1] = z1
    out_ref[2] = d0
    out_ref[3] = d1

  return pl.pallas_call(
      body,
      grid=(N // BND,),
      in_specs=[
          pl.BlockSpec((BND, H), lambda i: (i, 0)),
          pl.BlockSpec((BND, H), lambda i: (i, 0)),
          pl.BlockSpec((2, H, H), lambda i: (0, 0, 0)),
          pl.BlockSpec((2, H), lambda i: (0, 0)),
          pl.BlockSpec((2, H, H), lambda i: (0, 0, 0)),
          pl.BlockSpec((2, H), lambda i: (0, 0)),
      ],
      out_specs=pl.BlockSpec((4, BND, H), lambda i: (0, i, 0)),
      out_shape=jax.ShapeDtypeStruct((4, N, H), jnp.float32),
  )(z0, z1, dW1, db1, dW2, db2)



def kernel(x_F, x_S, edge_index, W1_F, b1_F, W2_F, b2_F, W1_S, b1_S, W2_S,
           b2_S, dFS_W1, dFS_b1, dFS_W2, dFS_b2, dSF_W1, dSF_b1, dSF_W2,
           dSF_b2):
  ei = edge_index.astype(jnp.int32)
  pad = N + (jnp.arange(EP - E, dtype=jnp.int32) % (NP - N))
  ei_pad = jnp.concatenate([ei, jnp.stack([pad, pad])], axis=1)
  ei_chunks = ei_pad.reshape(2, NCHUNK, CHUNK).transpose(1, 0, 2)

  deg = _sc_degree(ei_chunks)
  sx0, sx1 = _tc_scale_x(x_F, x_S, deg)
  a0, a1 = _sc_prop(sx0, sx1, ei_chunks)
  g0, g1 = _tc_mid(a0, a1, W1_F, W1_S, jnp.stack([b1_F, b1_S]), deg)
  a20, a21 = _sc_prop(g0, g1, ei_chunks)
  z0, z1 = _tc_znorm(a20, a21, W2_F, W2_S, jnp.stack([b2_F, b2_S]), deg)
  return _tc_decode(z0, z1,
                    jnp.stack([dFS_W1, dSF_W1]), jnp.stack([dFS_b1, dSF_b1]),
                    jnp.stack([dFS_W2, dSF_W2]), jnp.stack([dFS_b2, dSF_b2]))

# --- scband reference (transcript-rebuilt; emitter-appended) ---
"""Pipeline reference for scband-gsr-pretrain-20710332301826 (READ-ONLY COPY).

The authoritative reference and input builder live on the scoring server;
editing this copy changes nothing except your own understanding.
"""

import jax, jax.numpy as jnp
import numpy as np

N = 10000
E = 320000
D = 128
H = 128


def setup_inputs(seed: int = 0) -> dict:
    key = jax.random.key(seed)
    ks = jax.random.split(key, 24)
    sc_d = 1.0 / np.sqrt(D)
    sc_h = 1.0 / np.sqrt(H)
    inp = {
        "x_F": jax.random.normal(ks[0], (N, D), jnp.float32),
        "x_S": jax.random.normal(ks[1], (N, D), jnp.float32),
        "edge_index": jax.random.randint(ks[2], (2, E), 0, N),
        # GCN encoder weights, view F
        "W1_F": jax.random.normal(ks[3], (D, H), jnp.float32) * sc_d,
        "b1_F": jnp.zeros((H,), jnp.float32),
        "W2_F": jax.random.normal(ks[4], (H, H), jnp.float32) * sc_h,
        "b2_F": jnp.zeros((H,), jnp.float32),
        # GCN encoder weights, view S
        "W1_S": jax.random.normal(ks[5], (D, H), jnp.float32) * sc_d,
        "b1_S": jnp.zeros((H,), jnp.float32),
        "W2_S": jax.random.normal(ks[6], (H, H), jnp.float32) * sc_h,
        "b2_S": jnp.zeros((H,), jnp.float32),
        # decoder MLP F->S (2 layers, ELU)
        "dFS_W1": jax.random.normal(ks[7], (H, H), jnp.float32) * sc_h,
        "dFS_b1": jnp.zeros((H,), jnp.float32),
        "dFS_W2": jax.random.normal(ks[8], (H, H), jnp.float32) * sc_h,
        "dFS_b2": jnp.zeros((H,), jnp.float32),
        # decoder MLP S->F (2 layers, ELU)
        "dSF_W1": jax.random.normal(ks[9], (H, H), jnp.float32) * sc_h,
        "dSF_b1": jnp.zeros((H,), jnp.float32),
        "dSF_W2": jax.random.normal(ks[10], (H, H), jnp.float32) * sc_h,
        "dSF_b2": jnp.zeros((H,), jnp.float32),
    }
    return inp


def _gcn_layer(x, src, dst, W, b):
    # DGL GraphConv with norm='both': D_out^{-1/2} message, D_in^{-1/2} on aggregate
    h = x @ W
    out_deg = jnp.zeros((N,), h.dtype).at[src].add(1.0)
    in_deg = jnp.zeros((N,), h.dtype).at[dst].add(1.0)
    ns = jnp.where(out_deg > 0, out_deg ** -0.5, 0.0)
    nd = jnp.where(in_deg > 0, in_deg ** -0.5, 0.0)
    msg = (h * ns[:, None])[src]
    agg = jnp.zeros((N, h.shape[1]), h.dtype).at[dst].add(msg)
    return agg * nd[:, None] + b


def _encoder(x, src, dst, W1, b1, W2, b2):
    # TwoLayerGCN (eval mode, dropout=identity), activation=relu, is_out_layer=True
    h = jax.nn.relu(_gcn_layer(x, src, dst, W1, b1))
    return _gcn_layer(h, src, dst, W2, b2)


def _mlp(x, W1, b1, W2, b2):
    # MLP(n_layer=2, dropout=0, activation=ELU); activation applied after every layer
    h = jax.nn.elu(x @ W1 + b1)
    return jax.nn.elu(h @ W2 + b2)


def reference(x_F, x_S, edge_index, W1_F, b1_F, W2_F, b2_F, W1_S, b1_S, W2_S, b2_S,
              dFS_W1, dFS_b1, dFS_W2, dFS_b2, dSF_W1, dSF_b1, dSF_W2, dSF_b2):
    src = edge_index[0]
    dst = edge_index[1]
    z_F = _encoder(x_F, src, dst, W1_F, b1_F, W2_F, b2_F)
    z_S = _encoder(x_S, src, dst, W1_S, b1_S, W2_S, b2_S)
    d_FS = _mlp(z_F, dFS_W1, dFS_b1, dFS_W2, dFS_b2)
    d_SF = _mlp(z_S, dSF_W1, dSF_b1, dSF_W2, dSF_b2)
    return jnp.stack([z_F, z_S, d_FS, d_SF])

if __name__ == "__main__":
    import jax
    _d = setup_inputs()
    print(jax.jit(kernel)(*tuple(_d.values())))

</pallas_src>

<mosaic_0001>
#map = affine_map<(d0, d1) -> (0, 0, 0)>
#map1 = affine_map<(d0, d1) -> (0, 0)>
module attributes {stable_mosaic.version = 14 : i64} {
  func.func @deg_kernel(%arg0: i32, %arg1: i32, %arg2: memref<2560x2x128xi32, #tpu.memory_space<hbm>>, %arg3: memref<2x10240xf32, #tpu.memory_space<hbm>>, %arg4: memref<2x128xi32, #tpu.memory_space<vmem>>, %arg5: memref<2x128xi32, #tpu.memory_space<vmem>>, %arg6: memref<2x128xi32, #tpu.memory_space<vmem>>, %arg7: memref<2x128xi32, #tpu.memory_space<vmem>>, %arg8: memref<128xf32, #tpu.memory_space<vmem>>, %arg9: memref<640xf32, #tpu.memory_space<vmem>>, %arg10: memref<10240xf32, #tpu.memory_space<vmem_shared>>, %arg11: memref<!tpu.dma_semaphore, #tpu.memory_space<semaphore_mem>>, %arg12: memref<!tpu.dma_semaphore, #tpu.memory_space<semaphore_mem>>, %arg13: memref<!tpu.dma_semaphore, #tpu.memory_space<semaphore_mem>>, %arg14: memref<!tpu.dma_semaphore, #tpu.memory_space<semaphore_mem>>) attributes {dimension_semantics = [#tpu.dimension_semantics<core_parallel>, #tpu.dimension_semantics<subcore_parallel>], iteration_bounds = array<i64: 2, 16>, scalar_prefetch = 0 : i64, scratch_operands = 11 : i64, tpu.core_type = #tpu.core_type<sc_vector_subcore>, window_params = [{transform_indices = #map}, {transform_indices = #map1}]} {
    %scan3A = arith.constant 0 : i32
    %scan3A_0 = arith.constant 0 : i32
    %scan3A_1 = arith.constant 8 : i32
    %scan3A_2 = arith.addi %scan3A_0, %scan3A_1 : i32
    %scan3A_3 = arith.constant 1 : i32
    %scan3A_4 = scf.for %scan3A_52 = %scan3A_0 to %scan3A_2 step %scan3A_3 iter_args(%scan3A_53 = %scan3A) -> (i32)  : i32 {
      %broadcast_in_dim3A = arith.constant 1.000000e+00 : f32
      %broadcast_in_dim3A_54 = vector.broadcast %broadcast_in_dim3A : f32 to vector<16xf32>
      %mul3A_55 = arith.constant 16 : i32
      %mul3A_56 = arith.muli %scan3A_52, %mul3A_55 : i32
      %swap3A = arith.index_cast %mul3A_56 : i32 to index
      %swap3A_57 = tpu.vector_load %arg8[%swap3A] {strides = array<i32>} : memref<128xf32, #tpu.memory_space<vmem>>, vector<16xf32>,
      %swap3A_58 = vector.shape_cast %swap3A_57 : vector<16xf32> to vector<16xf32>
      %swap3A_59 = vector.shape_cast %broadcast_in_dim3A_54 : vector<16xf32> to vector<16xf32>
      tpu.vector_store %arg8[%swap3A], %swap3A_59 {strides = array<i32>} : memref<128xf32, #tpu.memory_space<vmem>>, vector<16xf32>,
      %scan3A_60 = arith.constant 0 : i32
      scf.yield %scan3A_60 : i32
    }
    %scan3A_5 = arith.constant 8 : i32
    %scan3A_6 = arith.constant 0 : i32
    %scan3A_7 = arith.constant 0 : i32
    %scan3A_8 = arith.constant 40 : i32
    %scan3A_9 = arith.addi %scan3A_7, %scan3A_8 : i32
    %scan3A_10 = arith.constant 1 : i32
    %scan3A_11 = scf.for %scan3A_52 = %scan3A_7 to %scan3A_9 step %scan3A_10 iter_args(%scan3A_53 = %scan3A_6) -> (i32)  : i32 {
      %broadcast_in_dim3A = arith.constant 0.000000e+00 : f32
      %broadcast_in_dim3A_54 = vector.broadcast %broadcast_in_dim3A : f32 to vector<16xf32>
      %mul3A_55 = arith.constant 16 : i32
      %mul3A_56 = arith.muli %scan3A_52, %mul3A_55 : i32
      %swap3A = arith.index_cast %mul3A_56 : i32 to index
      %swap3A_57 = tpu.vector_load %arg9[%swap3A] {strides = array<i32>} : memref<640xf32, #tpu.memory_space<vmem>>, vector<16xf32>,
      %swap3A_58 = vector.shape_cast %swap3A_57 : vector<16xf32> to vector<16xf32>
      %swap3A_59 = vector.shape_cast %broadcast_in_dim3A_54 : vector<16xf32> to vector<16xf32>
      tpu.vector_store %arg9[%swap3A], %swap3A_59 {strides = array<i32>} : memref<640xf32, #tpu.memory_space<vmem>>, vector<16xf32>,
      %scan3A_60 = arith.constant 0 : i32
      scf.yield %scan3A_60 : i32
    }
    %scan3A_12 = arith.constant 40 : i32
    %mul3A = arith.constant 640 : i32
    %mul3A_13 = arith.muli %arg1, %mul3A : i32
    "tpu.region"() ({
      %run_scoped3A = tpu.sem_alloc : memref<!tpu.dma_semaphore, #tpu.memory_space<semaphore_mem>>
      %dma_start3A_52 = tpu.memref_slice %arg10[%mul3A_13] : memref<10240xf32, #tpu.memory_space<vmem_shared>> -> memref<640xf32, #tpu.memory_space<vmem_shared>>
      %dma_start3A_53 = tpu.memref_slice %arg10[%mul3A_13] : memref<10240xf32, #tpu.memory_space<vmem_shared>> -> memref<640xf32, #tpu.memory_space<vmem_shared>>
      tpu.enqueue_dma source(%arg9 : memref<640xf32, #tpu.memory_space<vmem>>) target(%dma_start3A_53 : memref<640xf32, #tpu.memory_space<vmem_shared>>) target_semaphore(%run_scoped3A : memref<!tpu.dma_semaphore, #tpu.memory_space<semaphore_mem>>)
      %dma_wait3A = tpu.memref_slice %arg10[%mul3A_13] : memref<10240xf32, #tpu.memory_space<vmem_shared>> -> memref<640xf32, #tpu.memory_space<vmem_shared>>
      %dma_wait3A_54 = tpu.memref_slice %arg10[%mul3A_13] : memref<10240xf32, #tpu.memory_space<vmem_shared>> -> memref<640xf32, #tpu.memory_space<vmem_shared>>
      tpu.wait_dma2 semaphore(%run_scoped3A : memref<!tpu.dma_semaphore, #tpu.memory_space<semaphore_mem>>) src(%arg9 : memref<640xf32, #tpu.memory_space<vmem>>) dst(%dma_wait3A_54 : memref<640xf32, #tpu.memory_space<vmem_shared>>)
      tpu.yield
    }) : () -> ()
    %barrier3A = arith.constant 0 : index
    tpu.barrier barrier_id(%barrier3A)
    %mul3A_14 = arith.constant 160 : i32
    %mul3A_15 = arith.muli %arg1, %mul3A_14 : i32
    %add3A = arith.constant 0 : i32
    %add3A_16 = arith.addi %mul3A_15, %add3A : i32
    "tpu.region"() ({
      %run_scoped3A = tpu.sem_alloc : memref<!tpu.dma_semaphore, #tpu.memory_space<semaphore_mem>>
      %dma_start3A_52 = arith.constant 0 : i32
      %dma_start3A_53 = arith.constant 0 : i32
      %dma_start3A_54 = tpu.memref_slice %arg2[%add3A_16, %dma_start3A_52, %dma_start3A_53] : memref<2560x2x128xi32, #tpu.memory_space<hbm>> -> memref<1x2x128xi32, #tpu.memory_space<hbm>>
      %dma_start3A_55 = tpu.memref_squeeze %dma_start3A_54 : memref<1x2x128xi32, #tpu.memory_space<hbm>> -> memref<2x128xi32, #tpu.memory_space<hbm>>
      %dma_start3A_56 = arith.constant 0 : i32
      %dma_start3A_57 = arith.constant 0 : i32
      %dma_start3A_58 = tpu.memref_slice %arg2[%add3A_16, %dma_start3A_56, %dma_start3A_57] : memref<2560x2x128xi32, #tpu.memory_space<hbm>> -> memref<1x2x128xi32, #tpu.memory_space<hbm>>
      %dma_start3A_59 = tpu.memref_squeeze %dma_start3A_58 : memref<1x2x128xi32, #tpu.memory_space<hbm>> -> memref<2x128xi32, #tpu.memory_space<hbm>>
      tpu.enqueue_dma source(%dma_start3A_59 : memref<2x128xi32, #tpu.memory_space<hbm>>) target(%arg4 : memref<2x128xi32, #tpu.memory_space<vmem>>) target_semaphore(%run_scoped3A : memref<!tpu.dma_semaphore, #tpu.memory_space<semaphore_mem>>)
      %dma_wait3A = arith.constant 0 : i32
      %dma_wait3A_60 = arith.constant 0 : i32
      %dma_wait3A_61 = tpu.memref_slice %arg2[%add3A_16, %dma_wait3A, %dma_wait3A_60] : memref<2560x2x128xi32, #tpu.memory_space<hbm>> -> memref<1x2x128xi32, #tpu.memory_space<hbm>>
      %dma_wait3A_62 = tpu.memref_squeeze %dma_wait3A_61 : memref<1x2x128xi32, #tpu.memory_space<hbm>> -> memref<2x128xi32, #tpu.memory_space<hbm>>
      %dma_wait3A_63 = arith.constant 0 : i32
      %dma_wait3A_64 = arith.constant 0 : i32
      %dma_wait3A_65 = tpu.memref_slice %arg2[%add3A_16, %dma_wait3A_63, %dma_wait3A_64] : memref<2560x2x128xi32, #tpu.memory_space<hbm>> -> memref<1x2x128xi32, #tpu.memory_space<hbm>>
      %dma_wait3A_66 = tpu.memref_squeeze %dma_wait3A_65 : memref<1x2x128xi32, #tpu.memory_space<hbm>> -> memref<2x128xi32, #tpu.memory_space<hbm>>
      tpu.wait_dma2 semaphore(%run_scoped3A : memref<!tpu.dma_semaphore, #tpu.memory_space<semaphore_mem>>) src(%dma_wait3A_66 : memref<2x128xi32, #tpu.memory_space<hbm>>) dst(%arg4 : memref<2x128xi32, #tpu.memory_space<vmem>>)
      tpu.yield
    }) : () -> ()
    %dma_start3A = arith.constant 0 : i32
    %dma_start3A_17 = tpu.memref_slice %arg4[%arg0, %dma_start3A] : memref<2x128xi32, #tpu.memory_space<vmem>> -> memref<1x128xi32, #tpu.memory_space<vmem>>
    %dma_start3A_18 = tpu.memref_squeeze %dma_start3A_17 : memref<1x128xi32, #tpu.memory_space<vmem>> -> memref<128xi32, #tpu.memory_space<vmem>>
    %dma_start3A_19 = arith.constant 0 : i32
    %dma_start3A_20 = tpu.memref_slice %arg10[%dma_start3A_19] : memref<10240xf32, #tpu.memory_space<vmem_shared>> -> memref<10240xf32, #tpu.memory_space<vmem_shared>>
    tpu.enqueue_indirect_dma source(%arg8 : memref<128xf32, #tpu.memory_space<vmem>>) target(%dma_start3A_20 : memref<10240xf32, #tpu.memory_space<vmem_shared>>) offsets(%dma_start3A_18 : memref<128xi32, #tpu.memory_space<vmem>>) semaphore(%arg11 : memref<!tpu.dma_semaphore, #tpu.memory_space<semaphore_mem>>) {add = true}
    %add3A_21 = arith.constant 1 : i32
    %add3A_22 = arith.addi %mul3A_15, %add3A_21 : i32
    "tpu.region"() ({
      %run_scoped3A = tpu.sem_alloc : memref<!tpu.dma_semaphore, #tpu.memory_space<semaphore_mem>>
      %dma_start3A_52 = arith.constant 0 : i32
      %dma_start3A_53 = arith.constant 0 : i32
      %dma_start3A_54 = tpu.memref_slice %arg2[%add3A_22, %dma_start3A_52, %dma_start3A_53] : memref<2560x2x128xi32, #tpu.memory_space<hbm>> -> memref<1x2x128xi32, #tpu.memory_space<hbm>>
      %dma_start3A_55 = tpu.memref_squeeze %dma_start3A_54 : memref<1x2x128xi32, #tpu.memory_space<hbm>> -> memref<2x128xi32, #tpu.memory_space<hbm>>
      %dma_start3A_56 = arith.constant 0 : i32
      %dma_start3A_57 = arith.constant 0 : i32
      %dma_start3A_58 = tpu.memref_slice %arg2[%add3A_22, %dma_start3A_56, %dma_start3A_57] : memref<2560x2x128xi32, #tpu.memory_space<hbm>> -> memref<1x2x128xi32, #tpu.memory_space<hbm>>
      %dma_start3A_59 = tpu.memref_squeeze %dma_start3A_58 : memref<1x2x128xi32, #tpu.memory_space<hbm>> -> memref<2x128xi32, #tpu.memory_space<hbm>>
      tpu.enqueue_dma source(%dma_start3A_59 : memref<2x128xi32, #tpu.memory_space<hbm>>) target(%arg5 : memref<2x128xi32, #tpu.memory_space<vmem>>) target_semaphore(%run_scoped3A : memref<!tpu.dma_semaphore, #tpu.memory_space<semaphore_mem>>)
      %dma_wait3A = arith.constant 0 : i32
      %dma_wait3A_60 = arith.constant 0 : i32
      %dma_wait3A_61 = tpu.memref_slice %arg2[%add3A_22, %dma_wait3A, %dma_wait3A_60] : memref<2560x2x128xi32, #tpu.memory_space<hbm>> -> memref<1x2x128xi32, #tpu.memory_space<hbm>>
      %dma_wait3A_62 = tpu.memref_squeeze %dma_wait3A_61 : memref<1x2x128xi32, #tpu.memory_space<hbm>> -> memref<2x128xi32, #tpu.memory_space<hbm>>
      %dma_wait3A_63 = arith.constant 0 : i32
      %dma_wait3A_64 = arith.constant 0 : i32
      %dma_wait3A_65 = tpu.memref_slice %arg2[%add3A_22, %dma_wait3A_63, %dma_wait3A_64] : memref<2560x2x128xi32, #tpu.memory_space<hbm>> -> memref<1x2x128xi32, #tpu.memory_space<hbm>>
      %dma_wait3A_66 = tpu.memref_squeeze %dma_wait3A_65 : memref<1x2x128xi32, #tpu.memory_space<hbm>> -> memref<2x128xi32, #tpu.memory_space<hbm>>
      tpu.wait_dma2 semaphore(%run_scoped3A : memref<!tpu.dma_semaphore, #tpu.memory_space<semaphore_mem>>) src(%dma_wait3A_66 : memref<2x128xi32, #tpu.memory_space<hbm>>) dst(%arg5 : memref<2x128xi32, #tpu.memory_space<vmem>>)
      tpu.yield
    }) : () -> ()
    %dma_start3A_23 = arith.constant 0 : i32
    %dma_start3A_24 = tpu.memref_slice %arg5[%arg0, %dma_start3A_23] : memref<2x128xi32, #tpu.memory_space<vmem>> -> memref<1x128xi32, #tpu.memory_space<vmem>>
    %dma_start3A_25 = tpu.memref_squeeze %dma_start3A_24 : memref<1x128xi32, #tpu.memory_space<vmem>> -> memref<128xi32, #tpu.memory_space<vmem>>
    %dma_start3A_26 = arith.constant 0 : i32
    %dma_start3A_27 = tpu.memref_slice %arg10[%dma_start3A_26] : memref<10240xf32, #tpu.memory_space<vmem_shared>> -> memref<10240xf32, #tpu.memory_space<vmem_shared>>
    tpu.enqueue_indirect_dma source(%arg8 : memref<128xf32, #tpu.memory_space<vmem>>) target(%dma_start3A_27 : memref<10240xf32, #tpu.memory_space<vmem_shared>>) offsets(%dma_start3A_25 : memref<128xi32, #tpu.memory_space<vmem>>) semaphore(%arg12 : memref<!tpu.dma_semaphore, #tpu.memory_space<semaphore_mem>>) {add = true}
    %add3A_28 = arith.constant 2 : i32
    %add3A_29 = arith.addi %mul3A_15, %add3A_28 : i32
    "tpu.region"() ({
      %run_scoped3A = tpu.sem_alloc : memref<!tpu.dma_semaphore, #tpu.memory_space<semaphore_mem>>
      %dma_start3A_52 = arith.constant 0 : i32
      %dma_start3A_53 = arith.constant 0 : i32
      %dma_start3A_54 = tpu.memref_slice %arg2[%add3A_29, %dma_start3A_52, %dma_start3A_53] : memref<2560x2x128xi32, #tpu.memory_space<hbm>> -> memref<1x2x128xi32, #tpu.memory_space<hbm>>
      %dma_start3A_55 = tpu.memref_squeeze %dma_start3A_54 : memref<1x2x128xi32, #tpu.memory_space<hbm>> -> memref<2x128xi32, #tpu.memory_space<hbm>>
      %dma_start3A_56 = arith.constant 0 : i32
      %dma_start3A_57 = arith.constant 0 : i32
      %dma_start3A_58 = tpu.memref_slice %arg2[%add3A_29, %dma_start3A_56, %dma_start3A_57] : memref<2560x2x128xi32, #tpu.memory_space<hbm>> -> memref<1x2x128xi32, #tpu.memory_space<hbm>>
      %dma_start3A_59 = tpu.memref_squeeze %dma_start3A_58 : memref<1x2x128xi32, #tpu.memory_space<hbm>> -> memref<2x128xi32, #tpu.memory_space<hbm>>
      tpu.enqueue_dma source(%dma_start3A_59 : memref<2x128xi32, #tpu.memory_space<hbm>>) target(%arg6 : memref<2x128xi32, #tpu.memory_space<vmem>>) target_semaphore(%run_scoped3A : memref<!tpu.dma_semaphore, #tpu.memory_space<semaphore_mem>>)
      %dma_wait3A = arith.constant 0 : i32
      %dma_wait3A_60 = arith.constant 0 : i32
      %dma_wait3A_61 = tpu.memref_slice %arg2[%add3A_29, %dma_wait3A, %dma_wait3A_60] : memref<2560x2x128xi32, #tpu.memory_space<hbm>> -> memref<1x2x128xi32, #tpu.memory_space<hbm>>
      %dma_wait3A_62 = tpu.memref_squeeze %dma_wait3A_61 : memref<1x2x128xi32, #tpu.memory_space<hbm>> -> memref<2x128xi32, #tpu.memory_space<hbm>>
      %dma_wait3A_63 = arith.constant 0 : i32
      %dma_wait3A_64 = arith.constant 0 : i32
      %dma_wait3A_65 = tpu.memref_slice %arg2[%add3A_29, %dma_wait3A_63, %dma_wait3A_64] : memref<2560x2x128xi32, #tpu.memory_space<hbm>> -> memref<1x2x128xi32, #tpu.memory_space<hbm>>
      %dma_wait3A_66 = tpu.memref_squeeze %dma_wait3A_65 : memref<1x2x128xi32, #tpu.memory_space<hbm>> -> memref<2x128xi32, #tpu.memory_space<hbm>>
      tpu.wait_dma2 semaphore(%run_scoped3A : memref<!tpu.dma_semaphore, #tpu.memory_space<semaphore_mem>>) src(%dma_wait3A_66 : memref<2x128xi32, #tpu.memory_space<hbm>>) dst(%arg6 : memref<2x128xi32, #tpu.memory_space<vmem>>)
      tpu.yield
    }) : () -> ()
    %dma_start3A_30 = arith.constant 0 : i32
    %dma_start3A_31 = tpu.memref_slice %arg6[%arg0, %dma_start3A_30] : memref<2x128xi32, #tpu.memory_space<vmem>> -> memref<1x128xi32, #tpu.memory_space<vmem>>
    %dma_start3A_32 = tpu.memref_squeeze %dma_start3A_31 : memref<1x128xi32, #tpu.memory_space<vmem>> -> memref<128xi32, #tpu.memory_space<vmem>>
    %dma_start3A_33 = arith.constant 0 : i32
    %dma_start3A_34 = tpu.memref_slice %arg10[%dma_start3A_33] : memref<10240xf32, #tpu.memory_space<vmem_shared>> -> memref<10240xf32, #tpu.memory_space<vmem_shared>>
    tpu.enqueue_indirect_dma source(%arg8 : memref<128xf32, #tpu.memory_space<vmem>>) target(%dma_start3A_34 : memref<10240xf32, #tpu.memory_space<vmem_shared>>) offsets(%dma_start3A_32 : memref<128xi32, #tpu.memory_space<vmem>>) semaphore(%arg13 : memref<!tpu.dma_semaphore, #tpu.memory_space<semaphore_mem>>) {add = true}
    %add3A_35 = arith.constant 3 : i32
    %add3A_36 = arith.addi %mul3A_15, %add3A_35 : i32
    "tpu.region"() ({
      %run_scoped3A = tpu.sem_alloc : memref<!tpu.dma_semaphore, #tpu.memory_space<semaphore_mem>>
      %dma_start3A_52 = arith.constant 0 : i32
      %dma_start3A_53 = arith.constant 0 : i32
      %dma_start3A_54 = tpu.memref_slice %arg2[%add3A_36, %dma_start3A_52, %dma_start3A_53] : memref<2560x2x128xi32, #tpu.memory_space<hbm>> -> memref<1x2x128xi32, #tpu.memory_space<hbm>>
      %dma_start3A_55 = tpu.memref_squeeze %dma_start3A_54 : memref<1x2x128xi32, #tpu.memory_space<hbm>> -> memref<2x128xi32, #tpu.memory_space<hbm>>
      %dma_start3A_56 = arith.constant 0 : i32
      %dma_start3A_57 = arith.constant 0 : i32
      %dma_start3A_58 = tpu.memref_slice %arg2[%add3A_36, %dma_start3A_56, %dma_start3A_57] : memref<2560x2x128xi32, #tpu.memory_space<hbm>> -> memref<1x2x128xi32, #tpu.memory_space<hbm>>
      %dma_start3A_59 = tpu.memref_squeeze %dma_start3A_58 : memref<1x2x128xi32, #tpu.memory_space<hbm>> -> memref<2x128xi32, #tpu.memory_space<hbm>>
      tpu.enqueue_dma source(%dma_start3A_59 : memref<2x128xi32, #tpu.memory_space<hbm>>) target(%arg7 : memref<2x128xi32, #tpu.memory_space<vmem>>) target_semaphore(%run_scoped3A : memref<!tpu.dma_semaphore, #tpu.memory_space<semaphore_mem>>)
      %dma_wait3A = arith.constant 0 : i32
      %dma_wait3A_60 = arith.constant 0 : i32
      %dma_wait3A_61 = tpu.memref_slice %arg2[%add3A_36, %dma_wait3A, %dma_wait3A_60] : memref<2560x2x128xi32, #tpu.memory_space<hbm>> -> memref<1x2x128xi32, #tpu.memory_space<hbm>>
      %dma_wait3A_62 = tpu.memref_squeeze %dma_wait3A_61 : memref<1x2x128xi32, #tpu.memory_space<hbm>> -> memref<2x128xi32, #tpu.memory_space<hbm>>
      %dma_wait3A_63 = arith.constant 0 : i32
      %dma_wait3A_64 = arith.constant 0 : i32
      %dma_wait3A_65 = tpu.memref_slice %arg2[%add3A_36, %dma_wait3A_63, %dma_wait3A_64] : memref<2560x2x128xi32, #tpu.memory_space<hbm>> -> memref<1x2x128xi32, #tpu.memory_space<hbm>>
      %dma_wait3A_66 = tpu.memref_squeeze %dma_wait3A_65 : memref<1x2x128xi32, #tpu.memory_space<hbm>> -> memref<2x128xi32, #tpu.memory_space<hbm>>
      tpu.wait_dma2 semaphore(%run_scoped3A : memref<!tpu.dma_semaphore, #tpu.memory_space<semaphore_mem>>) src(%dma_wait3A_66 : memref<2x128xi32, #tpu.memory_space<hbm>>) dst(%arg7 : memref<2x128xi32, #tpu.memory_space<vmem>>)
      tpu.yield
    }) : () -> ()
    %dma_start3A_37 = arith.constant 0 : i32
    %dma_start3A_38 = tpu.memref_slice %arg7[%arg0, %dma_start3A_37] : memref<2x128xi32, #tpu.memory_space<vmem>> -> memref<1x128xi32, #tpu.memory_space<vmem>>
    %dma_start3A_39 = tpu.memref_squeeze %dma_start3A_38 : memref<1x128xi32, #tpu.memory_space<vmem>> -> memref<128xi32, #tpu.memory_space<vmem>>
    %dma_start3A_40 = arith.constant 0 : i32
    %dma_start3A_41 = tpu.memref_slice %arg10[%dma_start3A_40] : memref<10240xf32, #tpu.memory_space<vmem_shared>> -> memref<10240xf32, #tpu.memory_space<vmem_shared>>
    tpu.enqueue_indirect_dma source(%arg8 : memref<128xf32, #tpu.memory_space<vmem>>) target(%dma_start3A_41 : memref<10240xf32, #tpu.memory_space<vmem_shared>>) offsets(%dma_start3A_39 : memref<128xi32, #tpu.memory_space<vmem>>) semaphore(%arg14 : memref<!tpu.dma_semaphore, #tpu.memory_space<semaphore_mem>>) {add = true}
    %scan3A_42 = arith.constant 0 : i32
    %scan3A_43 = arith.constant 0 : i32
    %scan3A_44 = arith.constant 40 : i32
    %scan3A_45 = arith.addi %scan3A_43, %scan3A_44 : i32
    %scan3A_46 = arith.constant 1 : i32
    %scan3A_47 = scf.for %scan3A_52 = %scan3A_43 to %scan3A_45 step %scan3A_46 iter_args(%scan3A_53 = %scan3A_42) -> (i32)  : i32 {
      %dma_wait3A = arith.constant 0 : i32
      %dma_wait3A_54 = tpu.memref_slice %arg4[%arg0, %dma_wait3A] : memref<2x128xi32, #tpu.memory_space<vmem>> -> memref<1x128xi32, #tpu.memory_space<vmem>>
      %dma_wait3A_55 = tpu.memref_squeeze %dma_wait3A_54 : memref<1x128xi32, #tpu.memory_space<vmem>> -> memref<128xi32, #tpu.memory_space<vmem>>
      %dma_wait3A_56 = arith.constant 0 : i32
      %dma_wait3A_57 = tpu.memref_slice %arg10[%dma_wait3A_56] : memref<10240xf32, #tpu.memory_space<vmem_shared>> -> memref<10240xf32, #tpu.memory_space<vmem_shared>>
      tpu.wait_indirect_dma semaphore(%arg11 : memref<!tpu.dma_semaphore, #tpu.memory_space<semaphore_mem>>) src(%arg8 : memref<128xf32, #tpu.memory_space<vmem>>) dst(%dma_wait3A_57 : memref<10240xf32, #tpu.memory_space<vmem_shared>>)
      %add3A_58 = arith.constant 1 : i32
      %add3A_59 = arith.addi %scan3A_52, %add3A_58 : i32
      %lt3A = arith.constant 40 : i32
      %lt3A_60 = arith.cmpi slt, %add3A_59, %lt3A : i32
      %convert_element_type3A = arith.extui %lt3A_60 : i1 to i32
      %cond3A = arith.constant 0 : i32
      %cond3A_61 = arith.cmpi ne, %convert_element_type3A, %cond3A : i32
      scf.if %cond3A_61 {
        %add3A_99 = arith.constant 1 : i32
        %add3A_100 = arith.addi %scan3A_52, %add3A_99 : i32
        %mul3A_101 = arith.constant 4 : i32
        %mul3A_102 = arith.muli %mul3A_101, %add3A_100 : i32
        %add3A_103 = arith.addi %mul3A_15, %mul3A_102 : i32
        %add3A_104 = arith.constant 0 : i32
        %add3A_105 = arith.addi %add3A_103, %add3A_104 : i32
        "tpu.region"() ({
          %run_scoped3A = tpu.sem_alloc : memref<!tpu.dma_semaphore, #tpu.memory_space<semaphore_mem>>
          %dma_start3A_111 = arith.constant 0 : i32
          %dma_start3A_112 = arith.constant 0 : i32
          %dma_start3A_113 = tpu.memref_slice %arg2[%add3A_105, %dma_start3A_111, %dma_start3A_112] : memref<2560x2x128xi32, #tpu.memory_space<hbm>> -> memref<1x2x128xi32, #tpu.memory_space<hbm>>
          %dma_start3A_114 = tpu.memref_squeeze %dma_start3A_113 : memref<1x2x128xi32, #tpu.memory_space<hbm>> -> memref<2x128xi32, #tpu.memory_space<hbm>>
          %dma_start3A_115 = arith.constant 0 : i32
          %dma_start3A_116 = arith.constant 0 : i32
          %dma_start3A_117 = tpu.memref_slice %arg2[%add3A_105, %dma_start3A_115, %dma_start3A_116] : memref<2560x2x128xi32, #tpu.memory_space<hbm>> -> memref<1x2x128xi32, #tpu.memory_space<hbm>>
          %dma_start3A_118 = tpu.memref_squeeze %dma_start3A_117 : memref<1x2x128xi32, #tpu.memory_space<hbm>> -> memref<2x128xi32, #tpu.memory_space<hbm>>
          tpu.enqueue_dma source(%dma_start3A_118 : memref<2x128xi32, #tpu.memory_space<hbm>>) target(%arg4 : memref<2x128xi32, #tpu.memory_space<vmem>>) target_semaphore(%run_scoped3A : memref<!tpu.dma_semaphore, #tpu.memory_space<semaphore_mem>>)
          %dma_wait3A_119 = arith.constant 0 : i32
          %dma_wait3A_120 = arith.constant 0 : i32
          %dma_wait3A_121 = tpu.memref_slice %arg2[%add3A_105, %dma_wait3A_119, %dma_wait3A_120] : memref<2560x2x128xi32, #tpu.memory_space<hbm>> -> memref<1x2x128xi32, #tpu.memory_space<hbm>>
          %dma_wait3A_122 = tpu.memref_squeeze %dma_wait3A_121 : memref<1x2x128xi32, #tpu.memory_space<hbm>> -> memref<2x128xi32, #tpu.memory_space<hbm>>
          %dma_wait3A_123 = arith.constant 0 : i32
          %dma_wait3A_124 = arith.constant 0 : i32
          %dma_wait3A_125 = tpu.memref_slice %arg2[%add3A_105, %dma_wait3A_123, %dma_wait3A_124] : memref<2560x2x128xi32, #tpu.memory_space<hbm>> -> memref<1x2x128xi32, #tpu.memory_space<hbm>>
          %dma_wait3A_126 = tpu.memref_squeeze %dma_wait3A_125 : memref<1x2x128xi32, #tpu.memory_space<hbm>> -> memref<2x128xi32, #tpu.memory_space<hbm>>
          tpu.wait_dma2 semaphore(%run_scoped3A : memref<!tpu.dma_semaphore, #tpu.memory_space<semaphore_mem>>) src(%dma_wait3A_126 : memref<2x128xi32, #tpu.memory_space<hbm>>) dst(%arg4 : memref<2x128xi32, #tpu.memory_space<vmem>>)
          tpu.yield
        }) : () -> ()
        %dma_start3A_106 = arith.constant 0 : i32
        %dma_start3A_107 = tpu.memref_slice %arg4[%arg0, %dma_start3A_106] : memref<2x128xi32, #tpu.memory_space<vmem>> -> memref<1x128xi32, #tpu.memory_space<vmem>>
        %dma_start3A_108 = tpu.memref_squeeze %dma_start3A_107 : memref<1x128xi32, #tpu.memory_space<vmem>> -> memref<128xi32, #tpu.memory_space<vmem>>
        %dma_start3A_109 = arith.constant 0 : i32
        %dma_start3A_110 = tpu.memref_slice %arg10[%dma_start3A_109] : memref<10240xf32, #tpu.memory_space<vmem_shared>> -> memref<10240xf32, #tpu.memory_space<vmem_shared>>
        tpu.enqueue_indirect_dma source(%arg8 : memref<128xf32, #tpu.memory_space<vmem>>) target(%dma_start3A_110 : memref<10240xf32, #tpu.memory_space<vmem_shared>>) offsets(%dma_start3A_108 : memref<128xi32, #tpu.memory_space<vmem>>) semaphore(%arg11 : memref<!tpu.dma_semaphore, #tpu.memory_space<semaphore_mem>>) {add = true}
      } else {
      }
      %dma_wait3A_62 = arith.constant 0 : i32
      %dma_wait3A_63 = tpu.memref_slice %arg5[%arg0, %dma_wait3A_62] : memref<2x128xi32, #tpu.memory_space<vmem>> -> memref<1x128xi32, #tpu.memory_space<vmem>>
      %dma_wait3A_64 = tpu.memref_squeeze %dma_wait3A_63 : memref<1x128xi32, #tpu.memory_space<vmem>> -> memref<128xi32, #tpu.memory_space<vmem>>
      %dma_wait3A_65 = arith.constant 0 : i32
      %dma_wait3A_66 = tpu.memref_slice %arg10[%dma_wait3A_65] : memref<10240xf32, #tpu.memory_space<vmem_shared>> -> memref<10240xf32, #tpu.memory_space<vmem_shared>>
      tpu.wait_indirect_dma semaphore(%arg12 : memref<!tpu.dma_semaphore, #tpu.memory_space<semaphore_mem>>) src(%arg8 : memref<128xf32, #tpu.memory_space<vmem>>) dst(%dma_wait3A_66 : memref<10240xf32, #tpu.memory_space<vmem_shared>>)
      %add3A_67 = arith.constant 1 : i32
      %add3A_68 = arith.addi %scan3A_52, %add3A_67 : i32
      %lt3A_69 = arith.constant 40 : i32
      %lt3A_70 = arith.cmpi slt, %add3A_68, %lt3A_69 : i32
      %convert_element_type3A_71 = arith.extui %lt3A_70 : i1 to i32
      %cond3A_72 = arith.constant 0 : i32
      %cond3A_73 = arith.cmpi ne, %convert_element_type3A_71, %cond3A_72 : i32
      scf.if %cond3A_73 {
        %add3A_99 = arith.constant 1 : i32
        %add3A_100 = arith.addi %scan3A_52, %add3A_99 : i32
        %mul3A_101 = arith.constant 4 : i32
        %mul3A_102 = arith.muli %mul3A_101, %add3A_100 : i32
        %add3A_103 = arith.addi %mul3A_15, %mul3A_102 : i32
        %add3A_104 = arith.constant 1 : i32
        %add3A_105 = arith.addi %add3A_103, %add3A_104 : i32
        "tpu.region"() ({
          %run_scoped3A = tpu.sem_alloc : memref<!tpu.dma_semaphore, #tpu.memory_space<semaphore_mem>>
          %dma_start3A_111 = arith.constant 0 : i32
          %dma_start3A_112 = arith.constant 0 : i32
          %dma_start3A_113 = tpu.memref_slice %arg2[%add3A_105, %dma_start3A_111, %dma_start3A_112] : memref<2560x2x128xi32, #tpu.memory_space<hbm>> -> memref<1x2x128xi32, #tpu.memory_space<hbm>>
          %dma_start3A_114 = tpu.memref_squeeze %dma_start3A_113 : memref<1x2x128xi32, #tpu.memory_space<hbm>> -> memref<2x128xi32, #tpu.memory_space<hbm>>
          %dma_start3A_115 = arith.constant 0 : i32
          %dma_start3A_116 = arith.constant 0 : i32
          %dma_start3A_117 = tpu.memref_slice %arg2[%add3A_105, %dma_start3A_115, %dma_start3A_116] : memref<2560x2x128xi32, #tpu.memory_space<hbm>> -> memref<1x2x128xi32, #tpu.memory_space<hbm>>
          %dma_start3A_118 = tpu.memref_squeeze %dma_start3A_117 : memref<1x2x128xi32, #tpu.memory_space<hbm>> -> memref<2x128xi32, #tpu.memory_space<hbm>>
          tpu.enqueue_dma source(%dma_start3A_118 : memref<2x128xi32, #tpu.memory_space<hbm>>) target(%arg5 : memref<2x128xi32, #tpu.memory_space<vmem>>) target_semaphore(%run_scoped3A : memref<!tpu.dma_semaphore, #tpu.memory_space<semaphore_mem>>)
          %dma_wait3A_119 = arith.constant 0 : i32
          %dma_wait3A_120 = arith.constant 0 : i32
          %dma_wait3A_121 = tpu.memref_slice %arg2[%add3A_105, %dma_wait3A_119, %dma_wait3A_120] : memref<2560x2x128xi32, #tpu.memory_space<hbm>> -> memref<1x2x128xi32, #tpu.memory_space<hbm>>
          %dma_wait3A_122 = tpu.memref_squeeze %dma_wait3A_121 : memref<1x2x128xi32, #tpu.memory_space<hbm>> -> memref<2x128xi32, #tpu.memory_space<hbm>>
          %dma_wait3A_123 = arith.constant 0 : i32
          %dma_wait3A_124 = arith.constant 0 : i32
          %dma_wait3A_125 = tpu.memref_slice %arg2[%add3A_105, %dma_wait3A_123, %dma_wait3A_124] : memref<2560x2x128xi32, #tpu.memory_space<hbm>> -> memref<1x2x128xi32, #tpu.memory_space<hbm>>
          %dma_wait3A_126 = tpu.memref_squeeze %dma_wait3A_125 : memref<1x2x128xi32, #tpu.memory_space<hbm>> -> memref<2x128xi32, #tpu.memory_space<hbm>>
          tpu.wait_dma2 semaphore(%run_scoped3A : memref<!tpu.dma_semaphore, #tpu.memory_space<semaphore_mem>>) src(%dma_wait3A_126 : memref<2x128xi32, #tpu.memory_space<hbm>>) dst(%arg5 : memref<2x128xi32, #tpu.memory_space<vmem>>)
          tpu.yield
        }) : () -> ()
        %dma_start3A_106 = arith.constant 0 : i32
        %dma_start3A_107 = tpu.memref_slice %arg5[%arg0, %dma_start3A_106] : memref<2x128xi32, #tpu.memory_space<vmem>> -> memref<1x128xi32, #tpu.memory_space<vmem>>
        %dma_start3A_108 = tpu.memref_squeeze %dma_start3A_107 : memref<1x128xi32, #tpu.memory_space<vmem>> -> memref<128xi32, #tpu.memory_space<vmem>>
        %dma_start3A_109 = arith.constant 0 : i32
        %dma_start3A_110 = tpu.memref_slice %arg10[%dma_start3A_109] : memref<10240xf32, #tpu.memory_space<vmem_shared>> -> memref<10240xf32, #tpu.memory_space<vmem_shared>>
        tpu.enqueue_indirect_dma source(%arg8 : memref<128xf32, #tpu.memory_space<vmem>>) target(%dma_start3A_110 : memref<10240xf32, #tpu.memory_space<vmem_shared>>) offsets(%dma_start3A_108 : memref<128xi32, #tpu.memory_space<vmem>>) semaphore(%arg12 : memref<!tpu.dma_semaphore, #tpu.memory_space<semaphore_mem>>) {add = true}
      } else {
      }
      %dma_wait3A_74 = arith.constant 0 : i32
      %dma_wait3A_75 = tpu.memref_slice %arg6[%arg0, %dma_wait3A_74] : memref<2x128xi32, #tpu.memory_space<vmem>> -> memref<1x128xi32, #tpu.memory_space<vmem>>
      %dma_wait3A_76 = tpu.memref_squeeze %dma_wait3A_75 : memref<1x128xi32, #tpu.memory_space<vmem>> -> memref<128xi32, #tpu.memory_space<vmem>>
      %dma_wait3A_77 = arith.constant 0 : i32
      %dma_wait3A_78 = tpu.memref_slice %arg10[%dma_wait3A_77] : memref<10240xf32, #tpu.memory_space<vmem_shared>> -> memref<10240xf32, #tpu.memory_space<vmem_shared>>
      tpu.wait_indirect_dma semaphore(%arg13 : memref<!tpu.dma_semaphore, #tpu.memory_space<semaphore_mem>>) src(%arg8 : memref<128xf32, #tpu.memory_space<vmem>>) dst(%dma_wait3A_78 : memref<10240xf32, #tpu.memory_space<vmem_shared>>)
      %add3A_79 = arith.constant 1 : i32
      %add3A_80 = arith.addi %scan3A_52, %add3A_79 : i32
      %lt3A_81 = arith.constant 40 : i32
      %lt3A_82 = arith.cmpi slt, %add3A_80, %lt3A_81 : i32
      %convert_element_type3A_83 = arith.extui %lt3A_82 : i1 to i32
      %cond3A_84 = arith.constant 0 : i32
      %cond3A_85 = arith.cmpi ne, %convert_element_type3A_83, %cond3A_84 : i32
      scf.if %cond3A_85 {
        %add3A_99 = arith.constant 1 : i32
        %add3A_100 = arith.addi %scan3A_52, %add3A_99 : i32
        %mul3A_101 = arith.constant 4 : i32
        %mul3A_102 = arith.muli %mul3A_101, %add3A_100 : i32
        %add3A_103 = arith.addi %mul3A_15, %mul3A_102 : i32
        %add3A_104 = arith.constant 2 : i32
        %add3A_105 = arith.addi %add3A_103, %add3A_104 : i32
        "tpu.region"() ({
          %run_scoped3A = tpu.sem_alloc : memref<!tpu.dma_semaphore, #tpu.memory_space<semaphore_mem>>
          %dma_start3A_111 = arith.constant 0 : i32
          %dma_start3A_112 = arith.constant 0 : i32
          %dma_start3A_113 = tpu.memref_slice %arg2[%add3A_105, %dma_start3A_111, %dma_start3A_112] : memref<2560x2x128xi32, #tpu.memory_space<hbm>> -> memref<1x2x128xi32, #tpu.memory_space<hbm>>
          %dma_start3A_114 = tpu.memref_squeeze %dma_start3A_113 : memref<1x2x128xi32, #tpu.memory_space<hbm>> -> memref<2x128xi32, #tpu.memory_space<hbm>>
          %dma_start3A_115 = arith.constant 0 : i32
          %dma_start3A_116 = arith.constant 0 : i32
          %dma_start3A_117 = tpu.memref_slice %arg2[%add3A_105, %dma_start3A_115, %dma_start3A_116] : memref<2560x2x128xi32, #tpu.memory_space<hbm>> -> memref<1x2x128xi32, #tpu.memory_space<hbm>>
          %dma_start3A_118 = tpu.memref_squeeze %dma_start3A_117 : memref<1x2x128xi32, #tpu.memory_space<hbm>> -> memref<2x128xi32, #tpu.memory_space<hbm>>
          tpu.enqueue_dma source(%dma_start3A_118 : memref<2x128xi32, #tpu.memory_space<hbm>>) target(%arg6 : memref<2x128xi32, #tpu.memory_space<vmem>>) target_semaphore(%run_scoped3A : memref<!tpu.dma_semaphore, #tpu.memory_space<semaphore_mem>>)
          %dma_wait3A_119 = arith.constant 0 : i32
          %dma_wait3A_120 = arith.constant 0 : i32
          %dma_wait3A_121 = tpu.memref_slice %arg2[%add3A_105, %dma_wait3A_119, %dma_wait3A_120] : memref<2560x2x128xi32, #tpu.memory_space<hbm>> -> memref<1x2x128xi32, #tpu.memory_space<hbm>>
          %dma_wait3A_122 = tpu.memref_squeeze %dma_wait3A_121 : memref<1x2x128xi32, #tpu.memory_space<hbm>> -> memref<2x128xi32, #tpu.memory_space<hbm>>
          %dma_wait3A_123 = arith.constant 0 : i32
          %dma_wait3A_124 = arith.constant 0 : i32
          %dma_wait3A_125 = tpu.memref_slice %arg2[%add3A_105, %dma_wait3A_123, %dma_wait3A_124] : memref<2560x2x128xi32, #tpu.memory_space<hbm>> -> memref<1x2x128xi32, #tpu.memory_space<hbm>>
          %dma_wait3A_126 = tpu.memref_squeeze %dma_wait3A_125 : memref<1x2x128xi32, #tpu.memory_space<hbm>> -> memref<2x128xi32, #tpu.memory_space<hbm>>
          tpu.wait_dma2 semaphore(%run_scoped3A : memref<!tpu.dma_semaphore, #tpu.memory_space<semaphore_mem>>) src(%dma_wait3A_126 : memref<2x128xi32, #tpu.memory_space<hbm>>) dst(%arg6 : memref<2x128xi32, #tpu.memory_space<vmem>>)
          tpu.yield
        }) : () -> ()
        %dma_start3A_106 = arith.constant 0 : i32
        %dma_start3A_107 = tpu.memref_slice %arg6[%arg0, %dma_start3A_106] : memref<2x128xi32, #tpu.memory_space<vmem>> -> memref<1x128xi32, #tpu.memory_space<vmem>>
        %dma_start3A_108 = tpu.memref_squeeze %dma_start3A_107 : memref<1x128xi32, #tpu.memory_space<vmem>> -> memref<128xi32, #tpu.memory_space<vmem>>
        %dma_start3A_109 = arith.constant 0 : i32
        %dma_start3A_110 = tpu.memref_slice %arg10[%dma_start3A_109] : memref<10240xf32, #tpu.memory_space<vmem_shared>> -> memref<10240xf32, #tpu.memory_space<vmem_shared>>
        tpu.enqueue_indirect_dma source(%arg8 : memref<128xf32, #tpu.memory_space<vmem>>) target(%dma_start3A_110 : memref<10240xf32, #tpu.memory_space<vmem_shared>>) offsets(%dma_start3A_108 : memref<128xi32, #tpu.memory_space<vmem>>) semaphore(%arg13 : memref<!tpu.dma_semaphore, #tpu.memory_space<semaphore_mem>>) {add = true}
      } else {
      }
      %dma_wait3A_86 = arith.constant 0 : i32
      %dma_wait3A_87 = tpu.memref_slice %arg7[%arg0, %dma_wait3A_86] : memref<2x128xi32, #tpu.memory_space<vmem>> -> memref<1x128xi32, #tpu.memory_space<vmem>>
      %dma_wait3A_88 = tpu.memref_squeeze %dma_wait3A_87 : memref<1x128xi32, #tpu.memory_space<vmem>> -> memref<128xi32, #tpu.memory_space<vmem>>
      %dma_wait3A_89 = arith.constant 0 : i32
      %dma_wait3A_90 = tpu.memref_slice %arg10[%dma_wait3A_89] : memref<10240xf32, #tpu.memory_space<vmem_shared>> -> memref<10240xf32, #tpu.memory_space<vmem_shared>>
      tpu.wait_indirect_dma semaphore(%arg14 : memref<!tpu.dma_semaphore, #tpu.memory_space<semaphore_mem>>) src(%arg8 : memref<128xf32, #tpu.memory_space<vmem>>) dst(%dma_wait3A_90 : memref<10240xf32, #tpu.memory_space<vmem_shared>>)
      %add3A_91 = arith.constant 1 : i32
      %add3A_92 = arith.addi %scan3A_52, %add3A_91 : i32
      %lt3A_93 = arith.constant 40 : i32
      %lt3A_94 = arith.cmpi slt, %add3A_92, %lt3A_93 : i32
      %convert_element_type3A_95 = arith.extui %lt3A_94 : i1 to i32
      %cond3A_96 = arith.constant 0 : i32
      %cond3A_97 = arith.cmpi ne, %convert_element_type3A_95, %cond3A_96 : i32
      scf.if %cond3A_97 {
        %add3A_99 = arith.constant 1 : i32
        %add3A_100 = arith.addi %scan3A_52, %add3A_99 : i32
        %mul3A_101 = arith.constant 4 : i32
        %mul3A_102 = arith.muli %mul3A_101, %add3A_100 : i32
        %add3A_103 = arith.addi %mul3A_15, %mul3A_102 : i32
        %add3A_104 = arith.constant 3 : i32
        %add3A_105 = arith.addi %add3A_103, %add3A_104 : i32
        "tpu.region"() ({
          %run_scoped3A = tpu.sem_alloc : memref<!tpu.dma_semaphore, #tpu.memory_space<semaphore_mem>>
          %dma_start3A_111 = arith.constant 0 : i32
          %dma_start3A_112 = arith.constant 0 : i32
          %dma_start3A_113 = tpu.memref_slice %arg2[%add3A_105, %dma_start3A_111, %dma_start3A_112] : memref<2560x2x128xi32, #tpu.memory_space<hbm>> -> memref<1x2x128xi32, #tpu.memory_space<hbm>>
          %dma_start3A_114 = tpu.memref_squeeze %dma_start3A_113 : memref<1x2x128xi32, #tpu.memory_space<hbm>> -> memref<2x128xi32, #tpu.memory_space<hbm>>
          %dma_start3A_115 = arith.constant 0 : i32
          %dma_start3A_116 = arith.constant 0 : i32
          %dma_start3A_117 = tpu.memref_slice %arg2[%add3A_105, %dma_start3A_115, %dma_start3A_116] : memref<2560x2x128xi32, #tpu.memory_space<hbm>> -> memref<1x2x128xi32, #tpu.memory_space<hbm>>
          %dma_start3A_118 = tpu.memref_squeeze %dma_start3A_117 : memref<1x2x128xi32, #tpu.memory_space<hbm>> -> memref<2x128xi32, #tpu.memory_space<hbm>>
          tpu.enqueue_dma source(%dma_start3A_118 : memref<2x128xi32, #tpu.memory_space<hbm>>) target(%arg7 : memref<2x128xi32, #tpu.memory_space<vmem>>) target_semaphore(%run_scoped3A : memref<!tpu.dma_semaphore, #tpu.memory_space<semaphore_mem>>)
          %dma_wait3A_119 = arith.constant 0 : i32
          %dma_wait3A_120 = arith.constant 0 : i32
          %dma_wait3A_121 = tpu.memref_slice %arg2[%add3A_105, %dma_wait3A_119, %dma_wait3A_120] : memref<2560x2x128xi32, #tpu.memory_space<hbm>> -> memref<1x2x128xi32, #tpu.memory_space<hbm>>
          %dma_wait3A_122 = tpu.memref_squeeze %dma_wait3A_121 : memref<1x2x128xi32, #tpu.memory_space<hbm>> -> memref<2x128xi32, #tpu.memory_space<hbm>>
          %dma_wait3A_123 = arith.constant 0 : i32
          %dma_wait3A_124 = arith.constant 0 : i32
          %dma_wait3A_125 = tpu.memref_slice %arg2[%add3A_105, %dma_wait3A_123, %dma_wait3A_124] : memref<2560x2x128xi32, #tpu.memory_space<hbm>> -> memref<1x2x128xi32, #tpu.memory_space<hbm>>
          %dma_wait3A_126 = tpu.memref_squeeze %dma_wait3A_125 : memref<1x2x128xi32, #tpu.memory_space<hbm>> -> memref<2x128xi32, #tpu.memory_space<hbm>>
          tpu.wait_dma2 semaphore(%run_scoped3A : memref<!tpu.dma_semaphore, #tpu.memory_space<semaphore_mem>>) src(%dma_wait3A_126 : memref<2x128xi32, #tpu.memory_space<hbm>>) dst(%arg7 : memref<2x128xi32, #tpu.memory_space<vmem>>)
          tpu.yield
        }) : () -> ()
        %dma_start3A_106 = arith.constant 0 : i32
        %dma_start3A_107 = tpu.memref_slice %arg7[%arg0, %dma_start3A_106] : memref<2x128xi32, #tpu.memory_space<vmem>> -> memref<1x128xi32, #tpu.memory_space<vmem>>
        %dma_start3A_108 = tpu.memref_squeeze %dma_start3A_107 : memref<1x128xi32, #tpu.memory_space<vmem>> -> memref<128xi32, #tpu.memory_space<vmem>>
        %dma_start3A_109 = arith.constant 0 : i32
        %dma_start3A_110 = tpu.memref_slice %arg10[%dma_start3A_109] : memref<10240xf32, #tpu.memory_space<vmem_shared>> -> memref<10240xf32, #tpu.memory_space<vmem_shared>>
        tpu.enqueue_indirect_dma source(%arg8 : memref<128xf32, #tpu.memory_space<vmem>>) target(%dma_start3A_110 : memref<10240xf32, #tpu.memory_space<vmem_shared>>) offsets(%dma_start3A_108 : memref<128xi32, #tpu.memory_space<vmem>>) semaphore(%arg14 : memref<!tpu.dma_semaphore, #tpu.memory_space<semaphore_mem>>) {add = true}
      } else {
      }
      %scan3A_98 = arith.constant 0 : i32
      scf.yield %scan3A_98 : i32
    }
    %scan3A_48 = arith.constant 40 : i32
    %barrier3A_49 = arith.constant 0 : index
    tpu.barrier barrier_id(%barrier3A_49)
    %mul3A_50 = arith.constant 640 : i32
    %mul3A_51 = arith.muli %arg1, %mul3A_50 : i32
    "tpu.region"() ({
      %run_scoped3A = tpu.sem_alloc : memref<!tpu.dma_semaphore, #tpu.memory_space<semaphore_mem>>
      %dma_start3A_52 = tpu.memref_slice %arg10[%mul3A_51] : memref<10240xf32, #tpu.memory_space<vmem_shared>> -> memref<640xf32, #tpu.memory_space<vmem_shared>>
      %dma_start3A_53 = tpu.memref_slice %arg10[%mul3A_51] : memref<10240xf32, #tpu.memory_space<vmem_shared>> -> memref<640xf32, #tpu.memory_space<vmem_shared>>
      tpu.enqueue_dma source(%dma_start3A_53 : memref<640xf32, #tpu.memory_space<vmem_shared>>) target(%arg9 : memref<640xf32, #tpu.memory_space<vmem>>) target_semaphore(%run_scoped3A : memref<!tpu.dma_semaphore, #tpu.memory_space<semaphore_mem>>)
      %dma_wait3A = tpu.memref_slice %arg10[%mul3A_51] : memref<10240xf32, #tpu.memory_space<vmem_shared>> -> memref<640xf32, #tpu.memory_space<vmem_shared>>
      %dma_wait3A_54 = tpu.memref_slice %arg10[%mul3A_51] : memref<10240xf32, #tpu.memory_space<vmem_shared>> -> memref<640xf32, #tpu.memory_space<vmem_shared>>
      tpu.wait_dma2 semaphore(%run_scoped3A : memref<!tpu.dma_semaphore, #tpu.memory_space<semaphore_mem>>) src(%dma_wait3A_54 : memref<640xf32, #tpu.memory_space<vmem_shared>>) dst(%arg9 : memref<640xf32, #tpu.memory_space<vmem>>)
      tpu.yield
    }) : () -> ()
    "tpu.region"() ({
      %run_scoped3A = tpu.sem_alloc : memref<!tpu.dma_semaphore, #tpu.memory_space<semaphore_mem>>
      %dma_start3A_52 = tpu.memref_slice %arg3[%arg0, %mul3A_51] : memref<2x10240xf32, #tpu.memory_space<hbm>> -> memref<1x640xf32, #tpu.memory_space<hbm>>
      %dma_start3A_53 = tpu.memref_squeeze %dma_start3A_52 : memref<1x640xf32, #tpu.memory_space<hbm>> -> memref<640xf32, #tpu.memory_space<hbm>>
      %dma_start3A_54 = tpu.memref_slice %arg3[%arg0, %mul3A_51] : memref<2x10240xf32, #tpu.memory_space<hbm>> -> memref<1x640xf32, #tpu.memory_space<hbm>>
      %dma_start3A_55 = tpu.memref_squeeze %dma_start3A_54 : memref<1x640xf32, #tpu.memory_space<hbm>> -> memref<640xf32, #tpu.memory_space<hbm>>
      tpu.enqueue_dma source(%arg9 : memref<640xf32, #tpu.memory_space<vmem>>) target(%dma_start3A_55 : memref<640xf32, #tpu.memory_space<hbm>>) target_semaphore(%run_scoped3A : memref<!tpu.dma_semaphore, #tpu.memory_space<semaphore_mem>>)
      %dma_wait3A = tpu.memref_slice %arg3[%arg0, %mul3A_51] : memref<2x10240xf32, #tpu.memory_space<hbm>> -> memref<1x640xf32, #tpu.memory_space<hbm>>
      %dma_wait3A_56 = tpu.memref_squeeze %dma_wait3A : memref<1x640xf32, #tpu.memory_space<hbm>> -> memref<640xf32, #tpu.memory_space<hbm>>
      %dma_wait3A_57 = tpu.memref_slice %arg3[%arg0, %mul3A_51] : memref<2x10240xf32, #tpu.memory_space<hbm>> -> memref<1x640xf32, #tpu.memory_space<hbm>>
      %dma_wait3A_58 = tpu.memref_squeeze %dma_wait3A_57 : memref<1x640xf32, #tpu.memory_space<hbm>> -> memref<640xf32, #tpu.memory_space<hbm>>
      tpu.wait_dma2 semaphore(%run_scoped3A : memref<!tpu.dma_semaphore, #tpu.memory_space<semaphore_mem>>) src(%arg9 : memref<640xf32, #tpu.memory_space<vmem>>) dst(%dma_wait3A_58 : memref<640xf32, #tpu.memory_space<hbm>>)
      tpu.yield
    }) : () -> ()
    return
  }
}

#map = affine_map<(d0, d1) -> (0, 0)>
#map1 = affine_map<(d0, d1) -> (0, 0, 0)>
module attributes {stable_mosaic.version = 14 : i64} {
  func.func @prop_kernel(%arg0: i32, %arg1: i32, %arg2: memref<10240x128xf32, #tpu.memory_space<hbm>>, %arg3: memref<10240x128xf32, #tpu.memory_space<hbm>>, %arg4: memref<2560x2x128xi32, #tpu.memory_space<hbm>>, %arg5: memref<10240x128xf32, #tpu.memory_space<hbm>>, %arg6: memref<10240x128xf32, #tpu.memory_space<hbm>>, %arg7: memref<2x128xi32, #tpu.memory_space<vmem>>, %arg8: memref<2x128xi32, #tpu.memory_space<vmem>>, %arg9: memref<128x128xf32, #tpu.memory_space<vmem>>, %arg10: memref<128x128xf32, #tpu.memory_space<vmem>>, %arg11: memref<64x128xf32, #tpu.memory_space<vmem>>, %arg12: memref<10240x128xf32, #tpu.memory_space<vmem_shared>>, %arg13: memref<!tpu.dma_semaphore, #tpu.memory_space<semaphore_mem>>, %arg14: memref<!tpu.dma_semaphore, #tpu.memory_space<semaphore_mem>>, %arg15: memref<!tpu.dma_semaphore, #tpu.memory_space<semaphore_mem>>, %arg16: memref<!tpu.dma_semaphore, #tpu.memory_space<semaphore_mem>>) attributes {dimension_semantics = [#tpu.dimension_semantics<core_parallel>, #tpu.dimension_semantics<subcore_parallel>], iteration_bounds = array<i64: 2, 16>, scalar_prefetch = 0 : i64, scratch_operands = 10 : i64, tpu.core_type = #tpu.core_type<sc_vector_subcore>, window_params = [{transform_indices = #map}, {transform_indices = #map}, {transform_indices = #map1}, {transform_indices = #map}, {transform_indices = #map}]} {
    %scan3A = arith.constant 0 : i32
    %scan3A_0 = arith.constant 0 : i32
    %scan3A_1 = arith.constant 512 : i32
    %scan3A_2 = arith.addi %scan3A_0, %scan3A_1 : i32
    %scan3A_3 = arith.constant 1 : i32
    %scan3A_4 = scf.for %scan3A_42 = %scan3A_0 to %scan3A_2 step %scan3A_3 iter_args(%scan3A_43 = %scan3A) -> (i32)  : i32 {
      %broadcast_in_dim3A = arith.constant 0.000000e+00 : f32
      %broadcast_in_dim3A_44 = vector.broadcast %broadcast_in_dim3A : f32 to vector<16xf32>
      %jit3A = arith.constant 8 : i32
      %div3A = arith.divsi %scan3A_42, %jit3A : i32
      %sign3A = arith.constant 0 : i32
      %sign3A_45 = arith.cmpi sgt, %scan3A_42, %sign3A : i32
      %sign3A_46 = arith.extui %sign3A_45 : i1 to i32
      %sign3A_47 = arith.constant 0 : i32
      %sign3A_48 = arith.cmpi slt, %scan3A_42, %sign3A_47 : i32
      %sign3A_49 = arith.extui %sign3A_48 : i1 to i32
      %sign3A_50 = arith.subi %sign3A_46, %sign3A_49 : i32
      %sign3A_51 = arith.constant 0 : i32
      %sign3A_52 = arith.cmpi sgt, %jit3A, %sign3A_51 : i32
      %sign3A_53 = arith.extui %sign3A_52 : i1 to i32
      %sign3A_54 = arith.constant 0 : i32
      %sign3A_55 = arith.cmpi slt, %jit3A, %sign3A_54 : i32
      %sign3A_56 = arith.extui %sign3A_55 : i1 to i32
      %sign3A_57 = arith.subi %sign3A_53, %sign3A_56 : i32
      %ne3A = arith.cmpi ne, %sign3A_50, %sign3A_57 : i32
      %rem3A = arith.remsi %scan3A_42, %jit3A : i32
      %ne3A_58 = arith.constant 0 : i32
      %ne3A_59 = arith.cmpi ne, %rem3A, %ne3A_58 : i32
      %and3A = arith.andi %ne3A, %ne3A_59 : i1
      %sub3A = arith.constant 1 : i32
      %sub3A_60 = arith.subi %div3A, %sub3A : i32
      %select_n3A = arith.select %and3A, %sub3A_60, %div3A : i32
      %jit3A_61 = arith.constant 8 : i32
      %eq3A_62 = arith.constant 0 : i32
      %eq3A_63 = arith.cmpi eq, %jit3A_61, %eq3A_62 : i32
      %jit3A_64 = arith.constant 1 : i32
      %select_n3A_65 = arith.select %eq3A_63, %jit3A_64, %jit3A_61 : i32
      %rem3A_66 = arith.remsi %scan3A_42, %select_n3A_65 : i32
      %ne3A_67 = arith.constant 0 : i32
      %ne3A_68 = arith.cmpi ne, %rem3A_66, %ne3A_67 : i32
      %lt3A = arith.constant 0 : i32
      %lt3A_69 = arith.cmpi slt, %rem3A_66, %lt3A : i32
      %lt3A_70 = arith.constant 0 : i32
      %lt3A_71 = arith.cmpi slt, %select_n3A_65, %lt3A_70 : i32
      %ne3A_72 = arith.xori %lt3A_69, %lt3A_71 : i1
      %and3A_73 = arith.andi %ne3A_72, %ne3A_68 : i1
      %add3A = arith.addi %rem3A_66, %select_n3A_65 : i32
      %select_n3A_74 = arith.select %and3A_73, %add3A, %rem3A_66 : i32
      %mul3A_75 = arith.constant 16 : i32
      %mul3A_76 = arith.muli %select_n3A_74, %mul3A_75 : i32
      %swap3A = arith.index_cast %select_n3A : i32 to index
      %swap3A_77 = arith.index_cast %mul3A_76 : i32 to index
      %swap3A_78 = tpu.vector_load %arg11[%swap3A, %swap3A_77] {strides = array<i32>} : memref<64x128xf32, #tpu.memory_space<vmem>>, vector<1x16xf32>,
      %swap3A_79 = vector.shape_cast %swap3A_78 : vector<1x16xf32> to vector<16xf32>
      %swap3A_80 = vector.shape_cast %broadcast_in_dim3A_44 : vector<16xf32> to vector<1x16xf32>
      tpu.vector_store %arg11[%swap3A, %swap3A_77], %swap3A_80 {strides = array<i32>} : memref<64x128xf32, #tpu.memory_space<vmem>>, vector<1x16xf32>,
      %scan3A_81 = arith.constant 0 : i32
      scf.yield %scan3A_81 : i32
    }
    %scan3A_5 = arith.constant 512 : i32
    %mul3A = arith.constant 160 : i32
    %mul3A_6 = arith.muli %arg1, %mul3A : i32
    "tpu.region"() ({
      %run_scoped3A = tpu.sem_alloc : memref<!tpu.dma_semaphore, #tpu.memory_space<semaphore_mem>>
      %dma_start3A = arith.constant 0 : i32
      %dma_start3A_42 = arith.constant 0 : i32
      %dma_start3A_43 = tpu.memref_slice %arg4[%mul3A_6, %dma_start3A, %dma_start3A_42] : memref<2560x2x128xi32, #tpu.memory_space<hbm>> -> memref<1x2x128xi32, #tpu.memory_space<hbm>>
      %dma_start3A_44 = tpu.memref_squeeze %dma_start3A_43 : memref<1x2x128xi32, #tpu.memory_space<hbm>> -> memref<2x128xi32, #tpu.memory_space<hbm>>
      %dma_start3A_45 = arith.constant 0 : i32
      %dma_start3A_46 = arith.constant 0 : i32
      %dma_start3A_47 = tpu.memref_slice %arg4[%mul3A_6, %dma_start3A_45, %dma_start3A_46] : memref<2560x2x128xi32, #tpu.memory_space<hbm>> -> memref<1x2x128xi32, #tpu.memory_space<hbm>>
      %dma_start3A_48 = tpu.memref_squeeze %dma_start3A_47 : memref<1x2x128xi32, #tpu.memory_space<hbm>> -> memref<2x128xi32, #tpu.memory_space<hbm>>
      tpu.enqueue_dma source(%dma_start3A_48 : memref<2x128xi32, #tpu.memory_space<hbm>>) target(%arg7 : memref<2x128xi32, #tpu.memory_space<vmem>>) target_semaphore(%run_scoped3A : memref<!tpu.dma_semaphore, #tpu.memory_space<semaphore_mem>>)
      %dma_wait3A = arith.constant 0 : i32
      %dma_wait3A_49 = arith.constant 0 : i32
      %dma_wait3A_50 = tpu.memref_slice %arg4[%mul3A_6, %dma_wait3A, %dma_wait3A_49] : memref<2560x2x128xi32, #tpu.memory_space<hbm>> -> memref<1x2x128xi32, #tpu.memory_space<hbm>>
      %dma_wait3A_51 = tpu.memref_squeeze %dma_wait3A_50 : memref<1x2x128xi32, #tpu.memory_space<hbm>> -> memref<2x128xi32, #tpu.memory_space<hbm>>
      %dma_wait3A_52 = arith.constant 0 : i32
      %dma_wait3A_53 = arith.constant 0 : i32
      %dma_wait3A_54 = tpu.memref_slice %arg4[%mul3A_6, %dma_wait3A_52, %dma_wait3A_53] : memref<2560x2x128xi32, #tpu.memory_space<hbm>> -> memref<1x2x128xi32, #tpu.memory_space<hbm>>
      %dma_wait3A_55 = tpu.memref_squeeze %dma_wait3A_54 : memref<1x2x128xi32, #tpu.memory_space<hbm>> -> memref<2x128xi32, #tpu.memory_space<hbm>>
      tpu.wait_dma2 semaphore(%run_scoped3A : memref<!tpu.dma_semaphore, #tpu.memory_space<semaphore_mem>>) src(%dma_wait3A_55 : memref<2x128xi32, #tpu.memory_space<hbm>>) dst(%arg7 : memref<2x128xi32, #tpu.memory_space<vmem>>)
      tpu.yield
    }) : () -> ()
    %eq3A = arith.constant 0 : i32
    %eq3A_7 = arith.cmpi eq, %arg0, %eq3A : i32
    %convert_element_type3A = arith.extui %eq3A_7 : i1 to i32
    %cond3A = arith.constant 0 : i32
    %cond3A_8 = arith.cmpi ne, %convert_element_type3A, %cond3A : i32
    scf.if %cond3A_8 {
      %dma_start3A = arith.constant 0 : i32
      %dma_start3A_42 = arith.constant 0 : i32
      %dma_start3A_43 = tpu.memref_slice %arg7[%dma_start3A, %dma_start3A_42] : memref<2x128xi32, #tpu.memory_space<vmem>> -> memref<1x128xi32, #tpu.memory_space<vmem>>
      %dma_start3A_44 = tpu.memref_squeeze %dma_start3A_43 : memref<1x128xi32, #tpu.memory_space<vmem>> -> memref<128xi32, #tpu.memory_space<vmem>>
      %dma_start3A_45 = arith.constant 0 : i32
      %dma_start3A_46 = arith.constant 0 : i32
      %dma_start3A_47 = tpu.memref_slice %arg2[%dma_start3A_45, %dma_start3A_46] : memref<10240x128xf32, #tpu.memory_space<hbm>> -> memref<10240x128xf32, #tpu.memory_space<hbm>>
      tpu.enqueue_indirect_dma source(%dma_start3A_47 : memref<10240x128xf32, #tpu.memory_space<hbm>>) target(%arg9 : memref<128x128xf32, #tpu.memory_space<vmem>>) offsets(%dma_start3A_44 : memref<128xi32, #tpu.memory_space<vmem>>) semaphore(%arg13 : memref<!tpu.dma_semaphore, #tpu.memory_space<semaphore_mem>>)
    } else {
    }
    %eq3A_9 = arith.constant 1 : i32
    %eq3A_10 = arith.cmpi eq, %arg0, %eq3A_9 : i32
    %convert_element_type3A_11 = arith.extui %eq3A_10 : i1 to i32
    %cond3A_12 = arith.constant 0 : i32
    %cond3A_13 = arith.cmpi ne, %convert_element_type3A_11, %cond3A_12 : i32
    scf.if %cond3A_13 {
      %dma_start3A = arith.constant 0 : i32
      %dma_start3A_42 = arith.constant 0 : i32
      %dma_start3A_43 = tpu.memref_slice %arg7[%dma_start3A, %dma_start3A_42] : memref<2x128xi32, #tpu.memory_space<vmem>> -> memref<1x128xi32, #tpu.memory_space<vmem>>
      %dma_start3A_44 = tpu.memref_squeeze %dma_start3A_43 : memref<1x128xi32, #tpu.memory_space<vmem>> -> memref<128xi32, #tpu.memory_space<vmem>>
      %dma_start3A_45 = arith.constant 0 : i32
      %dma_start3A_46 = arith.constant 0 : i32
      %dma_start3A_47 = tpu.memref_slice %arg3[%dma_start3A_45, %dma_start3A_46] : memref<10240x128xf32, #tpu.memory_space<hbm>> -> memref<10240x128xf32, #tpu.memory_space<hbm>>
      tpu.enqueue_indirect_dma source(%dma_start3A_47 : memref<10240x128xf32, #tpu.memory_space<hbm>>) target(%arg9 : memref<128x128xf32, #tpu.memory_space<vmem>>) offsets(%dma_start3A_44 : memref<128xi32, #tpu.memory_space<vmem>>) semaphore(%arg13 : memref<!tpu.dma_semaphore, #tpu.memory_space<semaphore_mem>>)
    } else {
    }
    %scan3A_14 = arith.constant 0 : i32
    %scan3A_15 = arith.constant 0 : i32
    %scan3A_16 = arith.constant 10 : i32
    %scan3A_17 = arith.addi %scan3A_15, %scan3A_16 : i32
    %scan3A_18 = arith.constant 1 : i32
    %scan3A_19 = scf.for %scan3A_42 = %scan3A_15 to %scan3A_17 step %scan3A_18 iter_args(%scan3A_43 = %scan3A_14) -> (i32)  : i32 {
      %mul3A_44 = arith.constant 640 : i32
      %mul3A_45 = arith.muli %arg1, %mul3A_44 : i32
      %mul3A_46 = arith.constant 64 : i32
      %mul3A_47 = arith.muli %scan3A_42, %mul3A_46 : i32
      %add3A = arith.addi %mul3A_45, %mul3A_47 : i32
      "tpu.region"() ({
        %run_scoped3A = tpu.sem_alloc : memref<!tpu.dma_semaphore, #tpu.memory_space<semaphore_mem>>
        %dma_start3A = arith.constant 0 : i32
        %dma_start3A_49 = tpu.memref_slice %arg12[%add3A, %dma_start3A] : memref<10240x128xf32, #tpu.memory_space<vmem_shared>> -> memref<64x128xf32, #tpu.memory_space<vmem_shared>>
        %dma_start3A_50 = arith.constant 0 : i32
        %dma_start3A_51 = tpu.memref_slice %arg12[%add3A, %dma_start3A_50] : memref<10240x128xf32, #tpu.memory_space<vmem_shared>> -> memref<64x128xf32, #tpu.memory_space<vmem_shared>>
        tpu.enqueue_dma source(%arg11 : memref<64x128xf32, #tpu.memory_space<vmem>>) target(%dma_start3A_51 : memref<64x128xf32, #tpu.memory_space<vmem_shared>>) target_semaphore(%run_scoped3A : memref<!tpu.dma_semaphore, #tpu.memory_space<semaphore_mem>>)
        %dma_wait3A = arith.constant 0 : i32
        %dma_wait3A_52 = tpu.memref_slice %arg12[%add3A, %dma_wait3A] : memref<10240x128xf32, #tpu.memory_space<vmem_shared>> -> memref<64x128xf32, #tpu.memory_space<vmem_shared>>
        %dma_wait3A_53 = arith.constant 0 : i32
        %dma_wait3A_54 = tpu.memref_slice %arg12[%add3A, %dma_wait3A_53] : memref<10240x128xf32, #tpu.memory_space<vmem_shared>> -> memref<64x128xf32, #tpu.memory_space<vmem_shared>>
        tpu.wait_dma2 semaphore(%run_scoped3A : memref<!tpu.dma_semaphore, #tpu.memory_space<semaphore_mem>>) src(%arg11 : memref<64x128xf32, #tpu.memory_space<vmem>>) dst(%dma_wait3A_54 : memref<64x128xf32, #tpu.memory_space<vmem_shared>>)
        tpu.yield
      }) : () -> ()
      %scan3A_48 = arith.constant 0 : i32
      scf.yield %scan3A_48 : i32
    }
    %scan3A_20 = arith.constant 10 : i32
    %barrier3A = arith.constant 0 : index
    tpu.barrier barrier_id(%barrier3A)
    %eq3A_21 = arith.constant 0 : i32
    %eq3A_22 = arith.cmpi eq, %arg0, %eq3A_21 : i32
    %convert_element_type3A_23 = arith.extui %eq3A_22 : i1 to i32
    %cond3A_24 = arith.constant 0 : i32
    %cond3A_25 = arith.cmpi ne, %convert_element_type3A_23, %cond3A_24 : i32
    scf.if %cond3A_25 {
      %scan3A_42 = arith.constant 0 : i32
      %scan3A_43 = arith.constant 0 : i32
      %scan3A_44 = arith.constant 80 : i32
      %scan3A_45 = arith.addi %scan3A_43, %scan3A_44 : i32
      %scan3A_46 = arith.constant 1 : i32
      %scan3A_47 = scf.for %scan3A_55 = %scan3A_43 to %scan3A_45 step %scan3A_46 iter_args(%scan3A_56 = %scan3A_42) -> (i32)  : i32 {
        %ge3A = arith.constant 1 : i32
        %ge3A_57 = arith.cmpi sge, %scan3A_55, %ge3A : i32
        %convert_element_type3A_58 = arith.extui %ge3A_57 : i1 to i32
        %cond3A_59 = arith.constant 0 : i32
        %cond3A_60 = arith.cmpi ne, %convert_element_type3A_58, %cond3A_59 : i32
        scf.if %cond3A_60 {
          %dma_wait3A_113 = arith.constant 1 : i32
          %dma_wait3A_114 = arith.constant 0 : i32
          %dma_wait3A_115 = tpu.memref_slice %arg8[%dma_wait3A_113, %dma_wait3A_114] : memref<2x128xi32, #tpu.memory_space<vmem>> -> memref<1x128xi32, #tpu.memory_space<vmem>>
          %dma_wait3A_116 = tpu.memref_squeeze %dma_wait3A_115 : memref<1x128xi32, #tpu.memory_space<vmem>> -> memref<128xi32, #tpu.memory_space<vmem>>
          %dma_wait3A_117 = arith.constant 0 : i32
          %dma_wait3A_118 = arith.constant 0 : i32
          %dma_wait3A_119 = tpu.memref_slice %arg12[%dma_wait3A_117, %dma_wait3A_118] : memref<10240x128xf32, #tpu.memory_space<vmem_shared>> -> memref<10240x128xf32, #tpu.memory_space<vmem_shared>>
          tpu.wait_indirect_dma semaphore(%arg16 : memref<!tpu.dma_semaphore, #tpu.memory_space<semaphore_mem>>) src(%arg10 : memref<128x128xf32, #tpu.memory_space<vmem>>) dst(%dma_wait3A_119 : memref<10240x128xf32, #tpu.memory_space<vmem_shared>>)
        } else {
        }
        %mul3A_61 = arith.constant 2 : i32
        %mul3A_62 = arith.muli %mul3A_61, %scan3A_55 : i32
        %add3A = arith.addi %mul3A_6, %mul3A_62 : i32
        %add3A_63 = arith.constant 1 : i32
        %add3A_64 = arith.addi %add3A, %add3A_63 : i32
        "tpu.region"() ({
          %run_scoped3A = tpu.sem_alloc : memref<!tpu.dma_semaphore, #tpu.memory_space<semaphore_mem>>
          %dma_start3A_113 = arith.constant 0 : i32
          %dma_start3A_114 = arith.constant 0 : i32
          %dma_start3A_115 = tpu.memref_slice %arg4[%add3A_64, %dma_start3A_113, %dma_start3A_114] : memref<2560x2x128xi32, #tpu.memory_space<hbm>> -> memref<1x2x128xi32, #tpu.memory_space<hbm>>
          %dma_start3A_116 = tpu.memref_squeeze %dma_start3A_115 : memref<1x2x128xi32, #tpu.memory_space<hbm>> -> memref<2x128xi32, #tpu.memory_space<hbm>>
          %dma_start3A_117 = arith.constant 0 : i32
          %dma_start3A_118 = arith.constant 0 : i32
          %dma_start3A_119 = tpu.memref_slice %arg4[%add3A_64, %dma_start3A_117, %dma_start3A_118] : memref<2560x2x128xi32, #tpu.memory_space<hbm>> -> memref<1x2x128xi32, #tpu.memory_space<hbm>>
          %dma_start3A_120 = tpu.memref_squeeze %dma_start3A_119 : memref<1x2x128xi32, #tpu.memory_space<hbm>> -> memref<2x128xi32, #tpu.memory_space<hbm>>
          tpu.enqueue_dma source(%dma_start3A_120 : memref<2x128xi32, #tpu.memory_space<hbm>>) target(%arg8 : memref<2x128xi32, #tpu.memory_space<vmem>>) target_semaphore(%run_scoped3A : memref<!tpu.dma_semaphore, #tpu.memory_space<semaphore_mem>>)
          %dma_wait3A_121 = arith.constant 0 : i32
          %dma_wait3A_122 = arith.constant 0 : i32
          %dma_wait3A_123 = tpu.memref_slice %arg4[%add3A_64, %dma_wait3A_121, %dma_wait3A_122] : memref<2560x2x128xi32, #tpu.memory_space<hbm>> -> memref<1x2x128xi32, #tpu.memory_space<hbm>>
          %dma_wait3A_124 = tpu.memref_squeeze %dma_wait3A_123 : memref<1x2x128xi32, #tpu.memory_space<hbm>> -> memref<2x128xi32, #tpu.memory_space<hbm>>
          %dma_wait3A_125 = arith.constant 0 : i32
          %dma_wait3A_126 = arith.constant 0 : i32
          %dma_wait3A_127 = tpu.memref_slice %arg4[%add3A_64, %dma_wait3A_125, %dma_wait3A_126] : memref<2560x2x128xi32, #tpu.memory_space<hbm>> -> memref<1x2x128xi32, #tpu.memory_space<hbm>>
          %dma_wait3A_128 = tpu.memref_squeeze %dma_wait3A_127 : memref<1x2x128xi32, #tpu.memory_space<hbm>> -> memref<2x128xi32, #tpu.memory_space<hbm>>
          tpu.wait_dma2 semaphore(%run_scoped3A : memref<!tpu.dma_semaphore, #tpu.memory_space<semaphore_mem>>) src(%dma_wait3A_128 : memref<2x128xi32, #tpu.memory_space<hbm>>) dst(%arg8 : memref<2x128xi32, #tpu.memory_space<vmem>>)
          tpu.yield
        }) : () -> ()
        %dma_start3A = arith.constant 0 : i32
        %dma_start3A_65 = arith.constant 0 : i32
        %dma_start3A_66 = tpu.memref_slice %arg8[%dma_start3A, %dma_start3A_65] : memref<2x128xi32, #tpu.memory_space<vmem>> -> memref<1x128xi32, #tpu.memory_space<vmem>>
        %dma_start3A_67 = tpu.memref_squeeze %dma_start3A_66 : memref<1x128xi32, #tpu.memory_space<vmem>> -> memref<128xi32, #tpu.memory_space<vmem>>
        %dma_start3A_68 = arith.constant 0 : i32
        %dma_start3A_69 = arith.constant 0 : i32
        %dma_start3A_70 = tpu.memref_slice %arg2[%dma_start3A_68, %dma_start3A_69] : memref<10240x128xf32, #tpu.memory_space<hbm>> -> memref<10240x128xf32, #tpu.memory_space<hbm>>
        tpu.enqueue_indirect_dma source(%dma_start3A_70 : memref<10240x128xf32, #tpu.memory_space<hbm>>) target(%arg10 : memref<128x128xf32, #tpu.memory_space<vmem>>) offsets(%dma_start3A_67 : memref<128xi32, #tpu.memory_space<vmem>>) semaphore(%arg14 : memref<!tpu.dma_semaphore, #tpu.memory_space<semaphore_mem>>)
        %dma_wait3A_71 = arith.constant 0 : i32
        %dma_wait3A_72 = arith.constant 0 : i32
        %dma_wait3A_73 = tpu.memref_slice %arg7[%dma_wait3A_71, %dma_wait3A_72] : memref<2x128xi32, #tpu.memory_space<vmem>> -> memref<1x128xi32, #tpu.memory_space<vmem>>
        %dma_wait3A_74 = tpu.memref_squeeze %dma_wait3A_73 : memref<1x128xi32, #tpu.memory_space<vmem>> -> memref<128xi32, #tpu.memory_space<vmem>>
        %dma_wait3A_75 = arith.constant 0 : i32
        %dma_wait3A_76 = arith.constant 0 : i32
        %dma_wait3A_77 = tpu.memref_slice %arg2[%dma_wait3A_75, %dma_wait3A_76] : memref<10240x128xf32, #tpu.memory_space<hbm>> -> memref<10240x128xf32, #tpu.memory_space<hbm>>
        tpu.wait_indirect_dma semaphore(%arg13 : memref<!tpu.dma_semaphore, #tpu.memory_space<semaphore_mem>>) src(%dma_wait3A_77 : memref<10240x128xf32, #tpu.memory_space<hbm>>) dst(%arg9 : memref<128x128xf32, #tpu.memory_space<vmem>>)
        %dma_start3A_78 = arith.constant 1 : i32
        %dma_start3A_79 = arith.constant 0 : i32
        %dma_start3A_80 = tpu.memref_slice %arg7[%dma_start3A_78, %dma_start3A_79] : memref<2x128xi32, #tpu.memory_space<vmem>> -> memref<1x128xi32, #tpu.memory_space<vmem>>
        %dma_start3A_81 = tpu.memref_squeeze %dma_start3A_80 : memref<1x128xi32, #tpu.memory_space<vmem>> -> memref<128xi32, #tpu.memory_space<vmem>>
        %dma_start3A_82 = arith.constant 0 : i32
        %dma_start3A_83 = arith.constant 0 : i32
        %dma_start3A_84 = tpu.memref_slice %arg12[%dma_start3A_82, %dma_start3A_83] : memref<10240x128xf32, #tpu.memory_space<vmem_shared>> -> memref<10240x128xf32, #tpu.memory_space<vmem_shared>>
        tpu.enqueue_indirect_dma source(%arg9 : memref<128x128xf32, #tpu.memory_space<vmem>>) target(%dma_start3A_84 : memref<10240x128xf32, #tpu.memory_space<vmem_shared>>) offsets(%dma_start3A_81 : memref<128xi32, #tpu.memory_space<vmem>>) semaphore(%arg15 : memref<!tpu.dma_semaphore, #tpu.memory_space<semaphore_mem>>) {add = true}
        %dma_wait3A_85 = arith.constant 1 : i32
        %dma_wait3A_86 = arith.constant 0 : i32
        %dma_wait3A_87 = tpu.memref_slice %arg7[%dma_wait3A_85, %dma_wait3A_86] : memref<2x128xi32, #tpu.memory_space<vmem>> -> memref<1x128xi32, #tpu.memory_space<vmem>>
        %dma_wait3A_88 = tpu.memref_squeeze %dma_wait3A_87 : memref<1x128xi32, #tpu.memory_space<vmem>> -> memref<128xi32, #tpu.memory_space<vmem>>
        %dma_wait3A_89 = arith.constant 0 : i32
        %dma_wait3A_90 = arith.constant 0 : i32
        %dma_wait3A_91 = tpu.memref_slice %arg12[%dma_wait3A_89, %dma_wait3A_90] : memref<10240x128xf32, #tpu.memory_space<vmem_shared>> -> memref<10240x128xf32, #tpu.memory_space<vmem_shared>>
        tpu.wait_indirect_dma semaphore(%arg15 : memref<!tpu.dma_semaphore, #tpu.memory_space<semaphore_mem>>) src(%arg9 : memref<128x128xf32, #tpu.memory_space<vmem>>) dst(%dma_wait3A_91 : memref<10240x128xf32, #tpu.memory_space<vmem_shared>>)
        %add3A_92 = arith.constant 1 : i32
        %add3A_93 = arith.addi %scan3A_55, %add3A_92 : i32
        %lt3A = arith.constant 80 : i32
        %lt3A_94 = arith.cmpi slt, %add3A_93, %lt3A : i32
        %convert_element_type3A_95 = arith.extui %lt3A_94 : i1 to i32
        %cond3A_96 = arith.constant 0 : i32
        %cond3A_97 = arith.cmpi ne, %convert_element_type3A_95, %cond3A_96 : i32
        scf.if %cond3A_97 {
          %mul3A_113 = arith.constant 2 : i32
          %mul3A_114 = arith.muli %mul3A_113, %scan3A_55 : i32
          %add3A_115 = arith.addi %mul3A_6, %mul3A_114 : i32
          %add3A_116 = arith.constant 2 : i32
          %add3A_117 = arith.addi %add3A_115, %add3A_116 : i32
          "tpu.region"() ({
            %run_scoped3A = tpu.sem_alloc : memref<!tpu.dma_semaphore, #tpu.memory_space<semaphore_mem>>
            %dma_start3A_125 = arith.constant 0 : i32
            %dma_start3A_126 = arith.constant 0 : i32
            %dma_start3A_127 = tpu.memref_slice %arg4[%add3A_117, %dma_start3A_125, %dma_start3A_126] : memref<2560x2x128xi32, #tpu.memory_space<hbm>> -> memref<1x2x128xi32, #tpu.memory_space<hbm>>
            %dma_start3A_128 = tpu.memref_squeeze %dma_start3A_127 : memref<1x2x128xi32, #tpu.memory_space<hbm>> -> memref<2x128xi32, #tpu.memory_space<hbm>>
            %dma_start3A_129 = arith.constant 0 : i32
            %dma_start3A_130 = arith.constant 0 : i32
            %dma_start3A_131 = tpu.memref_slice %arg4[%add3A_117, %dma_start3A_129, %dma_start3A_130] : memref<2560x2x128xi32, #tpu.memory_space<hbm>> -> memref<1x2x128xi32, #tpu.memory_space<hbm>>
            %dma_start3A_132 = tpu.memref_squeeze %dma_start3A_131 : memref<1x2x128xi32, #tpu.memory_space<hbm>> -> memref<2x128xi32, #tpu.memory_space<hbm>>
            tpu.enqueue_dma source(%dma_start3A_132 : memref<2x128xi32, #tpu.memory_space<hbm>>) target(%arg7 : memref<2x128xi32, #tpu.memory_space<vmem>>) target_semaphore(%run_scoped3A : memref<!tpu.dma_semaphore, #tpu.memory_space<semaphore_mem>>)
            %dma_wait3A_133 = arith.constant 0 : i32
            %dma_wait3A_134 = arith.constant 0 : i32
            %dma_wait3A_135 = tpu.memref_slice %arg4[%add3A_117, %dma_wait3A_133, %dma_wait3A_134] : memref<2560x2x128xi32, #tpu.memory_space<hbm>> -> memref<1x2x128xi32, #tpu.memory_space<hbm>>
            %dma_wait3A_136 = tpu.memref_squeeze %dma_wait3A_135 : memref<1x2x128xi32, #tpu.memory_space<hbm>> -> memref<2x128xi32, #tpu.memory_space<hbm>>
            %dma_wait3A_137 = arith.constant 0 : i32
            %dma_wait3A_138 = arith.constant 0 : i32
            %dma_wait3A_139 = tpu.memref_slice %arg4[%add3A_117, %dma_wait3A_137, %dma_wait3A_138] : memref<2560x2x128xi32, #tpu.memory_space<hbm>> -> memref<1x2x128xi32, #tpu.memory_space<hbm>>
            %dma_wait3A_140 = tpu.memref_squeeze %dma_wait3A_139 : memref<1x2x128xi32, #tpu.memory_space<hbm>> -> memref<2x128xi32, #tpu.memory_space<hbm>>
            tpu.wait_dma2 semaphore(%run_scoped3A : memref<!tpu.dma_semaphore, #tpu.memory_space<semaphore_mem>>) src(%dma_wait3A_140 : memref<2x128xi32, #tpu.memory_space<hbm>>) dst(%arg7 : memref<2x128xi32, #tpu.memory_space<vmem>>)
            tpu.yield
          }) : () -> ()
          %dma_start3A_118 = arith.constant 0 : i32
          %dma_start3A_119 = arith.constant 0 : i32
          %dma_start3A_120 = tpu.memref_slice %arg7[%dma_start3A_118, %dma_start3A_119] : memref<2x128xi32, #tpu.memory_space<vmem>> -> memref<1x128xi32, #tpu.memory_space<vmem>>
          %dma_start3A_121 = tpu.memref_squeeze %dma_start3A_120 : memref<1x128xi32, #tpu.memory_space<vmem>> -> memref<128xi32, #tpu.memory_space<vmem>>
          %dma_start3A_122 = arith.constant 0 : i32
          %dma_start3A_123 = arith.constant 0 : i32
          %dma_start3A_124 = tpu.memref_slice %arg2[%dma_start3A_122, %dma_start3A_123] : memref<10240x128xf32, #tpu.memory_space<hbm>> -> memref<10240x128xf32, #tpu.memory_space<hbm>>
          tpu.enqueue_indirect_dma source(%dma_start3A_124 : memref<10240x128xf32, #tpu.memory_space<hbm>>) target(%arg9 : memref<128x128xf32, #tpu.memory_space<vmem>>) offsets(%dma_start3A_121 : memref<128xi32, #tpu.memory_space<vmem>>) semaphore(%arg13 : memref<!tpu.dma_semaphore, #tpu.memory_space<semaphore_mem>>)
        } else {
        }
        %dma_wait3A_98 = arith.constant 0 : i32
        %dma_wait3A_99 = arith.constant 0 : i32
        %dma_wait3A_100 = tpu.memref_slice %arg8[%dma_wait3A_98, %dma_wait3A_99] : memref<2x128xi32, #tpu.memory_space<vmem>> -> memref<1x128xi32, #tpu.memory_space<vmem>>
        %dma_wait3A_101 = tpu.memref_squeeze %dma_wait3A_100 : memref<1x128xi32, #tpu.memory_space<vmem>> -> memref<128xi32, #tpu.memory_space<vmem>>
        %dma_wait3A_102 = arith.constant 0 : i32
        %dma_wait3A_103 = arith.constant 0 : i32
        %dma_wait3A_104 = tpu.memref_slice %arg2[%dma_wait3A_102, %dma_wait3A_103] : memref<10240x128xf32, #tpu.memory_space<hbm>> -> memref<10240x128xf32, #tpu.memory_space<hbm>>
        tpu.wait_indirect_dma semaphore(%arg14 : memref<!tpu.dma_semaphore, #tpu.memory_space<semaphore_mem>>) src(%dma_wait3A_104 : memref<10240x128xf32, #tpu.memory_space<hbm>>) dst(%arg10 : memref<128x128xf32, #tpu.memory_space<vmem>>)
        %dma_start3A_105 = arith.constant 1 : i32
        %dma_start3A_106 = arith.constant 0 : i32
        %dma_start3A_107 = tpu.memref_slice %arg8[%dma_start3A_105, %dma_start3A_106] : memref<2x128xi32, #tpu.memory_space<vmem>> -> memref<1x128xi32, #tpu.memory_space<vmem>>
        %dma_start3A_108 = tpu.memref_squeeze %dma_start3A_107 : memref<1x128xi32, #tpu.memory_space<vmem>> -> memref<128xi32, #tpu.memory_space<vmem>>
        %dma_start3A_109 = arith.constant 0 : i32
        %dma_start3A_110 = arith.constant 0 : i32
        %dma_start3A_111 = tpu.memref_slice %arg12[%dma_start3A_109, %dma_start3A_110] : memref<10240x128xf32, #tpu.memory_space<vmem_shared>> -> memref<10240x128xf32, #tpu.memory_space<vmem_shared>>
        tpu.enqueue_indirect_dma source(%arg10 : memref<128x128xf32, #tpu.memory_space<vmem>>) target(%dma_start3A_111 : memref<10240x128xf32, #tpu.memory_space<vmem_shared>>) offsets(%dma_start3A_108 : memref<128xi32, #tpu.memory_space<vmem>>) semaphore(%arg16 : memref<!tpu.dma_semaphore, #tpu.memory_space<semaphore_mem>>) {add = true}
        %scan3A_112 = arith.constant 0 : i32
        scf.yield %scan3A_112 : i32
      }
      %scan3A_48 = arith.constant 80 : i32
      %dma_wait3A = arith.constant 1 : i32
      %dma_wait3A_49 = arith.constant 0 : i32
      %dma_wait3A_50 = tpu.memref_slice %arg8[%dma_wait3A, %dma_wait3A_49] : memref<2x128xi32, #tpu.memory_space<vmem>> -> memref<1x128xi32, #tpu.memory_space<vmem>>
      %dma_wait3A_51 = tpu.memref_squeeze %dma_wait3A_50 : memref<1x128xi32, #tpu.memory_space<vmem>> -> memref<128xi32, #tpu.memory_space<vmem>>
      %dma_wait3A_52 = arith.constant 0 : i32
      %dma_wait3A_53 = arith.constant 0 : i32
      %dma_wait3A_54 = tpu.memref_slice %arg12[%dma_wait3A_52, %dma_wait3A_53] : memref<10240x128xf32, #tpu.memory_space<vmem_shared>> -> memref<10240x128xf32, #tpu.memory_space<vmem_shared>>
      tpu.wait_indirect_dma semaphore(%arg16 : memref<!tpu.dma_semaphore, #tpu.memory_space<semaphore_mem>>) src(%arg10 : memref<128x128xf32, #tpu.memory_space<vmem>>) dst(%dma_wait3A_54 : memref<10240x128xf32, #tpu.memory_space<vmem_shared>>)
    } else {
    }
    %eq3A_26 = arith.constant 1 : i32
    %eq3A_27 = arith.cmpi eq, %arg0, %eq3A_26 : i32
    %convert_element_type3A_28 = arith.extui %eq3A_27 : i1 to i32
    %cond3A_29 = arith.constant 0 : i32
    %cond3A_30 = arith.cmpi ne, %convert_element_type3A_28, %cond3A_29 : i32
    scf.if %cond3A_30 {
      %scan3A_42 = arith.constant 0 : i32
      %scan3A_43 = arith.constant 0 : i32
      %scan3A_44 = arith.constant 80 : i32
      %scan3A_45 = arith.addi %scan3A_43, %scan3A_44 : i32
      %scan3A_46 = arith.constant 1 : i32
      %scan3A_47 = scf.for %scan3A_55 = %scan3A_43 to %scan3A_45 step %scan3A_46 iter_args(%scan3A_56 = %scan3A_42) -> (i32)  : i32 {
        %ge3A = arith.constant 1 : i32
        %ge3A_57 = arith.cmpi sge, %scan3A_55, %ge3A : i32
        %convert_element_type3A_58 = arith.extui %ge3A_57 : i1 to i32
        %cond3A_59 = arith.constant 0 : i32
        %cond3A_60 = arith.cmpi ne, %convert_element_type3A_58, %cond3A_59 : i32
        scf.if %cond3A_60 {
          %dma_wait3A_113 = arith.constant 1 : i32
          %dma_wait3A_114 = arith.constant 0 : i32
          %dma_wait3A_115 = tpu.memref_slice %arg8[%dma_wait3A_113, %dma_wait3A_114] : memref<2x128xi32, #tpu.memory_space<vmem>> -> memref<1x128xi32, #tpu.memory_space<vmem>>
          %dma_wait3A_116 = tpu.memref_squeeze %dma_wait3A_115 : memref<1x128xi32, #tpu.memory_space<vmem>> -> memref<128xi32, #tpu.memory_space<vmem>>
          %dma_wait3A_117 = arith.constant 0 : i32
          %dma_wait3A_118 = arith.constant 0 : i32
          %dma_wait3A_119 = tpu.memref_slice %arg12[%dma_wait3A_117, %dma_wait3A_118] : memref<10240x128xf32, #tpu.memory_space<vmem_shared>> -> memref<10240x128xf32, #tpu.memory_space<vmem_shared>>
          tpu.wait_indirect_dma semaphore(%arg16 : memref<!tpu.dma_semaphore, #tpu.memory_space<semaphore_mem>>) src(%arg10 : memref<128x128xf32, #tpu.memory_space<vmem>>) dst(%dma_wait3A_119 : memref<10240x128xf32, #tpu.memory_space<vmem_shared>>)
        } else {
        }
        %mul3A_61 = arith.constant 2 : i32
        %mul3A_62 = arith.muli %mul3A_61, %scan3A_55 : i32
        %add3A = arith.addi %mul3A_6, %mul3A_62 : i32
        %add3A_63 = arith.constant 1 : i32
        %add3A_64 = arith.addi %add3A, %add3A_63 : i32
        "tpu.region"() ({
          %run_scoped3A = tpu.sem_alloc : memref<!tpu.dma_semaphore, #tpu.memory_space<semaphore_mem>>
          %dma_start3A_113 = arith.constant 0 : i32
          %dma_start3A_114 = arith.constant 0 : i32
          %dma_start3A_115 = tpu.memref_slice %arg4[%add3A_64, %dma_start3A_113, %dma_start3A_114] : memref<2560x2x128xi32, #tpu.memory_space<hbm>> -> memref<1x2x128xi32, #tpu.memory_space<hbm>>
          %dma_start3A_116 = tpu.memref_squeeze %dma_start3A_115 : memref<1x2x128xi32, #tpu.memory_space<hbm>> -> memref<2x128xi32, #tpu.memory_space<hbm>>
          %dma_start3A_117 = arith.constant 0 : i32
          %dma_start3A_118 = arith.constant 0 : i32
          %dma_start3A_119 = tpu.memref_slice %arg4[%add3A_64, %dma_start3A_117, %dma_start3A_118] : memref<2560x2x128xi32, #tpu.memory_space<hbm>> -> memref<1x2x128xi32, #tpu.memory_space<hbm>>
          %dma_start3A_120 = tpu.memref_squeeze %dma_start3A_119 : memref<1x2x128xi32, #tpu.memory_space<hbm>> -> memref<2x128xi32, #tpu.memory_space<hbm>>
          tpu.enqueue_dma source(%dma_start3A_120 : memref<2x128xi32, #tpu.memory_space<hbm>>) target(%arg8 : memref<2x128xi32, #tpu.memory_space<vmem>>) target_semaphore(%run_scoped3A : memref<!tpu.dma_semaphore, #tpu.memory_space<semaphore_mem>>)
          %dma_wait3A_121 = arith.constant 0 : i32
          %dma_wait3A_122 = arith.constant 0 : i32
          %dma_wait3A_123 = tpu.memref_slice %arg4[%add3A_64, %dma_wait3A_121, %dma_wait3A_122] : memref<2560x2x128xi32, #tpu.memory_space<hbm>> -> memref<1x2x128xi32, #tpu.memory_space<hbm>>
          %dma_wait3A_124 = tpu.memref_squeeze %dma_wait3A_123 : memref<1x2x128xi32, #tpu.memory_space<hbm>> -> memref<2x128xi32, #tpu.memory_space<hbm>>
          %dma_wait3A_125 = arith.constant 0 : i32
          %dma_wait3A_126 = arith.constant 0 : i32
          %dma_wait3A_127 = tpu.memref_slice %arg4[%add3A_64, %dma_wait3A_125, %dma_wait3A_126] : memref<2560x2x128xi32, #tpu.memory_space<hbm>> -> memref<1x2x128xi32, #tpu.memory_space<hbm>>
          %dma_wait3A_128 = tpu.memref_squeeze %dma_wait3A_127 : memref<1x2x128xi32, #tpu.memory_space<hbm>> -> memref<2x128xi32, #tpu.memory_space<hbm>>
          tpu.wait_dma2 semaphore(%run_scoped3A : memref<!tpu.dma_semaphore, #tpu.memory_space<semaphore_mem>>) src(%dma_wait3A_128 : memref<2x128xi32, #tpu.memory_space<hbm>>) dst(%arg8 : memref<2x128xi32, #tpu.memory_space<vmem>>)
          tpu.yield
        }) : () -> ()
        %dma_start3A = arith.constant 0 : i32
        %dma_start3A_65 = arith.constant 0 : i32
        %dma_start3A_66 = tpu.memref_slice %arg8[%dma_start3A, %dma_start3A_65] : memref<2x128xi32, #tpu.memory_space<vmem>> -> memref<1x128xi32, #tpu.memory_space<vmem>>
        %dma_start3A_67 = tpu.memref_squeeze %dma_start3A_66 : memref<1x128xi32, #tpu.memory_space<vmem>> -> memref<128xi32, #tpu.memory_space<vmem>>
        %dma_start3A_68 = arith.constant 0 : i32
        %dma_start3A_69 = arith.constant 0 : i32
        %dma_start3A_70 = tpu.memref_slice %arg3[%dma_start3A_68, %dma_start3A_69] : memref<10240x128xf32, #tpu.memory_space<hbm>> -> memref<10240x128xf32, #tpu.memory_space<hbm>>
        tpu.enqueue_indirect_dma source(%dma_start3A_70 : memref<10240x128xf32, #tpu.memory_space<hbm>>) target(%arg10 : memref<128x128xf32, #tpu.memory_space<vmem>>) offsets(%dma_start3A_67 : memref<128xi32, #tpu.memory_space<vmem>>) semaphore(%arg14 : memref<!tpu.dma_semaphore, #tpu.memory_space<semaphore_mem>>)
        %dma_wait3A_71 = arith.constant 0 : i32
        %dma_wait3A_72 = arith.constant 0 : i32
        %dma_wait3A_73 = tpu.memref_slice %arg7[%dma_wait3A_71, %dma_wait3A_72] : memref<2x128xi32, #tpu.memory_space<vmem>> -> memref<1x128xi32, #tpu.memory_space<vmem>>
        %dma_wait3A_74 = tpu.memref_squeeze %dma_wait3A_73 : memref<1x128xi32, #tpu.memory_space<vmem>> -> memref<128xi32, #tpu.memory_space<vmem>>
        %dma_wait3A_75 = arith.constant 0 : i32
        %dma_wait3A_76 = arith.constant 0 : i32
        %dma_wait3A_77 = tpu.memref_slice %arg3[%dma_wait3A_75, %dma_wait3A_76] : memref<10240x128xf32, #tpu.memory_space<hbm>> -> memref<10240x128xf32, #tpu.memory_space<hbm>>
        tpu.wait_indirect_dma semaphore(%arg13 : memref<!tpu.dma_semaphore, #tpu.memory_space<semaphore_mem>>) src(%dma_wait3A_77 : memref<10240x128xf32, #tpu.memory_space<hbm>>) dst(%arg9 : memref<128x128xf32, #tpu.memory_space<vmem>>)
        %dma_start3A_78 = arith.constant 1 : i32
        %dma_start3A_79 = arith.constant 0 : i32
        %dma_start3A_80 = tpu.memref_slice %arg7[%dma_start3A_78, %dma_start3A_79] : memref<2x128xi32, #tpu.memory_space<vmem>> -> memref<1x128xi32, #tpu.memory_space<vmem>>
        %dma_start3A_81 = tpu.memref_squeeze %dma_start3A_80 : memref<1x128xi32, #tpu.memory_space<vmem>> -> memref<128xi32, #tpu.memory_space<vmem>>
        %dma_start3A_82 = arith.constant 0 : i32
        %dma_start3A_83 = arith.constant 0 : i32
        %dma_start3A_84 = tpu.memref_slice %arg12[%dma_start3A_82, %dma_start3A_83] : memref<10240x128xf32, #tpu.memory_space<vmem_shared>> -> memref<10240x128xf32, #tpu.memory_space<vmem_shared>>
        tpu.enqueue_indirect_dma source(%arg9 : memref<128x128xf32, #tpu.memory_space<vmem>>) target(%dma_start3A_84 : memref<10240x128xf32, #tpu.memory_space<vmem_shared>>) offsets(%dma_start3A_81 : memref<128xi32, #tpu.memory_space<vmem>>) semaphore(%arg15 : memref<!tpu.dma_semaphore, #tpu.memory_space<semaphore_mem>>) {add = true}
        %dma_wait3A_85 = arith.constant 1 : i32
        %dma_wait3A_86 = arith.constant 0 : i32
        %dma_wait3A_87 = tpu.memref_slice %arg7[%dma_wait3A_85, %dma_wait3A_86] : memref<2x128xi32, #tpu.memory_space<vmem>> -> memref<1x128xi32, #tpu.memory_space<vmem>>
        %dma_wait3A_88 = tpu.memref_squeeze %dma_wait3A_87 : memref<1x128xi32, #tpu.memory_space<vmem>> -> memref<128xi32, #tpu.memory_space<vmem>>
        %dma_wait3A_89 = arith.constant 0 : i32
        %dma_wait3A_90 = arith.constant 0 : i32
        %dma_wait3A_91 = tpu.memref_slice %arg12[%dma_wait3A_89, %dma_wait3A_90] : memref<10240x128xf32, #tpu.memory_space<vmem_shared>> -> memref<10240x128xf32, #tpu.memory_space<vmem_shared>>
        tpu.wait_indirect_dma semaphore(%arg15 : memref<!tpu.dma_semaphore, #tpu.memory_space<semaphore_mem>>) src(%arg9 : memref<128x128xf32, #tpu.memory_space<vmem>>) dst(%dma_wait3A_91 : memref<10240x128xf32, #tpu.memory_space<vmem_shared>>)
        %add3A_92 = arith.constant 1 : i32
        %add3A_93 = arith.addi %scan3A_55, %add3A_92 : i32
        %lt3A = arith.constant 80 : i32
        %lt3A_94 = arith.cmpi slt, %add3A_93, %lt3A : i32
        %convert_element_type3A_95 = arith.extui %lt3A_94 : i1 to i32
        %cond3A_96 = arith.constant 0 : i32
        %cond3A_97 = arith.cmpi ne, %convert_element_type3A_95, %cond3A_96 : i32
        scf.if %cond3A_97 {
          %mul3A_113 = arith.constant 2 : i32
          %mul3A_114 = arith.muli %mul3A_113, %scan3A_55 : i32
          %add3A_115 = arith.addi %mul3A_6, %mul3A_114 : i32
          %add3A_116 = arith.constant 2 : i32
          %add3A_117 = arith.addi %add3A_115, %add3A_116 : i32
          "tpu.region"() ({
            %run_scoped3A = tpu.sem_alloc : memref<!tpu.dma_semaphore, #tpu.memory_space<semaphore_mem>>
            %dma_start3A_125 = arith.constant 0 : i32
            %dma_start3A_126 = arith.constant 0 : i32
            %dma_start3A_127 = tpu.memref_slice %arg4[%add3A_117, %dma_start3A_125, %dma_start3A_126] : memref<2560x2x128xi32, #tpu.memory_space<hbm>> -> memref<1x2x128xi32, #tpu.memory_space<hbm>>
            %dma_start3A_128 = tpu.memref_squeeze %dma_start3A_127 : memref<1x2x128xi32, #tpu.memory_space<hbm>> -> memref<2x128xi32, #tpu.memory_space<hbm>>
            %dma_start3A_129 = arith.constant 0 : i32
            %dma_start3A_130 = arith.constant 0 : i32
            %dma_start3A_131 = tpu.memref_slice %arg4[%add3A_117, %dma_start3A_129, %dma_start3A_130] : memref<2560x2x128xi32, #tpu.memory_space<hbm>> -> memref<1x2x128xi32, #tpu.memory_space<hbm>>
            %dma_start3A_132 = tpu.memref_squeeze %dma_start3A_131 : memref<1x2x128xi32, #tpu.memory_space<hbm>> -> memref<2x128xi32, #tpu.memory_space<hbm>>
            tpu.enqueue_dma source(%dma_start3A_132 : memref<2x128xi32, #tpu.memory_space<hbm>>) target(%arg7 : memref<2x128xi32, #tpu.memory_space<vmem>>) target_semaphore(%run_scoped3A : memref<!tpu.dma_semaphore, #tpu.memory_space<semaphore_mem>>)
            %dma_wait3A_133 = arith.constant 0 : i32
            %dma_wait3A_134 = arith.constant 0 : i32
            %dma_wait3A_135 = tpu.memref_slice %arg4[%add3A_117, %dma_wait3A_133, %dma_wait3A_134] : memref<2560x2x128xi32, #tpu.memory_space<hbm>> -> memref<1x2x128xi32, #tpu.memory_space<hbm>>
            %dma_wait3A_136 = tpu.memref_squeeze %dma_wait3A_135 : memref<1x2x128xi32, #tpu.memory_space<hbm>> -> memref<2x128xi32, #tpu.memory_space<hbm>>
            %dma_wait3A_137 = arith.constant 0 : i32
            %dma_wait3A_138 = arith.constant 0 : i32
            %dma_wait3A_139 = tpu.memref_slice %arg4[%add3A_117, %dma_wait3A_137, %dma_wait3A_138] : memref<2560x2x128xi32, #tpu.memory_space<hbm>> -> memref<1x2x128xi32, #tpu.memory_space<hbm>>
            %dma_wait3A_140 = tpu.memref_squeeze %dma_wait3A_139 : memref<1x2x128xi32, #tpu.memory_space<hbm>> -> memref<2x128xi32, #tpu.memory_space<hbm>>
            tpu.wait_dma2 semaphore(%run_scoped3A : memref<!tpu.dma_semaphore, #tpu.memory_space<semaphore_mem>>) src(%dma_wait3A_140 : memref<2x128xi32, #tpu.memory_space<hbm>>) dst(%arg7 : memref<2x128xi32, #tpu.memory_space<vmem>>)
            tpu.yield
          }) : () -> ()
          %dma_start3A_118 = arith.constant 0 : i32
          %dma_start3A_119 = arith.constant 0 : i32
          %dma_start3A_120 = tpu.memref_slice %arg7[%dma_start3A_118, %dma_start3A_119] : memref<2x128xi32, #tpu.memory_space<vmem>> -> memref<1x128xi32, #tpu.memory_space<vmem>>
          %dma_start3A_121 = tpu.memref_squeeze %dma_start3A_120 : memref<1x128xi32, #tpu.memory_space<vmem>> -> memref<128xi32, #tpu.memory_space<vmem>>
          %dma_start3A_122 = arith.constant 0 : i32
          %dma_start3A_123 = arith.constant 0 : i32
          %dma_start3A_124 = tpu.memref_slice %arg3[%dma_start3A_122, %dma_start3A_123] : memref<10240x128xf32, #tpu.memory_space<hbm>> -> memref<10240x128xf32, #tpu.memory_space<hbm>>
          tpu.enqueue_indirect_dma source(%dma_start3A_124 : memref<10240x128xf32, #tpu.memory_space<hbm>>) target(%arg9 : memref<128x128xf32, #tpu.memory_space<vmem>>) offsets(%dma_start3A_121 : memref<128xi32, #tpu.memory_space<vmem>>) semaphore(%arg13 : memref<!tpu.dma_semaphore, #tpu.memory_space<semaphore_mem>>)
        } else {
        }
        %dma_wait3A_98 = arith.constant 0 : i32
        %dma_wait3A_99 = arith.constant 0 : i32
        %dma_wait3A_100 = tpu.memref_slice %arg8[%dma_wait3A_98, %dma_wait3A_99] : memref<2x128xi32, #tpu.memory_space<vmem>> -> memref<1x128xi32, #tpu.memory_space<vmem>>
        %dma_wait3A_101 = tpu.memref_squeeze %dma_wait3A_100 : memref<1x128xi32, #tpu.memory_space<vmem>> -> memref<128xi32, #tpu.memory_space<vmem>>
        %dma_wait3A_102 = arith.constant 0 : i32
        %dma_wait3A_103 = arith.constant 0 : i32
        %dma_wait3A_104 = tpu.memref_slice %arg3[%dma_wait3A_102, %dma_wait3A_103] : memref<10240x128xf32, #tpu.memory_space<hbm>> -> memref<10240x128xf32, #tpu.memory_space<hbm>>
        tpu.wait_indirect_dma semaphore(%arg14 : memref<!tpu.dma_semaphore, #tpu.memory_space<semaphore_mem>>) src(%dma_wait3A_104 : memref<10240x128xf32, #tpu.memory_space<hbm>>) dst(%arg10 : memref<128x128xf32, #tpu.memory_space<vmem>>)
        %dma_start3A_105 = arith.constant 1 : i32
        %dma_start3A_106 = arith.constant 0 : i32
        %dma_start3A_107 = tpu.memref_slice %arg8[%dma_start3A_105, %dma_start3A_106] : memref<2x128xi32, #tpu.memory_space<vmem>> -> memref<1x128xi32, #tpu.memory_space<vmem>>
        %dma_start3A_108 = tpu.memref_squeeze %dma_start3A_107 : memref<1x128xi32, #tpu.memory_space<vmem>> -> memref<128xi32, #tpu.memory_space<vmem>>
        %dma_start3A_109 = arith.constant 0 : i32
        %dma_start3A_110 = arith.constant 0 : i32
        %dma_start3A_111 = tpu.memref_slice %arg12[%dma_start3A_109, %dma_start3A_110] : memref<10240x128xf32, #tpu.memory_space<vmem_shared>> -> memref<10240x128xf32, #tpu.memory_space<vmem_shared>>
        tpu.enqueue_indirect_dma source(%arg10 : memref<128x128xf32, #tpu.memory_space<vmem>>) target(%dma_start3A_111 : memref<10240x128xf32, #tpu.memory_space<vmem_shared>>) offsets(%dma_start3A_108 : memref<128xi32, #tpu.memory_space<vmem>>) semaphore(%arg16 : memref<!tpu.dma_semaphore, #tpu.memory_space<semaphore_mem>>) {add = true}
        %scan3A_112 = arith.constant 0 : i32
        scf.yield %scan3A_112 : i32
      }
      %scan3A_48 = arith.constant 80 : i32
      %dma_wait3A = arith.constant 1 : i32
      %dma_wait3A_49 = arith.constant 0 : i32
      %dma_wait3A_50 = tpu.memref_slice %arg8[%dma_wait3A, %dma_wait3A_49] : memref<2x128xi32, #tpu.memory_space<vmem>> -> memref<1x128xi32, #tpu.memory_space<vmem>>
      %dma_wait3A_51 = tpu.memref_squeeze %dma_wait3A_50 : memref<1x128xi32, #tpu.memory_space<vmem>> -> memref<128xi32, #tpu.memory_space<vmem>>
      %dma_wait3A_52 = arith.constant 0 : i32
      %dma_wait3A_53 = arith.constant 0 : i32
      %dma_wait3A_54 = tpu.memref_slice %arg12[%dma_wait3A_52, %dma_wait3A_53] : memref<10240x128xf32, #tpu.memory_space<vmem_shared>> -> memref<10240x128xf32, #tpu.memory_space<vmem_shared>>
      tpu.wait_indirect_dma semaphore(%arg16 : memref<!tpu.dma_semaphore, #tpu.memory_space<semaphore_mem>>) src(%arg10 : memref<128x128xf32, #tpu.memory_space<vmem>>) dst(%dma_wait3A_54 : memref<10240x128xf32, #tpu.memory_space<vmem_shared>>)
    } else {
    }
    %barrier3A_31 = arith.constant 0 : index
    tpu.barrier barrier_id(%barrier3A_31)
    %eq3A_32 = arith.constant 0 : i32
    %eq3A_33 = arith.cmpi eq, %arg0, %eq3A_32 : i32
    %convert_element_type3A_34 = arith.extui %eq3A_33 : i1 to i32
    %cond3A_35 = arith.constant 0 : i32
    %cond3A_36 = arith.cmpi ne, %convert_element_type3A_34, %cond3A_35 : i32
    scf.if %cond3A_36 {
      %scan3A_42 = arith.constant 0 : i32
      %scan3A_43 = arith.constant 0 : i32
      %scan3A_44 = arith.constant 10 : i32
      %scan3A_45 = arith.addi %scan3A_43, %scan3A_44 : i32
      %scan3A_46 = arith.constant 1 : i32
      %scan3A_47 = scf.for %scan3A_49 = %scan3A_43 to %scan3A_45 step %scan3A_46 iter_args(%scan3A_50 = %scan3A_42) -> (i32)  : i32 {
        %mul3A_51 = arith.constant 640 : i32
        %mul3A_52 = arith.muli %arg1, %mul3A_51 : i32
        %mul3A_53 = arith.constant 64 : i32
        %mul3A_54 = arith.muli %scan3A_49, %mul3A_53 : i32
        %add3A = arith.addi %mul3A_52, %mul3A_54 : i32
        "tpu.region"() ({
          %run_scoped3A = tpu.sem_alloc : memref<!tpu.dma_semaphore, #tpu.memory_space<semaphore_mem>>
          %dma_start3A = arith.constant 0 : i32
          %dma_start3A_56 = tpu.memref_slice %arg12[%add3A, %dma_start3A] : memref<10240x128xf32, #tpu.memory_space<vmem_shared>> -> memref<64x128xf32, #tpu.memory_space<vmem_shared>>
          %dma_start3A_57 = arith.constant 0 : i32
          %dma_start3A_58 = tpu.memref_slice %arg12[%add3A, %dma_start3A_57] : memref<10240x128xf32, #tpu.memory_space<vmem_shared>> -> memref<64x128xf32, #tpu.memory_space<vmem_shared>>
          tpu.enqueue_dma source(%dma_start3A_58 : memref<64x128xf32, #tpu.memory_space<vmem_shared>>) target(%arg11 : memref<64x128xf32, #tpu.memory_space<vmem>>) target_semaphore(%run_scoped3A : memref<!tpu.dma_semaphore, #tpu.memory_space<semaphore_mem>>)
          %dma_wait3A = arith.constant 0 : i32
          %dma_wait3A_59 = tpu.memref_slice %arg12[%add3A, %dma_wait3A] : memref<10240x128xf32, #tpu.memory_space<vmem_shared>> -> memref<64x128xf32, #tpu.memory_space<vmem_shared>>
          %dma_wait3A_60 = arith.constant 0 : i32
          %dma_wait3A_61 = tpu.memref_slice %arg12[%add3A, %dma_wait3A_60] : memref<10240x128xf32, #tpu.memory_space<vmem_shared>> -> memref<64x128xf32, #tpu.memory_space<vmem_shared>>
          tpu.wait_dma2 semaphore(%run_scoped3A : memref<!tpu.dma_semaphore, #tpu.memory_space<semaphore_mem>>) src(%dma_wait3A_61 : memref<64x128xf32, #tpu.memory_space<vmem_shared>>) dst(%arg11 : memref<64x128xf32, #tpu.memory_space<vmem>>)
          tpu.yield
        }) : () -> ()
        "tpu.region"() ({
          %run_scoped3A = tpu.sem_alloc : memref<!tpu.dma_semaphore, #tpu.memory_space<semaphore_mem>>
          %dma_start3A = arith.constant 0 : i32
          %dma_start3A_56 = tpu.memref_slice %arg5[%add3A, %dma_start3A] : memref<10240x128xf32, #tpu.memory_space<hbm>> -> memref<64x128xf32, #tpu.memory_space<hbm>>
          %dma_start3A_57 = arith.constant 0 : i32
          %dma_start3A_58 = tpu.memref_slice %arg5[%add3A, %dma_start3A_57] : memref<10240x128xf32, #tpu.memory_space<hbm>> -> memref<64x128xf32, #tpu.memory_space<hbm>>
          tpu.enqueue_dma source(%arg11 : memref<64x128xf32, #tpu.memory_space<vmem>>) target(%dma_start3A_58 : memref<64x128xf32, #tpu.memory_space<hbm>>) target_semaphore(%run_scoped3A : memref<!tpu.dma_semaphore, #tpu.memory_space<semaphore_mem>>)
          %dma_wait3A = arith.constant 0 : i32
          %dma_wait3A_59 = tpu.memref_slice %arg5[%add3A, %dma_wait3A] : memref<10240x128xf32, #tpu.memory_space<hbm>> -> memref<64x128xf32, #tpu.memory_space<hbm>>
          %dma_wait3A_60 = arith.constant 0 : i32
          %dma_wait3A_61 = tpu.memref_slice %arg5[%add3A, %dma_wait3A_60] : memref<10240x128xf32, #tpu.memory_space<hbm>> -> memref<64x128xf32, #tpu.memory_space<hbm>>
          tpu.wait_dma2 semaphore(%run_scoped3A : memref<!tpu.dma_semaphore, #tpu.memory_space<semaphore_mem>>) src(%arg11 : memref<64x128xf32, #tpu.memory_space<vmem>>) dst(%dma_wait3A_61 : memref<64x128xf32, #tpu.memory_space<hbm>>)
          tpu.yield
        }) : () -> ()
        %scan3A_55 = arith.constant 0 : i32
        scf.yield %scan3A_55 : i32
      }
      %scan3A_48 = arith.constant 10 : i32
    } else {
    }
    %eq3A_37 = arith.constant 1 : i32
    %eq3A_38 = arith.cmpi eq, %arg0, %eq3A_37 : i32
    %convert_element_type3A_39 = arith.extui %eq3A_38 : i1 to i32
    %cond3A_40 = arith.constant 0 : i32
    %cond3A_41 = arith.cmpi ne, %convert_element_type3A_39, %cond3A_40 : i32
    scf.if %cond3A_41 {
      %scan3A_42 = arith.constant 0 : i32
      %scan3A_43 = arith.constant 0 : i32
      %scan3A_44 = arith.constant 10 : i32
      %scan3A_45 = arith.addi %scan3A_43, %scan3A_44 : i32
      %scan3A_46 = arith.constant 1 : i32
      %scan3A_47 = scf.for %scan3A_49 = %scan3A_43 to %scan3A_45 step %scan3A_46 iter_args(%scan3A_50 = %scan3A_42) -> (i32)  : i32 {
        %mul3A_51 = arith.constant 640 : i32
        %mul3A_52 = arith.muli %arg1, %mul3A_51 : i32
        %mul3A_53 = arith.constant 64 : i32
        %mul3A_54 = arith.muli %scan3A_49, %mul3A_53 : i32
        %add3A = arith.addi %mul3A_52, %mul3A_54 : i32
        "tpu.region"() ({
          %run_scoped3A = tpu.sem_alloc : memref<!tpu.dma_semaphore, #tpu.memory_space<semaphore_mem>>
          %dma_start3A = arith.constant 0 : i32
          %dma_start3A_56 = tpu.memref_slice %arg12[%add3A, %dma_start3A] : memref<10240x128xf32, #tpu.memory_space<vmem_shared>> -> memref<64x128xf32, #tpu.memory_space<vmem_shared>>
          %dma_start3A_57 = arith.constant 0 : i32
          %dma_start3A_58 = tpu.memref_slice %arg12[%add3A, %dma_start3A_57] : memref<10240x128xf32, #tpu.memory_space<vmem_shared>> -> memref<64x128xf32, #tpu.memory_space<vmem_shared>>
          tpu.enqueue_dma source(%dma_start3A_58 : memref<64x128xf32, #tpu.memory_space<vmem_shared>>) target(%arg11 : memref<64x128xf32, #tpu.memory_space<vmem>>) target_semaphore(%run_scoped3A : memref<!tpu.dma_semaphore, #tpu.memory_space<semaphore_mem>>)
          %dma_wait3A = arith.constant 0 : i32
          %dma_wait3A_59 = tpu.memref_slice %arg12[%add3A, %dma_wait3A] : memref<10240x128xf32, #tpu.memory_space<vmem_shared>> -> memref<64x128xf32, #tpu.memory_space<vmem_shared>>
          %dma_wait3A_60 = arith.constant 0 : i32
          %dma_wait3A_61 = tpu.memref_slice %arg12[%add3A, %dma_wait3A_60] : memref<10240x128xf32, #tpu.memory_space<vmem_shared>> -> memref<64x128xf32, #tpu.memory_space<vmem_shared>>
          tpu.wait_dma2 semaphore(%run_scoped3A : memref<!tpu.dma_semaphore, #tpu.memory_space<semaphore_mem>>) src(%dma_wait3A_61 : memref<64x128xf32, #tpu.memory_space<vmem_shared>>) dst(%arg11 : memref<64x128xf32, #tpu.memory_space<vmem>>)
          tpu.yield
        }) : () -> ()
        "tpu.region"() ({
          %run_scoped3A = tpu.sem_alloc : memref<!tpu.dma_semaphore, #tpu.memory_space<semaphore_mem>>
          %dma_start3A = arith.constant 0 : i32
          %dma_start3A_56 = tpu.memref_slice %arg6[%add3A, %dma_start3A] : memref<10240x128xf32, #tpu.memory_space<hbm>> -> memref<64x128xf32, #tpu.memory_space<hbm>>
          %dma_start3A_57 = arith.constant 0 : i32
          %dma_start3A_58 = tpu.memref_slice %arg6[%add3A, %dma_start3A_57] : memref<10240x128xf32, #tpu.memory_space<hbm>> -> memref<64x128xf32, #tpu.memory_space<hbm>>
          tpu.enqueue_dma source(%arg11 : memref<64x128xf32, #tpu.memory_space<vmem>>) target(%dma_start3A_58 : memref<64x128xf32, #tpu.memory_space<hbm>>) target_semaphore(%run_scoped3A : memref<!tpu.dma_semaphore, #tpu.memory_space<semaphore_mem>>)
          %dma_wait3A = arith.constant 0 : i32
          %dma_wait3A_59 = tpu.memref_slice %arg6[%add3A, %dma_wait3A] : memref<10240x128xf32, #tpu.memory_space<hbm>> -> memref<64x128xf32, #tpu.memory_space<hbm>>
          %dma_wait3A_60 = arith.constant 0 : i32
          %dma_wait3A_61 = tpu.memref_slice %arg6[%add3A, %dma_wait3A_60] : memref<10240x128xf32, #tpu.memory_space<hbm>> -> memref<64x128xf32, #tpu.memory_space<hbm>>
          tpu.wait_dma2 semaphore(%run_scoped3A : memref<!tpu.dma_semaphore, #tpu.memory_space<semaphore_mem>>) src(%arg11 : memref<64x128xf32, #tpu.memory_space<vmem>>) dst(%dma_wait3A_61 : memref<64x128xf32, #tpu.memory_space<hbm>>)
          tpu.yield
        }) : () -> ()
        %scan3A_55 = arith.constant 0 : i32
        scf.yield %scan3A_55 : i32
      }
      %scan3A_48 = arith.constant 10 : i32
    } else {
    }
    return
  }
}

#map = affine_map<(d0, d1) -> (0, 0)>
#map1 = affine_map<(d0, d1) -> (0, 0, 0)>
module attributes {stable_mosaic.version = 14 : i64} {
  func.func @prop_kernel(%arg0: i32, %arg1: i32, %arg2: memref<10240x128xf32, #tpu.memory_space<hbm>>, %arg3: memref<10240x128xf32, #tpu.memory_space<hbm>>, %arg4: memref<2560x2x128xi32, #tpu.memory_space<hbm>>, %arg5: memref<10240x128xf32, #tpu.memory_space<hbm>>, %arg6: memref<10240x128xf32, #tpu.memory_space<hbm>>, %arg7: memref<2x128xi32, #tpu.memory_space<vmem>>, %arg8: memref<2x128xi32, #tpu.memory_space<vmem>>, %arg9: memref<128x128xf32, #tpu.memory_space<vmem>>, %arg10: memref<128x128xf32, #tpu.memory_space<vmem>>, %arg11: memref<64x128xf32, #tpu.memory_space<vmem>>, %arg12: memref<10240x128xf32, #tpu.memory_space<vmem_shared>>, %arg13: memref<!tpu.dma_semaphore, #tpu.memory_space<semaphore_mem>>, %arg14: memref<!tpu.dma_semaphore, #tpu.memory_space<semaphore_mem>>, %arg15: memref<!tpu.dma_semaphore, #tpu.memory_space<semaphore_mem>>, %arg16: memref<!tpu.dma_semaphore, #tpu.memory_space<semaphore_mem>>) attributes {dimension_semantics = [#tpu.dimension_semantics<core_parallel>, #tpu.dimension_semantics<subcore_parallel>], iteration_bounds = array<i64: 2, 16>, scalar_prefetch = 0 : i64, scratch_operands = 10 : i64, tpu.core_type = #tpu.core_type<sc_vector_subcore>, window_params = [{transform_indices = #map}, {transform_indices = #map}, {transform_indices = #map1}, {transform_indices = #map}, {transform_indices = #map}]} {
    %scan3A = arith.constant 0 : i32
    %scan3A_0 = arith.constant 0 : i32
    %scan3A_1 = arith.constant 512 : i32
    %scan3A_2 = arith.addi %scan3A_0, %scan3A_1 : i32
    %scan3A_3 = arith.constant 1 : i32
    %scan3A_4 = scf.for %scan3A_42 = %scan3A_0 to %scan3A_2 step %scan3A_3 iter_args(%scan3A_43 = %scan3A) -> (i32)  : i32 {
      %broadcast_in_dim3A = arith.constant 0.000000e+00 : f32
      %broadcast_in_dim3A_44 = vector.broadcast %broadcast_in_dim3A : f32 to vector<16xf32>
      %jit3A = arith.constant 8 : i32
      %div3A = arith.divsi %scan3A_42, %jit3A : i32
      %sign3A = arith.constant 0 : i32
      %sign3A_45 = arith.cmpi sgt, %scan3A_42, %sign3A : i32
      %sign3A_46 = arith.extui %sign3A_45 : i1 to i32
      %sign3A_47 = arith.constant 0 : i32
      %sign3A_48 = arith.cmpi slt, %scan3A_42, %sign3A_47 : i32
      %sign3A_49 = arith.extui %sign3A_48 : i1 to i32
      %sign3A_50 = arith.subi %sign3A_46, %sign3A_49 : i32
      %sign3A_51 = arith.constant 0 : i32
      %sign3A_52 = arith.cmpi sgt, %jit3A, %sign3A_51 : i32
      %sign3A_53 = arith.extui %sign3A_52 : i1 to i32
      %sign3A_54 = arith.constant 0 : i32
      %sign3A_55 = arith.cmpi slt, %jit3A, %sign3A_54 : i32
      %sign3A_56 = arith.extui %sign3A_55 : i1 to i32
      %sign3A_57 = arith.subi %sign3A_53, %sign3A_56 : i32
      %ne3A = arith.cmpi ne, %sign3A_50, %sign3A_57 : i32
      %rem3A = arith.remsi %scan3A_42, %jit3A : i32
      %ne3A_58 = arith.constant 0 : i32
      %ne3A_59 = arith.cmpi ne, %rem3A, %ne3A_58 : i32
      %and3A = arith.andi %ne3A, %ne3A_59 : i1
      %sub3A = arith.constant 1 : i32
      %sub3A_60 = arith.subi %div3A, %sub3A : i32
      %select_n3A = arith.select %and3A, %sub3A_60, %div3A : i32
      %jit3A_61 = arith.constant 8 : i32
      %eq3A_62 = arith.constant 0 : i32
      %eq3A_63 = arith.cmpi eq, %jit3A_61, %eq3A_62 : i32
      %jit3A_64 = arith.constant 1 : i32
      %select_n3A_65 = arith.select %eq3A_63, %jit3A_64, %jit3A_61 : i32
      %rem3A_66 = arith.remsi %scan3A_42, %select_n3A_65 : i32
      %ne3A_67 = arith.constant 0 : i32
      %ne3A_68 = arith.cmpi ne, %rem3A_66, %ne3A_67 : i32
      %lt3A = arith.constant 0 : i32
      %lt3A_69 = arith.cmpi slt, %rem3A_66, %lt3A : i32
      %lt3A_70 = arith.constant 0 : i32
      %lt3A_71 = arith.cmpi slt, %select_n3A_65, %lt3A_70 : i32
      %ne3A_72 = arith.xori %lt3A_69, %lt3A_71 : i1
      %and3A_73 = arith.andi %ne3A_72, %ne3A_68 : i1
      %add3A = arith.addi %rem3A_66, %select_n3A_65 : i32
      %select_n3A_74 = arith.select %and3A_73, %add3A, %rem3A_66 : i32
      %mul3A_75 = arith.constant 16 : i32
      %mul3A_76 = arith.muli %select_n3A_74, %mul3A_75 : i32
      %swap3A = arith.index_cast %select_n3A : i32 to index
      %swap3A_77 = arith.index_cast %mul3A_76 : i32 to index
      %swap3A_78 = tpu.vector_load %arg11[%swap3A, %swap3A_77] {strides = array<i32>} : memref<64x128xf32, #tpu.memory_space<vmem>>, vector<1x16xf32>,
      %swap3A_79 = vector.shape_cast %swap3A_78 : vector<1x16xf32> to vector<16xf32>
      %swap3A_80 = vector.shape_cast %broadcast_in_dim3A_44 : vector<16xf32> to vector<1x16xf32>
      tpu.vector_store %arg11[%swap3A, %swap3A_77], %swap3A_80 {strides = array<i32>} : memref<64x128xf32, #tpu.memory_space<vmem>>, vector<1x16xf32>,
      %scan3A_81 = arith.constant 0 : i32
      scf.yield %scan3A_81 : i32
    }
    %scan3A_5 = arith.constant 512 : i32
    %mul3A = arith.constant 160 : i32
    %mul3A_6 = arith.muli %arg1, %mul3A : i32
    "tpu.region"() ({
      %run_scoped3A = tpu.sem_alloc : memref<!tpu.dma_semaphore, #tpu.memory_space<semaphore_mem>>
      %dma_start3A = arith.constant 0 : i32
      %dma_start3A_42 = arith.constant 0 : i32
      %dma_start3A_43 = tpu.memref_slice %arg4[%mul3A_6, %dma_start3A, %dma_start3A_42] : memref<2560x2x128xi32, #tpu.memory_space<hbm>> -> memref<1x2x128xi32, #tpu.memory_space<hbm>>
      %dma_start3A_44 = tpu.memref_squeeze %dma_start3A_43 : memref<1x2x128xi32, #tpu.memory_space<hbm>> -> memref<2x128xi32, #tpu.memory_space<hbm>>
      %dma_start3A_45 = arith.constant 0 : i32
      %dma_start3A_46 = arith.constant 0 : i32
      %dma_start3A_47 = tpu.memref_slice %arg4[%mul3A_6, %dma_start3A_45, %dma_start3A_46] : memref<2560x2x128xi32, #tpu.memory_space<hbm>> -> memref<1x2x128xi32, #tpu.memory_space<hbm>>
      %dma_start3A_48 = tpu.memref_squeeze %dma_start3A_47 : memref<1x2x128xi32, #tpu.memory_space<hbm>> -> memref<2x128xi32, #tpu.memory_space<hbm>>
      tpu.enqueue_dma source(%dma_start3A_48 : memref<2x128xi32, #tpu.memory_space<hbm>>) target(%arg7 : memref<2x128xi32, #tpu.memory_space<vmem>>) target_semaphore(%run_scoped3A : memref<!tpu.dma_semaphore, #tpu.memory_space<semaphore_mem>>)
      %dma_wait3A = arith.constant 0 : i32
      %dma_wait3A_49 = arith.constant 0 : i32
      %dma_wait3A_50 = tpu.memref_slice %arg4[%mul3A_6, %dma_wait3A, %dma_wait3A_49] : memref<2560x2x128xi32, #tpu.memory_space<hbm>> -> memref<1x2x128xi32, #tpu.memory_space<hbm>>
      %dma_wait3A_51 = tpu.memref_squeeze %dma_wait3A_50 : memref<1x2x128xi32, #tpu.memory_space<hbm>> -> memref<2x128xi32, #tpu.memory_space<hbm>>
      %dma_wait3A_52 = arith.constant 0 : i32
      %dma_wait3A_53 = arith.constant 0 : i32
      %dma_wait3A_54 = tpu.memref_slice %arg4[%mul3A_6, %dma_wait3A_52, %dma_wait3A_53] : memref<2560x2x128xi32, #tpu.memory_space<hbm>> -> memref<1x2x128xi32, #tpu.memory_space<hbm>>
      %dma_wait3A_55 = tpu.memref_squeeze %dma_wait3A_54 : memref<1x2x128xi32, #tpu.memory_space<hbm>> -> memref<2x128xi32, #tpu.memory_space<hbm>>
      tpu.wait_dma2 semaphore(%run_scoped3A : memref<!tpu.dma_semaphore, #tpu.memory_space<semaphore_mem>>) src(%dma_wait3A_55 : memref<2x128xi32, #tpu.memory_space<hbm>>) dst(%arg7 : memref<2x128xi32, #tpu.memory_space<vmem>>)
      tpu.yield
    }) : () -> ()
    %eq3A = arith.constant 0 : i32
    %eq3A_7 = arith.cmpi eq, %arg0, %eq3A : i32
    %convert_element_type3A = arith.extui %eq3A_7 : i1 to i32
    %cond3A = arith.constant 0 : i32
    %cond3A_8 = arith.cmpi ne, %convert_element_type3A, %cond3A : i32
    scf.if %cond3A_8 {
      %dma_start3A = arith.constant 0 : i32
      %dma_start3A_42 = arith.constant 0 : i32
      %dma_start3A_43 = tpu.memref_slice %arg7[%dma_start3A, %dma_start3A_42] : memref<2x128xi32, #tpu.memory_space<vmem>> -> memref<1x128xi32, #tpu.memory_space<vmem>>
      %dma_start3A_44 = tpu.memref_squeeze %dma_start3A_43 : memref<1x128xi32, #tpu.memory_space<vmem>> -> memref<128xi32, #tpu.memory_space<vmem>>
      %dma_start3A_45 = arith.constant 0 : i32
      %dma_start3A_46 = arith.constant 0 : i32
      %dma_start3A_47 = tpu.memref_slice %arg2[%dma_start3A_45, %dma_start3A_46] : memref<10240x128xf32, #tpu.memory_space<hbm>> -> memref<10240x128xf32, #tpu.memory_space<hbm>>
      tpu.enqueue_indirect_dma source(%dma_start3A_47 : memref<10240x128xf32, #tpu.memory_space<hbm>>) target(%arg9 : memref<128x128xf32, #tpu.memory_space<vmem>>) offsets(%dma_start3A_44 : memref<128xi32, #tpu.memory_space<vmem>>) semaphore(%arg13 : memref<!tpu.dma_semaphore, #tpu.memory_space<semaphore_mem>>)
    } else {
    }
    %eq3A_9 = arith.constant 1 : i32
    %eq3A_10 = arith.cmpi eq, %arg0, %eq3A_9 : i32
    %convert_element_type3A_11 = arith.extui %eq3A_10 : i1 to i32
    %cond3A_12 = arith.constant 0 : i32
    %cond3A_13 = arith.cmpi ne, %convert_element_type3A_11, %cond3A_12 : i32
    scf.if %cond3A_13 {
      %dma_start3A = arith.constant 0 : i32
      %dma_start3A_42 = arith.constant 0 : i32
      %dma_start3A_43 = tpu.memref_slice %arg7[%dma_start3A, %dma_start3A_42] : memref<2x128xi32, #tpu.memory_space<vmem>> -> memref<1x128xi32, #tpu.memory_space<vmem>>
      %dma_start3A_44 = tpu.memref_squeeze %dma_start3A_43 : memref<1x128xi32, #tpu.memory_space<vmem>> -> memref<128xi32, #tpu.memory_space<vmem>>
      %dma_start3A_45 = arith.constant 0 : i32
      %dma_start3A_46 = arith.constant 0 : i32
      %dma_start3A_47 = tpu.memref_slice %arg3[%dma_start3A_45, %dma_start3A_46] : memref<10240x128xf32, #tpu.memory_space<hbm>> -> memref<10240x128xf32, #tpu.memory_space<hbm>>
      tpu.enqueue_indirect_dma source(%dma_start3A_47 : memref<10240x128xf32, #tpu.memory_space<hbm>>) target(%arg9 : memref<128x128xf32, #tpu.memory_space<vmem>>) offsets(%dma_start3A_44 : memref<128xi32, #tpu.memory_space<vmem>>) semaphore(%arg13 : memref<!tpu.dma_semaphore, #tpu.memory_space<semaphore_mem>>)
    } else {
    }
    %scan3A_14 = arith.constant 0 : i32
    %scan3A_15 = arith.constant 0 : i32
    %scan3A_16 = arith.constant 10 : i32
    %scan3A_17 = arith.addi %scan3A_15, %scan3A_16 : i32
    %scan3A_18 = arith.constant 1 : i32
    %scan3A_19 = scf.for %scan3A_42 = %scan3A_15 to %scan3A_17 step %scan3A_18 iter_args(%scan3A_43 = %scan3A_14) -> (i32)  : i32 {
      %mul3A_44 = arith.constant 640 : i32
      %mul3A_45 = arith.muli %arg1, %mul3A_44 : i32
      %mul3A_46 = arith.constant 64 : i32
      %mul3A_47 = arith.muli %scan3A_42, %mul3A_46 : i32
      %add3A = arith.addi %mul3A_45, %mul3A_47 : i32
      "tpu.region"() ({
        %run_scoped3A = tpu.sem_alloc : memref<!tpu.dma_semaphore, #tpu.memory_space<semaphore_mem>>
        %dma_start3A = arith.constant 0 : i32
        %dma_start3A_49 = tpu.memref_slice %arg12[%add3A, %dma_start3A] : memref<10240x128xf32, #tpu.memory_space<vmem_shared>> -> memref<64x128xf32, #tpu.memory_space<vmem_shared>>
        %dma_start3A_50 = arith.constant 0 : i32
        %dma_start3A_51 = tpu.memref_slice %arg12[%add3A, %dma_start3A_50] : memref<10240x128xf32, #tpu.memory_space<vmem_shared>> -> memref<64x128xf32, #tpu.memory_space<vmem_shared>>
        tpu.enqueue_dma source(%arg11 : memref<64x128xf32, #tpu.memory_space<vmem>>) target(%dma_start3A_51 : memref<64x128xf32, #tpu.memory_space<vmem_shared>>) target_semaphore(%run_scoped3A : memref<!tpu.dma_semaphore, #tpu.memory_space<semaphore_mem>>)
        %dma_wait3A = arith.constant 0 : i32
        %dma_wait3A_52 = tpu.memref_slice %arg12[%add3A, %dma_wait3A] : memref<10240x128xf32, #tpu.memory_space<vmem_shared>> -> memref<64x128xf32, #tpu.memory_space<vmem_shared>>
        %dma_wait3A_53 = arith.constant 0 : i32
        %dma_wait3A_54 = tpu.memref_slice %arg12[%add3A, %dma_wait3A_53] : memref<10240x128xf32, #tpu.memory_space<vmem_shared>> -> memref<64x128xf32, #tpu.memory_space<vmem_shared>>
        tpu.wait_dma2 semaphore(%run_scoped3A : memref<!tpu.dma_semaphore, #tpu.memory_space<semaphore_mem>>) src(%arg11 : memref<64x128xf32, #tpu.memory_space<vmem>>) dst(%dma_wait3A_54 : memref<64x128xf32, #tpu.memory_space<vmem_shared>>)
        tpu.yield
      }) : () -> ()
      %scan3A_48 = arith.constant 0 : i32
      scf.yield %scan3A_48 : i32
    }
    %scan3A_20 = arith.constant 10 : i32
    %barrier3A = arith.constant 0 : index
    tpu.barrier barrier_id(%barrier3A)
    %eq3A_21 = arith.constant 0 : i32
    %eq3A_22 = arith.cmpi eq, %arg0, %eq3A_21 : i32
    %convert_element_type3A_23 = arith.extui %eq3A_22 : i1 to i32
    %cond3A_24 = arith.constant 0 : i32
    %cond3A_25 = arith.cmpi ne, %convert_element_type3A_23, %cond3A_24 : i32
    scf.if %cond3A_25 {
      %scan3A_42 = arith.constant 0 : i32
      %scan3A_43 = arith.constant 0 : i32
      %scan3A_44 = arith.constant 80 : i32
      %scan3A_45 = arith.addi %scan3A_43, %scan3A_44 : i32
      %scan3A_46 = arith.constant 1 : i32
      %scan3A_47 = scf.for %scan3A_55 = %scan3A_43 to %scan3A_45 step %scan3A_46 iter_args(%scan3A_56 = %scan3A_42) -> (i32)  : i32 {
        %ge3A = arith.constant 1 : i32
        %ge3A_57 = arith.cmpi sge, %scan3A_55, %ge3A : i32
        %convert_element_type3A_58 = arith.extui %ge3A_57 : i1 to i32
        %cond3A_59 = arith.constant 0 : i32
        %cond3A_60 = arith.cmpi ne, %convert_element_type3A_58, %cond3A_59 : i32
        scf.if %cond3A_60 {
          %dma_wait3A_113 = arith.constant 1 : i32
          %dma_wait3A_114 = arith.constant 0 : i32
          %dma_wait3A_115 = tpu.memref_slice %arg8[%dma_wait3A_113, %dma_wait3A_114] : memref<2x128xi32, #tpu.memory_space<vmem>> -> memref<1x128xi32, #tpu.memory_space<vmem>>
          %dma_wait3A_116 = tpu.memref_squeeze %dma_wait3A_115 : memref<1x128xi32, #tpu.memory_space<vmem>> -> memref<128xi32, #tpu.memory_space<vmem>>
          %dma_wait3A_117 = arith.constant 0 : i32
          %dma_wait3A_118 = arith.constant 0 : i32
          %dma_wait3A_119 = tpu.memref_slice %arg12[%dma_wait3A_117, %dma_wait3A_118] : memref<10240x128xf32, #tpu.memory_space<vmem_shared>> -> memref<10240x128xf32, #tpu.memory_space<vmem_shared>>
          tpu.wait_indirect_dma semaphore(%arg16 : memref<!tpu.dma_semaphore, #tpu.memory_space<semaphore_mem>>) src(%arg10 : memref<128x128xf32, #tpu.memory_space<vmem>>) dst(%dma_wait3A_119 : memref<10240x128xf32, #tpu.memory_space<vmem_shared>>)
        } else {
        }
        %mul3A_61 = arith.constant 2 : i32
        %mul3A_62 = arith.muli %mul3A_61, %scan3A_55 : i32
        %add3A = arith.addi %mul3A_6, %mul3A_62 : i32
        %add3A_63 = arith.constant 1 : i32
        %add3A_64 = arith.addi %add3A, %add3A_63 : i32
        "tpu.region"() ({
          %run_scoped3A = tpu.sem_alloc : memref<!tpu.dma_semaphore, #tpu.memory_space<semaphore_mem>>
          %dma_start3A_113 = arith.constant 0 : i32
          %dma_start3A_114 = arith.constant 0 : i32
          %dma_start3A_115 = tpu.memref_slice %arg4[%add3A_64, %dma_start3A_113, %dma_start3A_114] : memref<2560x2x128xi32, #tpu.memory_space<hbm>> -> memref<1x2x128xi32, #tpu.memory_space<hbm>>
          %dma_start3A_116 = tpu.memref_squeeze %dma_start3A_115 : memref<1x2x128xi32, #tpu.memory_space<hbm>> -> memref<2x128xi32, #tpu.memory_space<hbm>>
          %dma_start3A_117 = arith.constant 0 : i32
          %dma_start3A_118 = arith.constant 0 : i32
          %dma_start3A_119 = tpu.memref_slice %arg4[%add3A_64, %dma_start3A_117, %dma_start3A_118] : memref<2560x2x128xi32, #tpu.memory_space<hbm>> -> memref<1x2x128xi32, #tpu.memory_space<hbm>>
          %dma_start3A_120 = tpu.memref_squeeze %dma_start3A_119 : memref<1x2x128xi32, #tpu.memory_space<hbm>> -> memref<2x128xi32, #tpu.memory_space<hbm>>
          tpu.enqueue_dma source(%dma_start3A_120 : memref<2x128xi32, #tpu.memory_space<hbm>>) target(%arg8 : memref<2x128xi32, #tpu.memory_space<vmem>>) target_semaphore(%run_scoped3A : memref<!tpu.dma_semaphore, #tpu.memory_space<semaphore_mem>>)
          %dma_wait3A_121 = arith.constant 0 : i32
          %dma_wait3A_122 = arith.constant 0 : i32
          %dma_wait3A_123 = tpu.memref_slice %arg4[%add3A_64, %dma_wait3A_121, %dma_wait3A_122] : memref<2560x2x128xi32, #tpu.memory_space<hbm>> -> memref<1x2x128xi32, #tpu.memory_space<hbm>>
          %dma_wait3A_124 = tpu.memref_squeeze %dma_wait3A_123 : memref<1x2x128xi32, #tpu.memory_space<hbm>> -> memref<2x128xi32, #tpu.memory_space<hbm>>
          %dma_wait3A_125 = arith.constant 0 : i32
          %dma_wait3A_126 = arith.constant 0 : i32
          %dma_wait3A_127 = tpu.memref_slice %arg4[%add3A_64, %dma_wait3A_125, %dma_wait3A_126] : memref<2560x2x128xi32, #tpu.memory_space<hbm>> -> memref<1x2x128xi32, #tpu.memory_space<hbm>>
          %dma_wait3A_128 = tpu.memref_squeeze %dma_wait3A_127 : memref<1x2x128xi32, #tpu.memory_space<hbm>> -> memref<2x128xi32, #tpu.memory_space<hbm>>
          tpu.wait_dma2 semaphore(%run_scoped3A : memref<!tpu.dma_semaphore, #tpu.memory_space<semaphore_mem>>) src(%dma_wait3A_128 : memref<2x128xi32, #tpu.memory_space<hbm>>) dst(%arg8 : memref<2x128xi32, #tpu.memory_space<vmem>>)
          tpu.yield
        }) : () -> ()
        %dma_start3A = arith.constant 0 : i32
        %dma_start3A_65 = arith.constant 0 : i32
        %dma_start3A_66 = tpu.memref_slice %arg8[%dma_start3A, %dma_start3A_65] : memref<2x128xi32, #tpu.memory_space<vmem>> -> memref<1x128xi32, #tpu.memory_space<vmem>>
        %dma_start3A_67 = tpu.memref_squeeze %dma_start3A_66 : memref<1x128xi32, #tpu.memory_space<vmem>> -> memref<128xi32, #tpu.memory_space<vmem>>
        %dma_start3A_68 = arith.constant 0 : i32
        %dma_start3A_69 = arith.constant 0 : i32
        %dma_start3A_70 = tpu.memref_slice %arg2[%dma_start3A_68, %dma_start3A_69] : memref<10240x128xf32, #tpu.memory_space<hbm>> -> memref<10240x128xf32, #tpu.memory_space<hbm>>
        tpu.enqueue_indirect_dma source(%dma_start3A_70 : memref<10240x128xf32, #tpu.memory_space<hbm>>) target(%arg10 : memref<128x128xf32, #tpu.memory_space<vmem>>) offsets(%dma_start3A_67 : memref<128xi32, #tpu.memory_space<vmem>>) semaphore(%arg14 : memref<!tpu.dma_semaphore, #tpu.memory_space<semaphore_mem>>)
        %dma_wait3A_71 = arith.constant 0 : i32
        %dma_wait3A_72 = arith.constant 0 : i32
        %dma_wait3A_73 = tpu.memref_slice %arg7[%dma_wait3A_71, %dma_wait3A_72] : memref<2x128xi32, #tpu.memory_space<vmem>> -> memref<1x128xi32, #tpu.memory_space<vmem>>
        %dma_wait3A_74 = tpu.memref_squeeze %dma_wait3A_73 : memref<1x128xi32, #tpu.memory_space<vmem>> -> memref<128xi32, #tpu.memory_space<vmem>>
        %dma_wait3A_75 = arith.constant 0 : i32
        %dma_wait3A_76 = arith.constant 0 : i32
        %dma_wait3A_77 = tpu.memref_slice %arg2[%dma_wait3A_75, %dma_wait3A_76] : memref<10240x128xf32, #tpu.memory_space<hbm>> -> memref<10240x128xf32, #tpu.memory_space<hbm>>
        tpu.wait_indirect_dma semaphore(%arg13 : memref<!tpu.dma_semaphore, #tpu.memory_space<semaphore_mem>>) src(%dma_wait3A_77 : memref<10240x128xf32, #tpu.memory_space<hbm>>) dst(%arg9 : memref<128x128xf32, #tpu.memory_space<vmem>>)
        %dma_start3A_78 = arith.constant 1 : i32
        %dma_start3A_79 = arith.constant 0 : i32
        %dma_start3A_80 = tpu.memref_slice %arg7[%dma_start3A_78, %dma_start3A_79] : memref<2x128xi32, #tpu.memory_space<vmem>> -> memref<1x128xi32, #tpu.memory_space<vmem>>
        %dma_start3A_81 = tpu.memref_squeeze %dma_start3A_80 : memref<1x128xi32, #tpu.memory_space<vmem>> -> memref<128xi32, #tpu.memory_space<vmem>>
        %dma_start3A_82 = arith.constant 0 : i32
        %dma_start3A_83 = arith.constant 0 : i32
        %dma_start3A_84 = tpu.memref_slice %arg12[%dma_start3A_82, %dma_start3A_83] : memref<10240x128xf32, #tpu.memory_space<vmem_shared>> -> memref<10240x128xf32, #tpu.memory_space<vmem_shared>>
        tpu.enqueue_indirect_dma source(%arg9 : memref<128x128xf32, #tpu.memory_space<vmem>>) target(%dma_start3A_84 : memref<10240x128xf32, #tpu.memory_space<vmem_shared>>) offsets(%dma_start3A_81 : memref<128xi32, #tpu.memory_space<vmem>>) semaphore(%arg15 : memref<!tpu.dma_semaphore, #tpu.memory_space<semaphore_mem>>) {add = true}
        %dma_wait3A_85 = arith.constant 1 : i32
        %dma_wait3A_86 = arith.constant 0 : i32
        %dma_wait3A_87 = tpu.memref_slice %arg7[%dma_wait3A_85, %dma_wait3A_86] : memref<2x128xi32, #tpu.memory_space<vmem>> -> memref<1x128xi32, #tpu.memory_space<vmem>>
        %dma_wait3A_88 = tpu.memref_squeeze %dma_wait3A_87 : memref<1x128xi32, #tpu.memory_space<vmem>> -> memref<128xi32, #tpu.memory_space<vmem>>
        %dma_wait3A_89 = arith.constant 0 : i32
        %dma_wait3A_90 = arith.constant 0 : i32
        %dma_wait3A_91 = tpu.memref_slice %arg12[%dma_wait3A_89, %dma_wait3A_90] : memref<10240x128xf32, #tpu.memory_space<vmem_shared>> -> memref<10240x128xf32, #tpu.memory_space<vmem_shared>>
        tpu.wait_indirect_dma semaphore(%arg15 : memref<!tpu.dma_semaphore, #tpu.memory_space<semaphore_mem>>) src(%arg9 : memref<128x128xf32, #tpu.memory_space<vmem>>) dst(%dma_wait3A_91 : memref<10240x128xf32, #tpu.memory_space<vmem_shared>>)
        %add3A_92 = arith.constant 1 : i32
        %add3A_93 = arith.addi %scan3A_55, %add3A_92 : i32
        %lt3A = arith.constant 80 : i32
        %lt3A_94 = arith.cmpi slt, %add3A_93, %lt3A : i32
        %convert_element_type3A_95 = arith.extui %lt3A_94 : i1 to i32
        %cond3A_96 = arith.constant 0 : i32
        %cond3A_97 = arith.cmpi ne, %convert_element_type3A_95, %cond3A_96 : i32
        scf.if %cond3A_97 {
          %mul3A_113 = arith.constant 2 : i32
          %mul3A_114 = arith.muli %mul3A_113, %scan3A_55 : i32
          %add3A_115 = arith.addi %mul3A_6, %mul3A_114 : i32
          %add3A_116 = arith.constant 2 : i32
          %add3A_117 = arith.addi %add3A_115, %add3A_116 : i32
          "tpu.region"() ({
            %run_scoped3A = tpu.sem_alloc : memref<!tpu.dma_semaphore, #tpu.memory_space<semaphore_mem>>
            %dma_start3A_125 = arith.constant 0 : i32
            %dma_start3A_126 = arith.constant 0 : i32
            %dma_start3A_127 = tpu.memref_slice %arg4[%add3A_117, %dma_start3A_125, %dma_start3A_126] : memref<2560x2x128xi32, #tpu.memory_space<hbm>> -> memref<1x2x128xi32, #tpu.memory_space<hbm>>
            %dma_start3A_128 = tpu.memref_squeeze %dma_start3A_127 : memref<1x2x128xi32, #tpu.memory_space<hbm>> -> memref<2x128xi32, #tpu.memory_space<hbm>>
            %dma_start3A_129 = arith.constant 0 : i32
            %dma_start3A_130 = arith.constant 0 : i32
            %dma_start3A_131 = tpu.memref_slice %arg4[%add3A_117, %dma_start3A_129, %dma_start3A_130] : memref<2560x2x128xi32, #tpu.memory_space<hbm>> -> memref<1x2x128xi32, #tpu.memory_space<hbm>>
            %dma_start3A_132 = tpu.memref_squeeze %dma_start3A_131 : memref<1x2x128xi32, #tpu.memory_space<hbm>> -> memref<2x128xi32, #tpu.memory_space<hbm>>
            tpu.enqueue_dma source(%dma_start3A_132 : memref<2x128xi32, #tpu.memory_space<hbm>>) target(%arg7 : memref<2x128xi32, #tpu.memory_space<vmem>>) target_semaphore(%run_scoped3A : memref<!tpu.dma_semaphore, #tpu.memory_space<semaphore_mem>>)
            %dma_wait3A_133 = arith.constant 0 : i32
            %dma_wait3A_134 = arith.constant 0 : i32
            %dma_wait3A_135 = tpu.memref_slice %arg4[%add3A_117, %dma_wait3A_133, %dma_wait3A_134] : memref<2560x2x128xi32, #tpu.memory_space<hbm>> -> memref<1x2x128xi32, #tpu.memory_space<hbm>>
            %dma_wait3A_136 = tpu.memref_squeeze %dma_wait3A_135 : memref<1x2x128xi32, #tpu.memory_space<hbm>> -> memref<2x128xi32, #tpu.memory_space<hbm>>
            %dma_wait3A_137 = arith.constant 0 : i32
            %dma_wait3A_138 = arith.constant 0 : i32
            %dma_wait3A_139 = tpu.memref_slice %arg4[%add3A_117, %dma_wait3A_137, %dma_wait3A_138] : memref<2560x2x128xi32, #tpu.memory_space<hbm>> -> memref<1x2x128xi32, #tpu.memory_space<hbm>>
            %dma_wait3A_140 = tpu.memref_squeeze %dma_wait3A_139 : memref<1x2x128xi32, #tpu.memory_space<hbm>> -> memref<2x128xi32, #tpu.memory_space<hbm>>
            tpu.wait_dma2 semaphore(%run_scoped3A : memref<!tpu.dma_semaphore, #tpu.memory_space<semaphore_mem>>) src(%dma_wait3A_140 : memref<2x128xi32, #tpu.memory_space<hbm>>) dst(%arg7 : memref<2x128xi32, #tpu.memory_space<vmem>>)
            tpu.yield
          }) : () -> ()
          %dma_start3A_118 = arith.constant 0 : i32
          %dma_start3A_119 = arith.constant 0 : i32
          %dma_start3A_120 = tpu.memref_slice %arg7[%dma_start3A_118, %dma_start3A_119] : memref<2x128xi32, #tpu.memory_space<vmem>> -> memref<1x128xi32, #tpu.memory_space<vmem>>
          %dma_start3A_121 = tpu.memref_squeeze %dma_start3A_120 : memref<1x128xi32, #tpu.memory_space<vmem>> -> memref<128xi32, #tpu.memory_space<vmem>>
          %dma_start3A_122 = arith.constant 0 : i32
          %dma_start3A_123 = arith.constant 0 : i32
          %dma_start3A_124 = tpu.memref_slice %arg2[%dma_start3A_122, %dma_start3A_123] : memref<10240x128xf32, #tpu.memory_space<hbm>> -> memref<10240x128xf32, #tpu.memory_space<hbm>>
          tpu.enqueue_indirect_dma source(%dma_start3A_124 : memref<10240x128xf32, #tpu.memory_space<hbm>>) target(%arg9 : memref<128x128xf32, #tpu.memory_space<vmem>>) offsets(%dma_start3A_121 : memref<128xi32, #tpu.memory_space<vmem>>) semaphore(%arg13 : memref<!tpu.dma_semaphore, #tpu.memory_space<semaphore_mem>>)
        } else {
        }
        %dma_wait3A_98 = arith.constant 0 : i32
        %dma_wait3A_99 = arith.constant 0 : i32
        %dma_wait3A_100 = tpu.memref_slice %arg8[%dma_wait3A_98, %dma_wait3A_99] : memref<2x128xi32, #tpu.memory_space<vmem>> -> memref<1x128xi32, #tpu.memory_space<vmem>>
        %dma_wait3A_101 = tpu.memref_squeeze %dma_wait3A_100 : memref<1x128xi32, #tpu.memory_space<vmem>> -> memref<128xi32, #tpu.memory_space<vmem>>
        %dma_wait3A_102 = arith.constant 0 : i32
        %dma_wait3A_103 = arith.constant 0 : i32
        %dma_wait3A_104 = tpu.memref_slice %arg2[%dma_wait3A_102, %dma_wait3A_103] : memref<10240x128xf32, #tpu.memory_space<hbm>> -> memref<10240x128xf32, #tpu.memory_space<hbm>>
        tpu.wait_indirect_dma semaphore(%arg14 : memref<!tpu.dma_semaphore, #tpu.memory_space<semaphore_mem>>) src(%dma_wait3A_104 : memref<10240x128xf32, #tpu.memory_space<hbm>>) dst(%arg10 : memref<128x128xf32, #tpu.memory_space<vmem>>)
        %dma_start3A_105 = arith.constant 1 : i32
        %dma_start3A_106 = arith.constant 0 : i32
        %dma_start3A_107 = tpu.memref_slice %arg8[%dma_start3A_105, %dma_start3A_106] : memref<2x128xi32, #tpu.memory_space<vmem>> -> memref<1x128xi32, #tpu.memory_space<vmem>>
        %dma_start3A_108 = tpu.memref_squeeze %dma_start3A_107 : memref<1x128xi32, #tpu.memory_space<vmem>> -> memref<128xi32, #tpu.memory_space<vmem>>
        %dma_start3A_109 = arith.constant 0 : i32
        %dma_start3A_110 = arith.constant 0 : i32
        %dma_start3A_111 = tpu.memref_slice %arg12[%dma_start3A_109, %dma_start3A_110] : memref<10240x128xf32, #tpu.memory_space<vmem_shared>> -> memref<10240x128xf32, #tpu.memory_space<vmem_shared>>
        tpu.enqueue_indirect_dma source(%arg10 : memref<128x128xf32, #tpu.memory_space<vmem>>) target(%dma_start3A_111 : memref<10240x128xf32, #tpu.memory_space<vmem_shared>>) offsets(%dma_start3A_108 : memref<128xi32, #tpu.memory_space<vmem>>) semaphore(%arg16 : memref<!tpu.dma_semaphore, #tpu.memory_space<semaphore_mem>>) {add = true}
        %scan3A_112 = arith.constant 0 : i32
        scf.yield %scan3A_112 : i32
      }
      %scan3A_48 = arith.constant 80 : i32
      %dma_wait3A = arith.constant 1 : i32
      %dma_wait3A_49 = arith.constant 0 : i32
      %dma_wait3A_50 = tpu.memref_slice %arg8[%dma_wait3A, %dma_wait3A_49] : memref<2x128xi32, #tpu.memory_space<vmem>> -> memref<1x128xi32, #tpu.memory_space<vmem>>
      %dma_wait3A_51 = tpu.memref_squeeze %dma_wait3A_50 : memref<1x128xi32, #tpu.memory_space<vmem>> -> memref<128xi32, #tpu.memory_space<vmem>>
      %dma_wait3A_52 = arith.constant 0 : i32
      %dma_wait3A_53 = arith.constant 0 : i32
      %dma_wait3A_54 = tpu.memref_slice %arg12[%dma_wait3A_52, %dma_wait3A_53] : memref<10240x128xf32, #tpu.memory_space<vmem_shared>> -> memref<10240x128xf32, #tpu.memory_space<vmem_shared>>
      tpu.wait_indirect_dma semaphore(%arg16 : memref<!tpu.dma_semaphore, #tpu.memory_space<semaphore_mem>>) src(%arg10 : memref<128x128xf32, #tpu.memory_space<vmem>>) dst(%dma_wait3A_54 : memref<10240x128xf32, #tpu.memory_space<vmem_shared>>)
    } else {
    }
    %eq3A_26 = arith.constant 1 : i32
    %eq3A_27 = arith.cmpi eq, %arg0, %eq3A_26 : i32
    %convert_element_type3A_28 = arith.extui %eq3A_27 : i1 to i32
    %cond3A_29 = arith.constant 0 : i32
    %cond3A_30 = arith.cmpi ne, %convert_element_type3A_28, %cond3A_29 : i32
    scf.if %cond3A_30 {
      %scan3A_42 = arith.constant 0 : i32
      %scan3A_43 = arith.constant 0 : i32
      %scan3A_44 = arith.constant 80 : i32
      %scan3A_45 = arith.addi %scan3A_43, %scan3A_44 : i32
      %scan3A_46 = arith.constant 1 : i32
      %scan3A_47 = scf.for %scan3A_55 = %scan3A_43 to %scan3A_45 step %scan3A_46 iter_args(%scan3A_56 = %scan3A_42) -> (i32)  : i32 {
        %ge3A = arith.constant 1 : i32
        %ge3A_57 = arith.cmpi sge, %scan3A_55, %ge3A : i32
        %convert_element_type3A_58 = arith.extui %ge3A_57 : i1 to i32
        %cond3A_59 = arith.constant 0 : i32
        %cond3A_60 = arith.cmpi ne, %convert_element_type3A_58, %cond3A_59 : i32
        scf.if %cond3A_60 {
          %dma_wait3A_113 = arith.constant 1 : i32
          %dma_wait3A_114 = arith.constant 0 : i32
          %dma_wait3A_115 = tpu.memref_slice %arg8[%dma_wait3A_113, %dma_wait3A_114] : memref<2x128xi32, #tpu.memory_space<vmem>> -> memref<1x128xi32, #tpu.memory_space<vmem>>
          %dma_wait3A_116 = tpu.memref_squeeze %dma_wait3A_115 : memref<1x128xi32, #tpu.memory_space<vmem>> -> memref<128xi32, #tpu.memory_space<vmem>>
          %dma_wait3A_117 = arith.constant 0 : i32
          %dma_wait3A_118 = arith.constant 0 : i32
          %dma_wait3A_119 = tpu.memref_slice %arg12[%dma_wait3A_117, %dma_wait3A_118] : memref<10240x128xf32, #tpu.memory_space<vmem_shared>> -> memref<10240x128xf32, #tpu.memory_space<vmem_shared>>
          tpu.wait_indirect_dma semaphore(%arg16 : memref<!tpu.dma_semaphore, #tpu.memory_space<semaphore_mem>>) src(%arg10 : memref<128x128xf32, #tpu.memory_space<vmem>>) dst(%dma_wait3A_119 : memref<10240x128xf32, #tpu.memory_space<vmem_shared>>)
        } else {
        }
        %mul3A_61 = arith.constant 2 : i32
        %mul3A_62 = arith.muli %mul3A_61, %scan3A_55 : i32
        %add3A = arith.addi %mul3A_6, %mul3A_62 : i32
        %add3A_63 = arith.constant 1 : i32
        %add3A_64 = arith.addi %add3A, %add3A_63 : i32
        "tpu.region"() ({
          %run_scoped3A = tpu.sem_alloc : memref<!tpu.dma_semaphore, #tpu.memory_space<semaphore_mem>>
          %dma_start3A_113 = arith.constant 0 : i32
          %dma_start3A_114 = arith.constant 0 : i32
          %dma_start3A_115 = tpu.memref_slice %arg4[%add3A_64, %dma_start3A_113, %dma_start3A_114] : memref<2560x2x128xi32, #tpu.memory_space<hbm>> -> memref<1x2x128xi32, #tpu.memory_space<hbm>>
          %dma_start3A_116 = tpu.memref_squeeze %dma_start3A_115 : memref<1x2x128xi32, #tpu.memory_space<hbm>> -> memref<2x128xi32, #tpu.memory_space<hbm>>
          %dma_start3A_117 = arith.constant 0 : i32
          %dma_start3A_118 = arith.constant 0 : i32
          %dma_start3A_119 = tpu.memref_slice %arg4[%add3A_64, %dma_start3A_117, %dma_start3A_118] : memref<2560x2x128xi32, #tpu.memory_space<hbm>> -> memref<1x2x128xi32, #tpu.memory_space<hbm>>
          %dma_start3A_120 = tpu.memref_squeeze %dma_start3A_119 : memref<1x2x128xi32, #tpu.memory_space<hbm>> -> memref<2x128xi32, #tpu.memory_space<hbm>>
          tpu.enqueue_dma source(%dma_start3A_120 : memref<2x128xi32, #tpu.memory_space<hbm>>) target(%arg8 : memref<2x128xi32, #tpu.memory_space<vmem>>) target_semaphore(%run_scoped3A : memref<!tpu.dma_semaphore, #tpu.memory_space<semaphore_mem>>)
          %dma_wait3A_121 = arith.constant 0 : i32
          %dma_wait3A_122 = arith.constant 0 : i32
          %dma_wait3A_123 = tpu.memref_slice %arg4[%add3A_64, %dma_wait3A_121, %dma_wait3A_122] : memref<2560x2x128xi32, #tpu.memory_space<hbm>> -> memref<1x2x128xi32, #tpu.memory_space<hbm>>
          %dma_wait3A_124 = tpu.memref_squeeze %dma_wait3A_123 : memref<1x2x128xi32, #tpu.memory_space<hbm>> -> memref<2x128xi32, #tpu.memory_space<hbm>>
          %dma_wait3A_125 = arith.constant 0 : i32
          %dma_wait3A_126 = arith.constant 0 : i32
          %dma_wait3A_127 = tpu.memref_slice %arg4[%add3A_64, %dma_wait3A_125, %dma_wait3A_126] : memref<2560x2x128xi32, #tpu.memory_space<hbm>> -> memref<1x2x128xi32, #tpu.memory_space<hbm>>
          %dma_wait3A_128 = tpu.memref_squeeze %dma_wait3A_127 : memref<1x2x128xi32, #tpu.memory_space<hbm>> -> memref<2x128xi32, #tpu.memory_space<hbm>>
          tpu.wait_dma2 semaphore(%run_scoped3A : memref<!tpu.dma_semaphore, #tpu.memory_space<semaphore_mem>>) src(%dma_wait3A_128 : memref<2x128xi32, #tpu.memory_space<hbm>>) dst(%arg8 : memref<2x128xi32, #tpu.memory_space<vmem>>)
          tpu.yield
        }) : () -> ()
        %dma_start3A = arith.constant 0 : i32
        %dma_start3A_65 = arith.constant 0 : i32
        %dma_start3A_66 = tpu.memref_slice %arg8[%dma_start3A, %dma_start3A_65] : memref<2x128xi32, #tpu.memory_space<vmem>> -> memref<1x128xi32, #tpu.memory_space<vmem>>
        %dma_start3A_67 = tpu.memref_squeeze %dma_start3A_66 : memref<1x128xi32, #tpu.memory_space<vmem>> -> memref<128xi32, #tpu.memory_space<vmem>>
        %dma_start3A_68 = arith.constant 0 : i32
        %dma_start3A_69 = arith.constant 0 : i32
        %dma_start3A_70 = tpu.memref_slice %arg3[%dma_start3A_68, %dma_start3A_69] : memref<10240x128xf32, #tpu.memory_space<hbm>> -> memref<10240x128xf32, #tpu.memory_space<hbm>>
        tpu.enqueue_indirect_dma source(%dma_start3A_70 : memref<10240x128xf32, #tpu.memory_space<hbm>>) target(%arg10 : memref<128x128xf32, #tpu.memory_space<vmem>>) offsets(%dma_start3A_67 : memref<128xi32, #tpu.memory_space<vmem>>) semaphore(%arg14 : memref<!tpu.dma_semaphore, #tpu.memory_space<semaphore_mem>>)
        %dma_wait3A_71 = arith.constant 0 : i32
        %dma_wait3A_72 = arith.constant 0 : i32
        %dma_wait3A_73 = tpu.memref_slice %arg7[%dma_wait3A_71, %dma_wait3A_72] : memref<2x128xi32, #tpu.memory_space<vmem>> -> memref<1x128xi32, #tpu.memory_space<vmem>>
        %dma_wait3A_74 = tpu.memref_squeeze %dma_wait3A_73 : memref<1x128xi32, #tpu.memory_space<vmem>> -> memref<128xi32, #tpu.memory_space<vmem>>
        %dma_wait3A_75 = arith.constant 0 : i32
        %dma_wait3A_76 = arith.constant 0 : i32
        %dma_wait3A_77 = tpu.memref_slice %arg3[%dma_wait3A_75, %dma_wait3A_76] : memref<10240x128xf32, #tpu.memory_space<hbm>> -> memref<10240x128xf32, #tpu.memory_space<hbm>>
        tpu.wait_indirect_dma semaphore(%arg13 : memref<!tpu.dma_semaphore, #tpu.memory_space<semaphore_mem>>) src(%dma_wait3A_77 : memref<10240x128xf32, #tpu.memory_space<hbm>>) dst(%arg9 : memref<128x128xf32, #tpu.memory_space<vmem>>)
        %dma_start3A_78 = arith.constant 1 : i32
        %dma_start3A_79 = arith.constant 0 : i32
        %dma_start3A_80 = tpu.memref_slice %arg7[%dma_start3A_78, %dma_start3A_79] : memref<2x128xi32, #tpu.memory_space<vmem>> -> memref<1x128xi32, #tpu.memory_space<vmem>>
        %dma_start3A_81 = tpu.memref_squeeze %dma_start3A_80 : memref<1x128xi32, #tpu.memory_space<vmem>> -> memref<128xi32, #tpu.memory_space<vmem>>
        %dma_start3A_82 = arith.constant 0 : i32
        %dma_start3A_83 = arith.constant 0 : i32
        %dma_start3A_84 = tpu.memref_slice %arg12[%dma_start3A_82, %dma_start3A_83] : memref<10240x128xf32, #tpu.memory_space<vmem_shared>> -> memref<10240x128xf32, #tpu.memory_space<vmem_shared>>
        tpu.enqueue_indirect_dma source(%arg9 : memref<128x128xf32, #tpu.memory_space<vmem>>) target(%dma_start3A_84 : memref<10240x128xf32, #tpu.memory_space<vmem_shared>>) offsets(%dma_start3A_81 : memref<128xi32, #tpu.memory_space<vmem>>) semaphore(%arg15 : memref<!tpu.dma_semaphore, #tpu.memory_space<semaphore_mem>>) {add = true}
        %dma_wait3A_85 = arith.constant 1 : i32
        %dma_wait3A_86 = arith.constant 0 : i32
        %dma_wait3A_87 = tpu.memref_slice %arg7[%dma_wait3A_85, %dma_wait3A_86] : memref<2x128xi32, #tpu.memory_space<vmem>> -> memref<1x128xi32, #tpu.memory_space<vmem>>
        %dma_wait3A_88 = tpu.memref_squeeze %dma_wait3A_87 : memref<1x128xi32, #tpu.memory_space<vmem>> -> memref<128xi32, #tpu.memory_space<vmem>>
        %dma_wait3A_89 = arith.constant 0 : i32
        %dma_wait3A_90 = arith.constant 0 : i32
        %dma_wait3A_91 = tpu.memref_slice %arg12[%dma_wait3A_89, %dma_wait3A_90] : memref<10240x128xf32, #tpu.memory_space<vmem_shared>> -> memref<10240x128xf32, #tpu.memory_space<vmem_shared>>
        tpu.wait_indirect_dma semaphore(%arg15 : memref<!tpu.dma_semaphore, #tpu.memory_space<semaphore_mem>>) src(%arg9 : memref<128x128xf32, #tpu.memory_space<vmem>>) dst(%dma_wait3A_91 : memref<10240x128xf32, #tpu.memory_space<vmem_shared>>)
        %add3A_92 = arith.constant 1 : i32
        %add3A_93 = arith.addi %scan3A_55, %add3A_92 : i32
        %lt3A = arith.constant 80 : i32
        %lt3A_94 = arith.cmpi slt, %add3A_93, %lt3A : i32
        %convert_element_type3A_95 = arith.extui %lt3A_94 : i1 to i32
        %cond3A_96 = arith.constant 0 : i32
        %cond3A_97 = arith.cmpi ne, %convert_element_type3A_95, %cond3A_96 : i32
        scf.if %cond3A_97 {
          %mul3A_113 = arith.constant 2 : i32
          %mul3A_114 = arith.muli %mul3A_113, %scan3A_55 : i32
          %add3A_115 = arith.addi %mul3A_6, %mul3A_114 : i32
          %add3A_116 = arith.constant 2 : i32
          %add3A_117 = arith.addi %add3A_115, %add3A_116 : i32
          "tpu.region"() ({
            %run_scoped3A = tpu.sem_alloc : memref<!tpu.dma_semaphore, #tpu.memory_space<semaphore_mem>>
            %dma_start3A_125 = arith.constant 0 : i32
            %dma_start3A_126 = arith.constant 0 : i32
            %dma_start3A_127 = tpu.memref_slice %arg4[%add3A_117, %dma_start3A_125, %dma_start3A_126] : memref<2560x2x128xi32, #tpu.memory_space<hbm>> -> memref<1x2x128xi32, #tpu.memory_space<hbm>>
            %dma_start3A_128 = tpu.memref_squeeze %dma_start3A_127 : memref<1x2x128xi32, #tpu.memory_space<hbm>> -> memref<2x128xi32, #tpu.memory_space<hbm>>
            %dma_start3A_129 = arith.constant 0 : i32
            %dma_start3A_130 = arith.constant 0 : i32
            %dma_start3A_131 = tpu.memref_slice %arg4[%add3A_117, %dma_start3A_129, %dma_start3A_130] : memref<2560x2x128xi32, #tpu.memory_space<hbm>> -> memref<1x2x128xi32, #tpu.memory_space<hbm>>
            %dma_start3A_132 = tpu.memref_squeeze %dma_start3A_131 : memref<1x2x128xi32, #tpu.memory_space<hbm>> -> memref<2x128xi32, #tpu.memory_space<hbm>>
            tpu.enqueue_dma source(%dma_start3A_132 : memref<2x128xi32, #tpu.memory_space<hbm>>) target(%arg7 : memref<2x128xi32, #tpu.memory_space<vmem>>) target_semaphore(%run_scoped3A : memref<!tpu.dma_semaphore, #tpu.memory_space<semaphore_mem>>)
            %dma_wait3A_133 = arith.constant 0 : i32
            %dma_wait3A_134 = arith.constant 0 : i32
            %dma_wait3A_135 = tpu.memref_slice %arg4[%add3A_117, %dma_wait3A_133, %dma_wait3A_134] : memref<2560x2x128xi32, #tpu.memory_space<hbm>> -> memref<1x2x128xi32, #tpu.memory_space<hbm>>
            %dma_wait3A_136 = tpu.memref_squeeze %dma_wait3A_135 : memref<1x2x128xi32, #tpu.memory_space<hbm>> -> memref<2x128xi32, #tpu.memory_space<hbm>>
            %dma_wait3A_137 = arith.constant 0 : i32
            %dma_wait3A_138 = arith.constant 0 : i32
            %dma_wait3A_139 = tpu.memref_slice %arg4[%add3A_117, %dma_wait3A_137, %dma_wait3A_138] : memref<2560x2x128xi32, #tpu.memory_space<hbm>> -> memref<1x2x128xi32, #tpu.memory_space<hbm>>
            %dma_wait3A_140 = tpu.memref_squeeze %dma_wait3A_139 : memref<1x2x128xi32, #tpu.memory_space<hbm>> -> memref<2x128xi32, #tpu.memory_space<hbm>>
            tpu.wait_dma2 semaphore(%run_scoped3A : memref<!tpu.dma_semaphore, #tpu.memory_space<semaphore_mem>>) src(%dma_wait3A_140 : memref<2x128xi32, #tpu.memory_space<hbm>>) dst(%arg7 : memref<2x128xi32, #tpu.memory_space<vmem>>)
            tpu.yield
          }) : () -> ()
          %dma_start3A_118 = arith.constant 0 : i32
          %dma_start3A_119 = arith.constant 0 : i32
          %dma_start3A_120 = tpu.memref_slice %arg7[%dma_start3A_118, %dma_start3A_119] : memref<2x128xi32, #tpu.memory_space<vmem>> -> memref<1x128xi32, #tpu.memory_space<vmem>>
          %dma_start3A_121 = tpu.memref_squeeze %dma_start3A_120 : memref<1x128xi32, #tpu.memory_space<vmem>> -> memref<128xi32, #tpu.memory_space<vmem>>
          %dma_start3A_122 = arith.constant 0 : i32
          %dma_start3A_123 = arith.constant 0 : i32
          %dma_start3A_124 = tpu.memref_slice %arg3[%dma_start3A_122, %dma_start3A_123] : memref<10240x128xf32, #tpu.memory_space<hbm>> -> memref<10240x128xf32, #tpu.memory_space<hbm>>
          tpu.enqueue_indirect_dma source(%dma_start3A_124 : memref<10240x128xf32, #tpu.memory_space<hbm>>) target(%arg9 : memref<128x128xf32, #tpu.memory_space<vmem>>) offsets(%dma_start3A_121 : memref<128xi32, #tpu.memory_space<vmem>>) semaphore(%arg13 : memref<!tpu.dma_semaphore, #tpu.memory_space<semaphore_mem>>)
        } else {
        }
        %dma_wait3A_98 = arith.constant 0 : i32
        %dma_wait3A_99 = arith.constant 0 : i32
        %dma_wait3A_100 = tpu.memref_slice %arg8[%dma_wait3A_98, %dma_wait3A_99] : memref<2x128xi32, #tpu.memory_space<vmem>> -> memref<1x128xi32, #tpu.memory_space<vmem>>
        %dma_wait3A_101 = tpu.memref_squeeze %dma_wait3A_100 : memref<1x128xi32, #tpu.memory_space<vmem>> -> memref<128xi32, #tpu.memory_space<vmem>>
        %dma_wait3A_102 = arith.constant 0 : i32
        %dma_wait3A_103 = arith.constant 0 : i32
        %dma_wait3A_104 = tpu.memref_slice %arg3[%dma_wait3A_102, %dma_wait3A_103] : memref<10240x128xf32, #tpu.memory_space<hbm>> -> memref<10240x128xf32, #tpu.memory_space<hbm>>
        tpu.wait_indirect_dma semaphore(%arg14 : memref<!tpu.dma_semaphore, #tpu.memory_space<semaphore_mem>>) src(%dma_wait3A_104 : memref<10240x128xf32, #tpu.memory_space<hbm>>) dst(%arg10 : memref<128x128xf32, #tpu.memory_space<vmem>>)
        %dma_start3A_105 = arith.constant 1 : i32
        %dma_start3A_106 = arith.constant 0 : i32
        %dma_start3A_107 = tpu.memref_slice %arg8[%dma_start3A_105, %dma_start3A_106] : memref<2x128xi32, #tpu.memory_space<vmem>> -> memref<1x128xi32, #tpu.memory_space<vmem>>
        %dma_start3A_108 = tpu.memref_squeeze %dma_start3A_107 : memref<1x128xi32, #tpu.memory_space<vmem>> -> memref<128xi32, #tpu.memory_space<vmem>>
        %dma_start3A_109 = arith.constant 0 : i32
        %dma_start3A_110 = arith.constant 0 : i32
        %dma_start3A_111 = tpu.memref_slice %arg12[%dma_start3A_109, %dma_start3A_110] : memref<10240x128xf32, #tpu.memory_space<vmem_shared>> -> memref<10240x128xf32, #tpu.memory_space<vmem_shared>>
        tpu.enqueue_indirect_dma source(%arg10 : memref<128x128xf32, #tpu.memory_space<vmem>>) target(%dma_start3A_111 : memref<10240x128xf32, #tpu.memory_space<vmem_shared>>) offsets(%dma_start3A_108 : memref<128xi32, #tpu.memory_space<vmem>>) semaphore(%arg16 : memref<!tpu.dma_semaphore, #tpu.memory_space<semaphore_mem>>) {add = true}
        %scan3A_112 = arith.constant 0 : i32
        scf.yield %scan3A_112 : i32
      }
      %scan3A_48 = arith.constant 80 : i32
      %dma_wait3A = arith.constant 1 : i32
      %dma_wait3A_49 = arith.constant 0 : i32
      %dma_wait3A_50 = tpu.memref_slice %arg8[%dma_wait3A, %dma_wait3A_49] : memref<2x128xi32, #tpu.memory_space<vmem>> -> memref<1x128xi32, #tpu.memory_space<vmem>>
      %dma_wait3A_51 = tpu.memref_squeeze %dma_wait3A_50 : memref<1x128xi32, #tpu.memory_space<vmem>> -> memref<128xi32, #tpu.memory_space<vmem>>
      %dma_wait3A_52 = arith.constant 0 : i32
      %dma_wait3A_53 = arith.constant 0 : i32
      %dma_wait3A_54 = tpu.memref_slice %arg12[%dma_wait3A_52, %dma_wait3A_53] : memref<10240x128xf32, #tpu.memory_space<vmem_shared>> -> memref<10240x128xf32, #tpu.memory_space<vmem_shared>>
      tpu.wait_indirect_dma semaphore(%arg16 : memref<!tpu.dma_semaphore, #tpu.memory_space<semaphore_mem>>) src(%arg10 : memref<128x128xf32, #tpu.memory_space<vmem>>) dst(%dma_wait3A_54 : memref<10240x128xf32, #tpu.memory_space<vmem_shared>>)
    } else {
    }
    %barrier3A_31 = arith.constant 0 : index
    tpu.barrier barrier_id(%barrier3A_31)
    %eq3A_32 = arith.constant 0 : i32
    %eq3A_33 = arith.cmpi eq, %arg0, %eq3A_32 : i32
    %convert_element_type3A_34 = arith.extui %eq3A_33 : i1 to i32
    %cond3A_35 = arith.constant 0 : i32
    %cond3A_36 = arith.cmpi ne, %convert_element_type3A_34, %cond3A_35 : i32
    scf.if %cond3A_36 {
      %scan3A_42 = arith.constant 0 : i32
      %scan3A_43 = arith.constant 0 : i32
      %scan3A_44 = arith.constant 10 : i32
      %scan3A_45 = arith.addi %scan3A_43, %scan3A_44 : i32
      %scan3A_46 = arith.constant 1 : i32
      %scan3A_47 = scf.for %scan3A_49 = %scan3A_43 to %scan3A_45 step %scan3A_46 iter_args(%scan3A_50 = %scan3A_42) -> (i32)  : i32 {
        %mul3A_51 = arith.constant 640 : i32
        %mul3A_52 = arith.muli %arg1, %mul3A_51 : i32
        %mul3A_53 = arith.constant 64 : i32
        %mul3A_54 = arith.muli %scan3A_49, %mul3A_53 : i32
        %add3A = arith.addi %mul3A_52, %mul3A_54 : i32
        "tpu.region"() ({
          %run_scoped3A = tpu.sem_alloc : memref<!tpu.dma_semaphore, #tpu.memory_space<semaphore_mem>>
          %dma_start3A = arith.constant 0 : i32
          %dma_start3A_56 = tpu.memref_slice %arg12[%add3A, %dma_start3A] : memref<10240x128xf32, #tpu.memory_space<vmem_shared>> -> memref<64x128xf32, #tpu.memory_space<vmem_shared>>
          %dma_start3A_57 = arith.constant 0 : i32
          %dma_start3A_58 = tpu.memref_slice %arg12[%add3A, %dma_start3A_57] : memref<10240x128xf32, #tpu.memory_space<vmem_shared>> -> memref<64x128xf32, #tpu.memory_space<vmem_shared>>
          tpu.enqueue_dma source(%dma_start3A_58 : memref<64x128xf32, #tpu.memory_space<vmem_shared>>) target(%arg11 : memref<64x128xf32, #tpu.memory_space<vmem>>) target_semaphore(%run_scoped3A : memref<!tpu.dma_semaphore, #tpu.memory_space<semaphore_mem>>)
          %dma_wait3A = arith.constant 0 : i32
          %dma_wait3A_59 = tpu.memref_slice %arg12[%add3A, %dma_wait3A] : memref<10240x128xf32, #tpu.memory_space<vmem_shared>> -> memref<64x128xf32, #tpu.memory_space<vmem_shared>>
          %dma_wait3A_60 = arith.constant 0 : i32
          %dma_wait3A_61 = tpu.memref_slice %arg12[%add3A, %dma_wait3A_60] : memref<10240x128xf32, #tpu.memory_space<vmem_shared>> -> memref<64x128xf32, #tpu.memory_space<vmem_shared>>
          tpu.wait_dma2 semaphore(%run_scoped3A : memref<!tpu.dma_semaphore, #tpu.memory_space<semaphore_mem>>) src(%dma_wait3A_61 : memref<64x128xf32, #tpu.memory_space<vmem_shared>>) dst(%arg11 : memref<64x128xf32, #tpu.memory_space<vmem>>)
          tpu.yield
        }) : () -> ()
        "tpu.region"() ({
          %run_scoped3A = tpu.sem_alloc : memref<!tpu.dma_semaphore, #tpu.memory_space<semaphore_mem>>
          %dma_start3A = arith.constant 0 : i32
          %dma_start3A_56 = tpu.memref_slice %arg5[%add3A, %dma_start3A] : memref<10240x128xf32, #tpu.memory_space<hbm>> -> memref<64x128xf32, #tpu.memory_space<hbm>>
          %dma_start3A_57 = arith.constant 0 : i32
          %dma_start3A_58 = tpu.memref_slice %arg5[%add3A, %dma_start3A_57] : memref<10240x128xf32, #tpu.memory_space<hbm>> -> memref<64x128xf32, #tpu.memory_space<hbm>>
          tpu.enqueue_dma source(%arg11 : memref<64x128xf32, #tpu.memory_space<vmem>>) target(%dma_start3A_58 : memref<64x128xf32, #tpu.memory_space<hbm>>) target_semaphore(%run_scoped3A : memref<!tpu.dma_semaphore, #tpu.memory_space<semaphore_mem>>)
          %dma_wait3A = arith.constant 0 : i32
          %dma_wait3A_59 = tpu.memref_slice %arg5[%add3A, %dma_wait3A] : memref<10240x128xf32, #tpu.memory_space<hbm>> -> memref<64x128xf32, #tpu.memory_space<hbm>>
          %dma_wait3A_60 = arith.constant 0 : i32
          %dma_wait3A_61 = tpu.memref_slice %arg5[%add3A, %dma_wait3A_60] : memref<10240x128xf32, #tpu.memory_space<hbm>> -> memref<64x128xf32, #tpu.memory_space<hbm>>
          tpu.wait_dma2 semaphore(%run_scoped3A : memref<!tpu.dma_semaphore, #tpu.memory_space<semaphore_mem>>) src(%arg11 : memref<64x128xf32, #tpu.memory_space<vmem>>) dst(%dma_wait3A_61 : memref<64x128xf32, #tpu.memory_space<hbm>>)
          tpu.yield
        }) : () -> ()
        %scan3A_55 = arith.constant 0 : i32
        scf.yield %scan3A_55 : i32
      }
      %scan3A_48 = arith.constant 10 : i32
    } else {
    }
    %eq3A_37 = arith.constant 1 : i32
    %eq3A_38 = arith.cmpi eq, %arg0, %eq3A_37 : i32
    %convert_element_type3A_39 = arith.extui %eq3A_38 : i1 to i32
    %cond3A_40 = arith.constant 0 : i32
    %cond3A_41 = arith.cmpi ne, %convert_element_type3A_39, %cond3A_40 : i32
    scf.if %cond3A_41 {
      %scan3A_42 = arith.constant 0 : i32
      %scan3A_43 = arith.constant 0 : i32
      %scan3A_44 = arith.constant 10 : i32
      %scan3A_45 = arith.addi %scan3A_43, %scan3A_44 : i32
      %scan3A_46 = arith.constant 1 : i32
      %scan3A_47 = scf.for %scan3A_49 = %scan3A_43 to %scan3A_45 step %scan3A_46 iter_args(%scan3A_50 = %scan3A_42) -> (i32)  : i32 {
        %mul3A_51 = arith.constant 640 : i32
        %mul3A_52 = arith.muli %arg1, %mul3A_51 : i32
        %mul3A_53 = arith.constant 64 : i32
        %mul3A_54 = arith.muli %scan3A_49, %mul3A_53 : i32
        %add3A = arith.addi %mul3A_52, %mul3A_54 : i32
        "tpu.region"() ({
          %run_scoped3A = tpu.sem_alloc : memref<!tpu.dma_semaphore, #tpu.memory_space<semaphore_mem>>
          %dma_start3A = arith.constant 0 : i32
          %dma_start3A_56 = tpu.memref_slice %arg12[%add3A, %dma_start3A] : memref<10240x128xf32, #tpu.memory_space<vmem_shared>> -> memref<64x128xf32, #tpu.memory_space<vmem_shared>>
          %dma_start3A_57 = arith.constant 0 : i32
          %dma_start3A_58 = tpu.memref_slice %arg12[%add3A, %dma_start3A_57] : memref<10240x128xf32, #tpu.memory_space<vmem_shared>> -> memref<64x128xf32, #tpu.memory_space<vmem_shared>>
          tpu.enqueue_dma source(%dma_start3A_58 : memref<64x128xf32, #tpu.memory_space<vmem_shared>>) target(%arg11 : memref<64x128xf32, #tpu.memory_space<vmem>>) target_semaphore(%run_scoped3A : memref<!tpu.dma_semaphore, #tpu.memory_space<semaphore_mem>>)
          %dma_wait3A = arith.constant 0 : i32
          %dma_wait3A_59 = tpu.memref_slice %arg12[%add3A, %dma_wait3A] : memref<10240x128xf32, #tpu.memory_space<vmem_shared>> -> memref<64x128xf32, #tpu.memory_space<vmem_shared>>
          %dma_wait3A_60 = arith.constant 0 : i32
          %dma_wait3A_61 = tpu.memref_slice %arg12[%add3A, %dma_wait3A_60] : memref<10240x128xf32, #tpu.memory_space<vmem_shared>> -> memref<64x128xf32, #tpu.memory_space<vmem_shared>>
          tpu.wait_dma2 semaphore(%run_scoped3A : memref<!tpu.dma_semaphore, #tpu.memory_space<semaphore_mem>>) src(%dma_wait3A_61 : memref<64x128xf32, #tpu.memory_space<vmem_shared>>) dst(%arg11 : memref<64x128xf32, #tpu.memory_space<vmem>>)
          tpu.yield
        }) : () -> ()
        "tpu.region"() ({
          %run_scoped3A = tpu.sem_alloc : memref<!tpu.dma_semaphore, #tpu.memory_space<semaphore_mem>>
          %dma_start3A = arith.constant 0 : i32
          %dma_start3A_56 = tpu.memref_slice %arg6[%add3A, %dma_start3A] : memref<10240x128xf32, #tpu.memory_space<hbm>> -> memref<64x128xf32, #tpu.memory_space<hbm>>
          %dma_start3A_57 = arith.constant 0 : i32
          %dma_start3A_58 = tpu.memref_slice %arg6[%add3A, %dma_start3A_57] : memref<10240x128xf32, #tpu.memory_space<hbm>> -> memref<64x128xf32, #tpu.memory_space<hbm>>
          tpu.enqueue_dma source(%arg11 : memref<64x128xf32, #tpu.memory_space<vmem>>) target(%dma_start3A_58 : memref<64x128xf32, #tpu.memory_space<hbm>>) target_semaphore(%run_scoped3A : memref<!tpu.dma_semaphore, #tpu.memory_space<semaphore_mem>>)
          %dma_wait3A = arith.constant 0 : i32
          %dma_wait3A_59 = tpu.memref_slice %arg6[%add3A, %dma_wait3A] : memref<10240x128xf32, #tpu.memory_space<hbm>> -> memref<64x128xf32, #tpu.memory_space<hbm>>
          %dma_wait3A_60 = arith.constant 0 : i32
          %dma_wait3A_61 = tpu.memref_slice %arg6[%add3A, %dma_wait3A_60] : memref<10240x128xf32, #tpu.memory_space<hbm>> -> memref<64x128xf32, #tpu.memory_space<hbm>>
          tpu.wait_dma2 semaphore(%run_scoped3A : memref<!tpu.dma_semaphore, #tpu.memory_space<semaphore_mem>>) src(%arg11 : memref<64x128xf32, #tpu.memory_space<vmem>>) dst(%dma_wait3A_61 : memref<64x128xf32, #tpu.memory_space<hbm>>)
          tpu.yield
        }) : () -> ()
        %scan3A_55 = arith.constant 0 : i32
        scf.yield %scan3A_55 : i32
      }
      %scan3A_48 = arith.constant 10 : i32
    } else {
    }
    return
  }
}

module attributes {stable_mosaic.version = 14 : i64} {
  func.func @body(%arg0: i32, %arg1: memref<1280x128xf32, #tpu.memory_space<vmem>>, %arg2: memref<1280x128xf32, #tpu.memory_space<vmem>>, %arg3: memref<2x10240xf32, #tpu.memory_space<vmem>>, %arg4: memref<1280x128xf32, #tpu.memory_space<vmem>>, %arg5: memref<1280x128xf32, #tpu.memory_space<vmem>>) attributes {dimension_semantics = [#tpu.dimension_semantics<arbitrary>], iteration_bounds = array<i64: 8>, scalar_prefetch = 0 : i64, scratch_operands = 0 : i64, tpu.core_type = #tpu.core_type<tc>, window_params = [{transform_indices = @transform_0, window_bounds = array<i64: 1280, 128>}, {transform_indices = @transform_1, window_bounds = array<i64: 1280, 128>}, {pipeline_mode = #tpu.pipeline_mode<synchronous>, transform_indices = @transform_2, window_bounds = array<i64: 2, 10240>}, {transform_indices = @transform_3, window_bounds = array<i64: 1280, 128>}, {transform_indices = @transform_4, window_bounds = array<i64: 1280, 128>}]} {
    %mul3A = arith.constant 1280 : i32
    %mul3A_0 = arith.muli %arg0, %mul3A : i32
    %get3A = arith.constant 0 : index
    %get3A_1 = arith.index_cast %mul3A_0 : i32 to index
    %get3A_2 = vector.load %arg3[%get3A, %get3A_1] : memref<2x10240xf32, #tpu.memory_space<vmem>>, vector<1x1280xf32>
    %get3A_3 = vector.shape_cast %get3A_2 : vector<1x1280xf32> to vector<1280xf32>
    %gt3A = arith.constant 0.000000e+00 : f32
    %gt3A_4 = vector.broadcast %gt3A : f32 to vector<1280xf32>
    %gt3A_5 = arith.cmpf ogt, %get3A_3, %gt3A_4 : vector<1280xf32>
    %rsqrt3A = math.rsqrt %get3A_3 : vector<1280xf32>
    %jit3A = arith.constant 0.000000e+00 : f32
    %broadcast_in_dim3A = vector.broadcast %jit3A : f32 to vector<1280xf32>
    %select_n3A = arith.select %gt3A_5, %rsqrt3A, %broadcast_in_dim3A : vector<1280xi1>, vector<1280xf32>
    %broadcast_in_dim3A_6 = vector.shape_cast %select_n3A : vector<1280xf32> to vector<1280x1xf32>
    %get3A_7 = arith.constant 0 : index
    %get3A_8 = arith.constant 0 : index
    %get3A_9 = vector.load %arg1[%get3A_7, %get3A_8] : memref<1280x128xf32, #tpu.memory_space<vmem>>, vector<1280x128xf32>
    %mul3A_10 = vector.broadcast %broadcast_in_dim3A_6 : vector<1280x1xf32> to vector<1280x128xf32>
    %mul3A_11 = arith.mulf %get3A_9, %mul3A_10 : vector<1280x128xf32>
    %swap3A = arith.constant 0 : index
    %swap3A_12 = arith.constant 0 : index
    %swap3A_13 = vector.load %arg4[%swap3A, %swap3A_12] : memref<1280x128xf32, #tpu.memory_space<vmem>>, vector<1280x128xf32>
    tpu.vector_store %arg4[%swap3A, %swap3A_12], %mul3A_11 {strides = array<i32>} : memref<1280x128xf32, #tpu.memory_space<vmem>>, vector<1280x128xf32>,
    %get3A_14 = arith.constant 0 : index
    %get3A_15 = arith.constant 0 : index
    %get3A_16 = vector.load %arg2[%get3A_14, %get3A_15] : memref<1280x128xf32, #tpu.memory_space<vmem>>, vector<1280x128xf32>
    %mul3A_17 = vector.broadcast %broadcast_in_dim3A_6 : vector<1280x1xf32> to vector<1280x128xf32>
    %mul3A_18 = arith.mulf %get3A_16, %mul3A_17 : vector<1280x128xf32>
    %swap3A_19 = arith.constant 0 : index
    %swap3A_20 = arith.constant 0 : index
    %swap3A_21 = vector.load %arg5[%swap3A_19, %swap3A_20] : memref<1280x128xf32, #tpu.memory_space<vmem>>, vector<1280x128xf32>
    tpu.vector_store %arg5[%swap3A_19, %swap3A_20], %mul3A_18 {strides = array<i32>} : memref<1280x128xf32, #tpu.memory_space<vmem>>, vector<1280x128xf32>,
    return
  }
  func.func @transform_0(%arg0: i32) -> (i32, i32) {
    %c0_i32 = arith.constant 0 : i32
    %c0_i32_0 = arith.constant 0 : i32
    return %arg0, %c0_i32 : i32, i32
  }
  func.func @transform_1(%arg0: i32) -> (i32, i32) {
    %c0_i32 = arith.constant 0 : i32
    %c0_i32_0 = arith.constant 0 : i32
    return %arg0, %c0_i32 : i32, i32
  }
  func.func @transform_2(%arg0: i32) -> (i32, i32) {
    %c0_i32 = arith.constant 0 : i32
    %c0_i32_0 = arith.constant 0 : i32
    %c0_i32_1 = arith.constant 0 : i32
    return %c0_i32, %c0_i32_0 : i32, i32
  }
  func.func @transform_3(%arg0: i32) -> (i32, i32) {
    %c0_i32 = arith.constant 0 : i32
    %c0_i32_0 = arith.constant 0 : i32
    return %arg0, %c0_i32 : i32, i32
  }
  func.func @transform_4(%arg0: i32) -> (i32, i32) {
    %c0_i32 = arith.constant 0 : i32
    %c0_i32_0 = arith.constant 0 : i32
    return %arg0, %c0_i32 : i32, i32
  }
}

module attributes {stable_mosaic.version = 14 : i64} {
  func.func @body(%arg0: i32, %arg1: memref<1280x128xf32, #tpu.memory_space<vmem>>, %arg2: memref<1280x128xf32, #tpu.memory_space<vmem>>, %arg3: memref<128x128xf32, #tpu.memory_space<vmem>>, %arg4: memref<128x128xf32, #tpu.memory_space<vmem>>, %arg5: memref<2x128xf32, #tpu.memory_space<vmem>>, %arg6: memref<2x10240xf32, #tpu.memory_space<vmem>>, %arg7: memref<1280x128xf32, #tpu.memory_space<vmem>>, %arg8: memref<1280x128xf32, #tpu.memory_space<vmem>>) attributes {dimension_semantics = [#tpu.dimension_semantics<arbitrary>], iteration_bounds = array<i64: 8>, scalar_prefetch = 0 : i64, scratch_operands = 0 : i64, tpu.core_type = #tpu.core_type<tc>, window_params = [{transform_indices = @transform_0, window_bounds = array<i64: 1280, 128>}, {transform_indices = @transform_1, window_bounds = array<i64: 1280, 128>}, {pipeline_mode = #tpu.pipeline_mode<synchronous>, transform_indices = @transform_2, window_bounds = array<i64: 128, 128>}, {pipeline_mode = #tpu.pipeline_mode<synchronous>, transform_indices = @transform_3, window_bounds = array<i64: 128, 128>}, {pipeline_mode = #tpu.pipeline_mode<synchronous>, transform_indices = @transform_4, window_bounds = array<i64: 2, 128>}, {pipeline_mode = #tpu.pipeline_mode<synchronous>, transform_indices = @transform_5, window_bounds = array<i64: 2, 10240>}, {transform_indices = @transform_6, window_bounds = array<i64: 1280, 128>}, {transform_indices = @transform_7, window_bounds = array<i64: 1280, 128>}]} {
    %mul3A = arith.constant 1280 : i32
    %mul3A_0 = arith.muli %arg0, %mul3A : i32
    %get3A = arith.constant 0 : index
    %get3A_1 = arith.index_cast %mul3A_0 : i32 to index
    %get3A_2 = vector.load %arg6[%get3A, %get3A_1] : memref<2x10240xf32, #tpu.memory_space<vmem>>, vector<1x1280xf32>
    %get3A_3 = vector.shape_cast %get3A_2 : vector<1x1280xf32> to vector<1280xf32>
    %mul3A_4 = arith.constant 1280 : i32
    %mul3A_5 = arith.muli %arg0, %mul3A_4 : i32
    %get3A_6 = arith.constant 1 : index
    %get3A_7 = arith.index_cast %mul3A_5 : i32 to index
    %get3A_8 = vector.load %arg6[%get3A_6, %get3A_7] : memref<2x10240xf32, #tpu.memory_space<vmem>>, vector<1x1280xf32>
    %get3A_9 = vector.shape_cast %get3A_8 : vector<1x1280xf32> to vector<1280xf32>
    %gt3A = arith.constant 0.000000e+00 : f32
    %gt3A_10 = vector.broadcast %gt3A : f32 to vector<1280xf32>
    %gt3A_11 = arith.cmpf ogt, %get3A_3, %gt3A_10 : vector<1280xf32>
    %rsqrt3A = math.rsqrt %get3A_3 : vector<1280xf32>
    %jit3A = arith.constant 0.000000e+00 : f32
    %broadcast_in_dim3A = vector.broadcast %jit3A : f32 to vector<1280xf32>
    %select_n3A = arith.select %gt3A_11, %rsqrt3A, %broadcast_in_dim3A : vector<1280xi1>, vector<1280xf32>
    %broadcast_in_dim3A_12 = vector.shape_cast %select_n3A : vector<1280xf32> to vector<1280x1xf32>
    %gt3A_13 = arith.constant 0.000000e+00 : f32
    %gt3A_14 = vector.broadcast %gt3A_13 : f32 to vector<1280xf32>
    %gt3A_15 = arith.cmpf ogt, %get3A_9, %gt3A_14 : vector<1280xf32>
    %rsqrt3A_16 = math.rsqrt %get3A_9 : vector<1280xf32>
    %jit3A_17 = arith.constant 0.000000e+00 : f32
    %broadcast_in_dim3A_18 = vector.broadcast %jit3A_17 : f32 to vector<1280xf32>
    %select_n3A_19 = arith.select %gt3A_15, %rsqrt3A_16, %broadcast_in_dim3A_18 : vector<1280xi1>, vector<1280xf32>
    %broadcast_in_dim3A_20 = vector.shape_cast %select_n3A_19 : vector<1280xf32> to vector<1280x1xf32>
    %get3A_21 = arith.constant 0 : index
    %get3A_22 = arith.constant 0 : index
    %get3A_23 = vector.load %arg1[%get3A_21, %get3A_22] : memref<1280x128xf32, #tpu.memory_space<vmem>>, vector<1280x128xf32>
    %mul3A_24 = vector.broadcast %broadcast_in_dim3A_20 : vector<1280x1xf32> to vector<1280x128xf32>
    %mul3A_25 = arith.mulf %get3A_23, %mul3A_24 : vector<1280x128xf32>
    %get3A_26 = arith.constant 0 : index
    %get3A_27 = arith.constant 0 : index
    %get3A_28 = vector.load %arg3[%get3A_26, %get3A_27] : memref<128x128xf32, #tpu.memory_space<vmem>>, vector<128x128xf32>
    %dot_general3A = arith.constant dense<0.000000e+00> : vector<1280x128xf32>
    %dot_general3A_29 = tpu.matmul %mul3A_25, %get3A_28, %dot_general3A {dimension_numbers = #tpu.dot_dimension_numbers<[1], [0], [0], [1], [0, 0, 1, 1], [], []>, transpose_lhs_hint = false} : vector<1280x128xf32>, vector<128x128xf32>, vector<1280x128xf32> -> vector<1280x128xf32>
    %get3A_30 = arith.constant 0 : index
    %get3A_31 = arith.constant 0 : index
    %get3A_32 = vector.load %arg5[%get3A_30, %get3A_31] : memref<2x128xf32, #tpu.memory_space<vmem>>, vector<1x128xf32>
    %get3A_33 = vector.shape_cast %get3A_32 : vector<1x128xf32> to vector<128xf32>
    %broadcast_in_dim3A_34 = vector.shape_cast %get3A_33 : vector<128xf32> to vector<1x128xf32>
    %add3A = vector.broadcast %broadcast_in_dim3A_34 : vector<1x128xf32> to vector<1280x128xf32>
    %add3A_35 = arith.addf %dot_general3A_29, %add3A : vector<1280x128xf32>
    %max3A = arith.constant 0.000000e+00 : f32
    %max3A_36 = vector.broadcast %max3A : f32 to vector<1280x128xf32>
    %max3A_37 = arith.maximumf %add3A_35, %max3A_36 : vector<1280x128xf32>
    %get3A_38 = arith.constant 0 : index
    %get3A_39 = arith.constant 0 : index
    %get3A_40 = vector.load %arg2[%get3A_38, %get3A_39] : memref<1280x128xf32, #tpu.memory_space<vmem>>, vector<1280x128xf32>
    %mul3A_41 = vector.broadcast %broadcast_in_dim3A_20 : vector<1280x1xf32> to vector<1280x128xf32>
    %mul3A_42 = arith.mulf %get3A_40, %mul3A_41 : vector<1280x128xf32>
    %get3A_43 = arith.constant 0 : index
    %get3A_44 = arith.constant 0 : index
    %get3A_45 = vector.load %arg4[%get3A_43, %get3A_44] : memref<128x128xf32, #tpu.memory_space<vmem>>, vector<128x128xf32>
    %dot_general3A_46 = arith.constant dense<0.000000e+00> : vector<1280x128xf32>
    %dot_general3A_47 = tpu.matmul %mul3A_42, %get3A_45, %dot_general3A_46 {dimension_numbers = #tpu.dot_dimension_numbers<[1], [0], [0], [1], [0, 0, 1, 1], [], []>, transpose_lhs_hint = false} : vector<1280x128xf32>, vector<128x128xf32>, vector<1280x128xf32> -> vector<1280x128xf32>
    %get3A_48 = arith.constant 1 : index
    %get3A_49 = arith.constant 0 : index
    %get3A_50 = vector.load %arg5[%get3A_48, %get3A_49] : memref<2x128xf32, #tpu.memory_space<vmem>>, vector<1x128xf32>
    %get3A_51 = vector.shape_cast %get3A_50 : vector<1x128xf32> to vector<128xf32>
    %broadcast_in_dim3A_52 = vector.shape_cast %get3A_51 : vector<128xf32> to vector<1x128xf32>
    %add3A_53 = vector.broadcast %broadcast_in_dim3A_52 : vector<1x128xf32> to vector<1280x128xf32>
    %add3A_54 = arith.addf %dot_general3A_47, %add3A_53 : vector<1280x128xf32>
    %max3A_55 = arith.constant 0.000000e+00 : f32
    %max3A_56 = vector.broadcast %max3A_55 : f32 to vector<1280x128xf32>
    %max3A_57 = arith.maximumf %add3A_54, %max3A_56 : vector<1280x128xf32>
    %mul3A_58 = vector.broadcast %broadcast_in_dim3A_12 : vector<1280x1xf32> to vector<1280x128xf32>
    %mul3A_59 = arith.mulf %max3A_37, %mul3A_58 : vector<1280x128xf32>
    %swap3A = arith.constant 0 : index
    %swap3A_60 = arith.constant 0 : index
    %swap3A_61 = vector.load %arg7[%swap3A, %swap3A_60] : memref<1280x128xf32, #tpu.memory_space<vmem>>, vector<1280x128xf32>
    tpu.vector_store %arg7[%swap3A, %swap3A_60], %mul3A_59 {strides = array<i32>} : memref<1280x128xf32, #tpu.memory_space<vmem>>, vector<1280x128xf32>,
    %mul3A_62 = vector.broadcast %broadcast_in_dim3A_12 : vector<1280x1xf32> to vector<1280x128xf32>
    %mul3A_63 = arith.mulf %max3A_57, %mul3A_62 : vector<1280x128xf32>
    %swap3A_64 = arith.constant 0 : index
    %swap3A_65 = arith.constant 0 : index
    %swap3A_66 = vector.load %arg8[%swap3A_64, %swap3A_65] : memref<1280x128xf32, #tpu.memory_space<vmem>>, vector<1280x128xf32>
    tpu.vector_store %arg8[%swap3A_64, %swap3A_65], %mul3A_63 {strides = array<i32>} : memref<1280x128xf32, #tpu.memory_space<vmem>>, vector<1280x128xf32>,
    return
  }
  func.func @transform_0(%arg0: i32) -> (i32, i32) {
    %c0_i32 = arith.constant 0 : i32
    %c0_i32_0 = arith.constant 0 : i32
    return %arg0, %c0_i32 : i32, i32
  }
  func.func @transform_1(%arg0: i32) -> (i32, i32) {
    %c0_i32 = arith.constant 0 : i32
    %c0_i32_0 = arith.constant 0 : i32
    return %arg0, %c0_i32 : i32, i32
  }
  func.func @transform_2(%arg0: i32) -> (i32, i32) {
    %c0_i32 = arith.constant 0 : i32
    %c0_i32_0 = arith.constant 0 : i32
    %c0_i32_1 = arith.constant 0 : i32
    return %c0_i32, %c0_i32_0 : i32, i32
  }
  func.func @transform_3(%arg0: i32) -> (i32, i32) {
    %c0_i32 = arith.constant 0 : i32
    %c0_i32_0 = arith.constant 0 : i32
    %c0_i32_1 = arith.constant 0 : i32
    return %c0_i32, %c0_i32_0 : i32, i32
  }
  func.func @transform_4(%arg0: i32) -> (i32, i32) {
    %c0_i32 = arith.constant 0 : i32
    %c0_i32_0 = arith.constant 0 : i32
    %c0_i32_1 = arith.constant 0 : i32
    return %c0_i32, %c0_i32_0 : i32, i32
  }
  func.func @transform_5(%arg0: i32) -> (i32, i32) {
    %c0_i32 = arith.constant 0 : i32
    %c0_i32_0 = arith.constant 0 : i32
    %c0_i32_1 = arith.constant 0 : i32
    return %c0_i32, %c0_i32_0 : i32, i32
  }
  func.func @transform_6(%arg0: i32) -> (i32, i32) {
    %c0_i32 = arith.constant 0 : i32
    %c0_i32_0 = arith.constant 0 : i32
    return %arg0, %c0_i32 : i32, i32
  }
  func.func @transform_7(%arg0: i32) -> (i32, i32) {
    %c0_i32 = arith.constant 0 : i32
    %c0_i32_0 = arith.constant 0 : i32
    return %arg0, %c0_i32 : i32, i32
  }
}

module attributes {stable_mosaic.version = 14 : i64} {
  func.func @body(%arg0: i32, %arg1: memref<1280x128xf32, #tpu.memory_space<vmem>>, %arg2: memref<1280x128xf32, #tpu.memory_space<vmem>>, %arg3: memref<128x128xf32, #tpu.memory_space<vmem>>, %arg4: memref<128x128xf32, #tpu.memory_space<vmem>>, %arg5: memref<2x128xf32, #tpu.memory_space<vmem>>, %arg6: memref<2x10240xf32, #tpu.memory_space<vmem>>, %arg7: memref<1280x128xf32, #tpu.memory_space<vmem>>, %arg8: memref<1280x128xf32, #tpu.memory_space<vmem>>) attributes {dimension_semantics = [#tpu.dimension_semantics<arbitrary>], iteration_bounds = array<i64: 8>, scalar_prefetch = 0 : i64, scratch_operands = 0 : i64, tpu.core_type = #tpu.core_type<tc>, window_params = [{transform_indices = @transform_0, window_bounds = array<i64: 1280, 128>}, {transform_indices = @transform_1, window_bounds = array<i64: 1280, 128>}, {pipeline_mode = #tpu.pipeline_mode<synchronous>, transform_indices = @transform_2, window_bounds = array<i64: 128, 128>}, {pipeline_mode = #tpu.pipeline_mode<synchronous>, transform_indices = @transform_3, window_bounds = array<i64: 128, 128>}, {pipeline_mode = #tpu.pipeline_mode<synchronous>, transform_indices = @transform_4, window_bounds = array<i64: 2, 128>}, {pipeline_mode = #tpu.pipeline_mode<synchronous>, transform_indices = @transform_5, window_bounds = array<i64: 2, 10240>}, {transform_indices = @transform_6, window_bounds = array<i64: 1280, 128>}, {transform_indices = @transform_7, window_bounds = array<i64: 1280, 128>}]} {
    %mul3A = arith.constant 1280 : i32
    %mul3A_0 = arith.muli %arg0, %mul3A : i32
    %get3A = arith.constant 1 : index
    %get3A_1 = arith.index_cast %mul3A_0 : i32 to index
    %get3A_2 = vector.load %arg6[%get3A, %get3A_1] : memref<2x10240xf32, #tpu.memory_space<vmem>>, vector<1x1280xf32>
    %get3A_3 = vector.shape_cast %get3A_2 : vector<1x1280xf32> to vector<1280xf32>
    %gt3A = arith.constant 0.000000e+00 : f32
    %gt3A_4 = vector.broadcast %gt3A : f32 to vector<1280xf32>
    %gt3A_5 = arith.cmpf ogt, %get3A_3, %gt3A_4 : vector<1280xf32>
    %rsqrt3A = math.rsqrt %get3A_3 : vector<1280xf32>
    %jit3A = arith.constant 0.000000e+00 : f32
    %broadcast_in_dim3A = vector.broadcast %jit3A : f32 to vector<1280xf32>
    %select_n3A = arith.select %gt3A_5, %rsqrt3A, %broadcast_in_dim3A : vector<1280xi1>, vector<1280xf32>
    %broadcast_in_dim3A_6 = vector.shape_cast %select_n3A : vector<1280xf32> to vector<1280x1xf32>
    %get3A_7 = arith.constant 0 : index
    %get3A_8 = arith.constant 0 : index
    %get3A_9 = vector.load %arg1[%get3A_7, %get3A_8] : memref<1280x128xf32, #tpu.memory_space<vmem>>, vector<1280x128xf32>
    %mul3A_10 = vector.broadcast %broadcast_in_dim3A_6 : vector<1280x1xf32> to vector<1280x128xf32>
    %mul3A_11 = arith.mulf %get3A_9, %mul3A_10 : vector<1280x128xf32>
    %get3A_12 = arith.constant 0 : index
    %get3A_13 = arith.constant 0 : index
    %get3A_14 = vector.load %arg3[%get3A_12, %get3A_13] : memref<128x128xf32, #tpu.memory_space<vmem>>, vector<128x128xf32>
    %dot_general3A = arith.constant dense<0.000000e+00> : vector<1280x128xf32>
    %dot_general3A_15 = tpu.matmul %mul3A_11, %get3A_14, %dot_general3A {dimension_numbers = #tpu.dot_dimension_numbers<[1], [0], [0], [1], [0, 0, 1, 1], [], []>, transpose_lhs_hint = false} : vector<1280x128xf32>, vector<128x128xf32>, vector<1280x128xf32> -> vector<1280x128xf32>
    %get3A_16 = arith.constant 0 : index
    %get3A_17 = arith.constant 0 : index
    %get3A_18 = vector.load %arg5[%get3A_16, %get3A_17] : memref<2x128xf32, #tpu.memory_space<vmem>>, vector<1x128xf32>
    %get3A_19 = vector.shape_cast %get3A_18 : vector<1x128xf32> to vector<128xf32>
    %broadcast_in_dim3A_20 = vector.shape_cast %get3A_19 : vector<128xf32> to vector<1x128xf32>
    %add3A = vector.broadcast %broadcast_in_dim3A_20 : vector<1x128xf32> to vector<1280x128xf32>
    %add3A_21 = arith.addf %dot_general3A_15, %add3A : vector<1280x128xf32>
    %swap3A = arith.constant 0 : index
    %swap3A_22 = arith.constant 0 : index
    %swap3A_23 = vector.load %arg7[%swap3A, %swap3A_22] : memref<1280x128xf32, #tpu.memory_space<vmem>>, vector<1280x128xf32>
    tpu.vector_store %arg7[%swap3A, %swap3A_22], %add3A_21 {strides = array<i32>} : memref<1280x128xf32, #tpu.memory_space<vmem>>, vector<1280x128xf32>,
    %get3A_24 = arith.constant 0 : index
    %get3A_25 = arith.constant 0 : index
    %get3A_26 = vector.load %arg2[%get3A_24, %get3A_25] : memref<1280x128xf32, #tpu.memory_space<vmem>>, vector<1280x128xf32>
    %mul3A_27 = vector.broadcast %broadcast_in_dim3A_6 : vector<1280x1xf32> to vector<1280x128xf32>
    %mul3A_28 = arith.mulf %get3A_26, %mul3A_27 : vector<1280x128xf32>
    %get3A_29 = arith.constant 0 : index
    %get3A_30 = arith.constant 0 : index
    %get3A_31 = vector.load %arg4[%get3A_29, %get3A_30] : memref<128x128xf32, #tpu.memory_space<vmem>>, vector<128x128xf32>
    %dot_general3A_32 = arith.constant dense<0.000000e+00> : vector<1280x128xf32>
    %dot_general3A_33 = tpu.matmul %mul3A_28, %get3A_31, %dot_general3A_32 {dimension_numbers = #tpu.dot_dimension_numbers<[1], [0], [0], [1], [0, 0, 1, 1], [], []>, transpose_lhs_hint = false} : vector<1280x128xf32>, vector<128x128xf32>, vector<1280x128xf32> -> vector<1280x128xf32>
    %get3A_34 = arith.constant 1 : index
    %get3A_35 = arith.constant 0 : index
    %get3A_36 = vector.load %arg5[%get3A_34, %get3A_35] : memref<2x128xf32, #tpu.memory_space<vmem>>, vector<1x128xf32>
    %get3A_37 = vector.shape_cast %get3A_36 : vector<1x128xf32> to vector<128xf32>
    %broadcast_in_dim3A_38 = vector.shape_cast %get3A_37 : vector<128xf32> to vector<1x128xf32>
    %add3A_39 = vector.broadcast %broadcast_in_dim3A_38 : vector<1x128xf32> to vector<1280x128xf32>
    %add3A_40 = arith.addf %dot_general3A_33, %add3A_39 : vector<1280x128xf32>
    %swap3A_41 = arith.constant 0 : index
    %swap3A_42 = arith.constant 0 : index
    %swap3A_43 = vector.load %arg8[%swap3A_41, %swap3A_42] : memref<1280x128xf32, #tpu.memory_space<vmem>>, vector<1280x128xf32>
    tpu.vector_store %arg8[%swap3A_41, %swap3A_42], %add3A_40 {strides = array<i32>} : memref<1280x128xf32, #tpu.memory_space<vmem>>, vector<1280x128xf32>,
    return
  }
  func.func @transform_0(%arg0: i32) -> (i32, i32) {
    %c0_i32 = arith.constant 0 : i32
    %c0_i32_0 = arith.constant 0 : i32
    return %arg0, %c0_i32 : i32, i32
  }
  func.func @transform_1(%arg0: i32) -> (i32, i32) {
    %c0_i32 = arith.constant 0 : i32
    %c0_i32_0 = arith.constant 0 : i32
    return %arg0, %c0_i32 : i32, i32
  }
  func.func @transform_2(%arg0: i32) -> (i32, i32) {
    %c0_i32 = arith.constant 0 : i32
    %c0_i32_0 = arith.constant 0 : i32
    %c0_i32_1 = arith.constant 0 : i32
    return %c0_i32, %c0_i32_0 : i32, i32
  }
  func.func @transform_3(%arg0: i32) -> (i32, i32) {
    %c0_i32 = arith.constant 0 : i32
    %c0_i32_0 = arith.constant 0 : i32
    %c0_i32_1 = arith.constant 0 : i32
    return %c0_i32, %c0_i32_0 : i32, i32
  }
  func.func @transform_4(%arg0: i32) -> (i32, i32) {
    %c0_i32 = arith.constant 0 : i32
    %c0_i32_0 = arith.constant 0 : i32
    %c0_i32_1 = arith.constant 0 : i32
    return %c0_i32, %c0_i32_0 : i32, i32
  }
  func.func @transform_5(%arg0: i32) -> (i32, i32) {
    %c0_i32 = arith.constant 0 : i32
    %c0_i32_0 = arith.constant 0 : i32
    %c0_i32_1 = arith.constant 0 : i32
    return %c0_i32, %c0_i32_0 : i32, i32
  }
  func.func @transform_6(%arg0: i32) -> (i32, i32) {
    %c0_i32 = arith.constant 0 : i32
    %c0_i32_0 = arith.constant 0 : i32
    return %arg0, %c0_i32 : i32, i32
  }
  func.func @transform_7(%arg0: i32) -> (i32, i32) {
    %c0_i32 = arith.constant 0 : i32
    %c0_i32_0 = arith.constant 0 : i32
    return %arg0, %c0_i32 : i32, i32
  }
}

module attributes {stable_mosaic.version = 14 : i64} {
  func.func @body(%arg0: i32, %arg1: memref<1000x128xf32, #tpu.memory_space<vmem>>, %arg2: memref<1000x128xf32, #tpu.memory_space<vmem>>, %arg3: memref<2x128x128xf32, #tpu.memory_space<vmem>>, %arg4: memref<2x128xf32, #tpu.memory_space<vmem>>, %arg5: memref<2x128x128xf32, #tpu.memory_space<vmem>>, %arg6: memref<2x128xf32, #tpu.memory_space<vmem>>, %arg7: memref<4x1000x128xf32, #tpu.memory_space<vmem>>) attributes {dimension_semantics = [#tpu.dimension_semantics<arbitrary>], iteration_bounds = array<i64: 10>, scalar_prefetch = 0 : i64, scratch_operands = 0 : i64, tpu.core_type = #tpu.core_type<tc>, window_params = [{transform_indices = @transform_0, window_bounds = array<i64: 1000, 128>}, {transform_indices = @transform_1, window_bounds = array<i64: 1000, 128>}, {pipeline_mode = #tpu.pipeline_mode<synchronous>, transform_indices = @transform_2, window_bounds = array<i64: 2, 128, 128>}, {pipeline_mode = #tpu.pipeline_mode<synchronous>, transform_indices = @transform_3, window_bounds = array<i64: 2, 128>}, {pipeline_mode = #tpu.pipeline_mode<synchronous>, transform_indices = @transform_4, window_bounds = array<i64: 2, 128, 128>}, {pipeline_mode = #tpu.pipeline_mode<synchronous>, transform_indices = @transform_5, window_bounds = array<i64: 2, 128>}, {transform_indices = @transform_6, window_bounds = array<i64: 4, 1000, 128>}]} {
    %get3A = arith.constant 0 : index
    %get3A_0 = arith.constant 0 : index
    %get3A_1 = vector.load %arg1[%get3A, %get3A_0] : memref<1000x128xf32, #tpu.memory_space<vmem>>, vector<1000x128xf32>
    %get3A_2 = arith.constant 0 : index
    %get3A_3 = arith.constant 0 : index
    %get3A_4 = vector.load %arg2[%get3A_2, %get3A_3] : memref<1000x128xf32, #tpu.memory_space<vmem>>, vector<1000x128xf32>
    %get3A_5 = arith.constant 0 : index
    %get3A_6 = arith.constant 0 : index
    %get3A_7 = arith.constant 0 : index
    %get3A_8 = vector.load %arg3[%get3A_5, %get3A_6, %get3A_7] : memref<2x128x128xf32, #tpu.memory_space<vmem>>, vector<1x128x128xf32>
    %get3A_9 = vector.shape_cast %get3A_8 : vector<1x128x128xf32> to vector<128x128xf32>
    %dot_general3A = arith.constant dense<0.000000e+00> : vector<1000x128xf32>
    %dot_general3A_10 = tpu.matmul %get3A_1, %get3A_9, %dot_general3A {dimension_numbers = #tpu.dot_dimension_numbers<[1], [0], [0], [1], [0, 0, 1, 1], [], []>, transpose_lhs_hint = false} : vector<1000x128xf32>, vector<128x128xf32>, vector<1000x128xf32> -> vector<1000x128xf32>
    %get3A_11 = arith.constant 0 : index
    %get3A_12 = arith.constant 0 : index
    %get3A_13 = vector.load %arg4[%get3A_11, %get3A_12] : memref<2x128xf32, #tpu.memory_space<vmem>>, vector<1x128xf32>
    %get3A_14 = vector.shape_cast %get3A_13 : vector<1x128xf32> to vector<128xf32>
    %broadcast_in_dim3A = vector.shape_cast %get3A_14 : vector<128xf32> to vector<1x128xf32>
    %add3A = vector.broadcast %broadcast_in_dim3A : vector<1x128xf32> to vector<1000x128xf32>
    %add3A_15 = arith.addf %dot_general3A_10, %add3A : vector<1000x128xf32>
    %gt3A = arith.constant 0.000000e+00 : f32
    %gt3A_16 = vector.broadcast %gt3A : f32 to vector<1000x128xf32>
    %gt3A_17 = arith.cmpf ogt, %add3A_15, %gt3A_16 : vector<1000x128xf32>
    %exp3A = math.exp %add3A_15 : vector<1000x128xf32>
    %sub3A = arith.constant 1.000000e+00 : f32
    %sub3A_18 = vector.broadcast %sub3A : f32 to vector<1000x128xf32>
    %sub3A_19 = arith.subf %exp3A, %sub3A_18 : vector<1000x128xf32>
    %select_n3A = arith.select %gt3A_17, %add3A_15, %sub3A_19 : vector<1000x128xi1>, vector<1000x128xf32>
    %get3A_20 = arith.constant 0 : index
    %get3A_21 = arith.constant 0 : index
    %get3A_22 = arith.constant 0 : index
    %get3A_23 = vector.load %arg5[%get3A_20, %get3A_21, %get3A_22] : memref<2x128x128xf32, #tpu.memory_space<vmem>>, vector<1x128x128xf32>
    %get3A_24 = vector.shape_cast %get3A_23 : vector<1x128x128xf32> to vector<128x128xf32>
    %dot_general3A_25 = arith.constant dense<0.000000e+00> : vector<1000x128xf32>
    %dot_general3A_26 = tpu.matmul %select_n3A, %get3A_24, %dot_general3A_25 {dimension_numbers = #tpu.dot_dimension_numbers<[1], [0], [0], [1], [0, 0, 1, 1], [], []>, transpose_lhs_hint = false} : vector<1000x128xf32>, vector<128x128xf32>, vector<1000x128xf32> -> vector<1000x128xf32>
    %get3A_27 = arith.constant 0 : index
    %get3A_28 = arith.constant 0 : index
    %get3A_29 = vector.load %arg6[%get3A_27, %get3A_28] : memref<2x128xf32, #tpu.memory_space<vmem>>, vector<1x128xf32>
    %get3A_30 = vector.shape_cast %get3A_29 : vector<1x128xf32> to vector<128xf32>
    %broadcast_in_dim3A_31 = vector.shape_cast %get3A_30 : vector<128xf32> to vector<1x128xf32>
    %add3A_32 = vector.broadcast %broadcast_in_dim3A_31 : vector<1x128xf32> to vector<1000x128xf32>
    %add3A_33 = arith.addf %dot_general3A_26, %add3A_32 : vector<1000x128xf32>
    %gt3A_34 = arith.constant 0.000000e+00 : f32
    %gt3A_35 = vector.broadcast %gt3A_34 : f32 to vector<1000x128xf32>
    %gt3A_36 = arith.cmpf ogt, %add3A_33, %gt3A_35 : vector<1000x128xf32>
    %exp3A_37 = math.exp %add3A_33 : vector<1000x128xf32>
    %sub3A_38 = arith.constant 1.000000e+00 : f32
    %sub3A_39 = vector.broadcast %sub3A_38 : f32 to vector<1000x128xf32>
    %sub3A_40 = arith.subf %exp3A_37, %sub3A_39 : vector<1000x128xf32>
    %select_n3A_41 = arith.select %gt3A_36, %add3A_33, %sub3A_40 : vector<1000x128xi1>, vector<1000x128xf32>
    %get3A_42 = arith.constant 1 : index
    %get3A_43 = arith.constant 0 : index
    %get3A_44 = arith.constant 0 : index
    %get3A_45 = vector.load %arg3[%get3A_42, %get3A_43, %get3A_44] : memref<2x128x128xf32, #tpu.memory_space<vmem>>, vector<1x128x128xf32>
    %get3A_46 = vector.shape_cast %get3A_45 : vector<1x128x128xf32> to vector<128x128xf32>
    %dot_general3A_47 = arith.constant dense<0.000000e+00> : vector<1000x128xf32>
    %dot_general3A_48 = tpu.matmul %get3A_4, %get3A_46, %dot_general3A_47 {dimension_numbers = #tpu.dot_dimension_numbers<[1], [0], [0], [1], [0, 0, 1, 1], [], []>, transpose_lhs_hint = false} : vector<1000x128xf32>, vector<128x128xf32>, vector<1000x128xf32> -> vector<1000x128xf32>
    %get3A_49 = arith.constant 1 : index
    %get3A_50 = arith.constant 0 : index
    %get3A_51 = vector.load %arg4[%get3A_49, %get3A_50] : memref<2x128xf32, #tpu.memory_space<vmem>>, vector<1x128xf32>
    %get3A_52 = vector.shape_cast %get3A_51 : vector<1x128xf32> to vector<128xf32>
    %broadcast_in_dim3A_53 = vector.shape_cast %get3A_52 : vector<128xf32> to vector<1x128xf32>
    %add3A_54 = vector.broadcast %broadcast_in_dim3A_53 : vector<1x128xf32> to vector<1000x128xf32>
    %add3A_55 = arith.addf %dot_general3A_48, %add3A_54 : vector<1000x128xf32>
    %gt3A_56 = arith.constant 0.000000e+00 : f32
    %gt3A_57 = vector.broadcast %gt3A_56 : f32 to vector<1000x128xf32>
    %gt3A_58 = arith.cmpf ogt, %add3A_55, %gt3A_57 : vector<1000x128xf32>
    %exp3A_59 = math.exp %add3A_55 : vector<1000x128xf32>
    %sub3A_60 = arith.constant 1.000000e+00 : f32
    %sub3A_61 = vector.broadcast %sub3A_60 : f32 to vector<1000x128xf32>
    %sub3A_62 = arith.subf %exp3A_59, %sub3A_61 : vector<1000x128xf32>
    %select_n3A_63 = arith.select %gt3A_58, %add3A_55, %sub3A_62 : vector<1000x128xi1>, vector<1000x128xf32>
    %get3A_64 = arith.constant 1 : index
    %get3A_65 = arith.constant 0 : index
    %get3A_66 = arith.constant 0 : index
    %get3A_67 = vector.load %arg5[%get3A_64, %get3A_65, %get3A_66] : memref<2x128x128xf32, #tpu.memory_space<vmem>>, vector<1x128x128xf32>
    %get3A_68 = vector.shape_cast %get3A_67 : vector<1x128x128xf32> to vector<128x128xf32>
    %dot_general3A_69 = arith.constant dense<0.000000e+00> : vector<1000x128xf32>
    %dot_general3A_70 = tpu.matmul %select_n3A_63, %get3A_68, %dot_general3A_69 {dimension_numbers = #tpu.dot_dimension_numbers<[1], [0], [0], [1], [0, 0, 1, 1], [], []>, transpose_lhs_hint = false} : vector<1000x128xf32>, vector<128x128xf32>, vector<1000x128xf32> -> vector<1000x128xf32>
    %get3A_71 = arith.constant 1 : index
    %get3A_72 = arith.constant 0 : index
    %get3A_73 = vector.load %arg6[%get3A_71, %get3A_72] : memref<2x128xf32, #tpu.memory_space<vmem>>, vector<1x128xf32>
    %get3A_74 = vector.shape_cast %get3A_73 : vector<1x128xf32> to vector<128xf32>
    %broadcast_in_dim3A_75 = vector.shape_cast %get3A_74 : vector<128xf32> to vector<1x128xf32>
    %add3A_76 = vector.broadcast %broadcast_in_dim3A_75 : vector<1x128xf32> to vector<1000x128xf32>
    %add3A_77 = arith.addf %dot_general3A_70, %add3A_76 : vector<1000x128xf32>
    %gt3A_78 = arith.constant 0.000000e+00 : f32
    %gt3A_79 = vector.broadcast %gt3A_78 : f32 to vector<1000x128xf32>
    %gt3A_80 = arith.cmpf ogt, %add3A_77, %gt3A_79 : vector<1000x128xf32>
    %exp3A_81 = math.exp %add3A_77 : vector<1000x128xf32>
    %sub3A_82 = arith.constant 1.000000e+00 : f32
    %sub3A_83 = vector.broadcast %sub3A_82 : f32 to vector<1000x128xf32>
    %sub3A_84 = arith.subf %exp3A_81, %sub3A_83 : vector<1000x128xf32>
    %select_n3A_85 = arith.select %gt3A_80, %add3A_77, %sub3A_84 : vector<1000x128xi1>, vector<1000x128xf32>
    %swap3A = arith.constant 0 : index
    %swap3A_86 = arith.constant 0 : index
    %swap3A_87 = arith.constant 0 : index
    %swap3A_88 = vector.load %arg7[%swap3A, %swap3A_86, %swap3A_87] : memref<4x1000x128xf32, #tpu.memory_space<vmem>>, vector<1x1000x128xf32>
    %swap3A_89 = vector.shape_cast %swap3A_88 : vector<1x1000x128xf32> to vector<1000x128xf32>
    %swap3A_90 = vector.shape_cast %get3A_1 : vector<1000x128xf32> to vector<1x1000x128xf32>
    tpu.vector_store %arg7[%swap3A, %swap3A_86, %swap3A_87], %swap3A_90 {strides = array<i32>} : memref<4x1000x128xf32, #tpu.memory_space<vmem>>, vector<1x1000x128xf32>,
    %swap3A_91 = arith.constant 1 : index
    %swap3A_92 = arith.constant 0 : index
    %swap3A_93 = arith.constant 0 : index
    %swap3A_94 = vector.load %arg7[%swap3A_91, %swap3A_92, %swap3A_93] : memref<4x1000x128xf32, #tpu.memory_space<vmem>>, vector<1x1000x128xf32>
    %swap3A_95 = vector.shape_cast %swap3A_94 : vector<1x1000x128xf32> to vector<1000x128xf32>
    %swap3A_96 = vector.shape_cast %get3A_4 : vector<1000x128xf32> to vector<1x1000x128xf32>
    tpu.vector_store %arg7[%swap3A_91, %swap3A_92, %swap3A_93], %swap3A_96 {strides = array<i32>} : memref<4x1000x128xf32, #tpu.memory_space<vmem>>, vector<1x1000x128xf32>,
    %swap3A_97 = arith.constant 2 : index
    %swap3A_98 = arith.constant 0 : index
    %swap3A_99 = arith.constant 0 : index
    %swap3A_100 = vector.load %arg7[%swap3A_97, %swap3A_98, %swap3A_99] : memref<4x1000x128xf32, #tpu.memory_space<vmem>>, vector<1x1000x128xf32>
    %swap3A_101 = vector.shape_cast %swap3A_100 : vector<1x1000x128xf32> to vector<1000x128xf32>
    %swap3A_102 = vector.shape_cast %select_n3A_41 : vector<1000x128xf32> to vector<1x1000x128xf32>
    tpu.vector_store %arg7[%swap3A_97, %swap3A_98, %swap3A_99], %swap3A_102 {strides = array<i32>} : memref<4x1000x128xf32, #tpu.memory_space<vmem>>, vector<1x1000x128xf32>,
    %swap3A_103 = arith.constant 3 : index
    %swap3A_104 = arith.constant 0 : index
    %swap3A_105 = arith.constant 0 : index
    %swap3A_106 = vector.load %arg7[%swap3A_103, %swap3A_104, %swap3A_105] : memref<4x1000x128xf32, #tpu.memory_space<vmem>>, vector<1x1000x128xf32>
    %swap3A_107 = vector.shape_cast %swap3A_106 : vector<1x1000x128xf32> to vector<1000x128xf32>
    %swap3A_108 = vector.shape_cast %select_n3A_85 : vector<1000x128xf32> to vector<1x1000x128xf32>
    tpu.vector_store %arg7[%swap3A_103, %swap3A_104, %swap3A_105], %swap3A_108 {strides = array<i32>} : memref<4x1000x128xf32, #tpu.memory_space<vmem>>, vector<1x1000x128xf32>,
    return
  }
  func.func @transform_0(%arg0: i32) -> (i32, i32) {
    %c0_i32 = arith.constant 0 : i32
    %c0_i32_0 = arith.constant 0 : i32
    return %arg0, %c0_i32 : i32, i32
  }
  func.func @transform_1(%arg0: i32) -> (i32, i32) {
    %c0_i32 = arith.constant 0 : i32
    %c0_i32_0 = arith.constant 0 : i32
    return %arg0, %c0_i32 : i32, i32
  }
  func.func @transform_2(%arg0: i32) -> (i32, i32, i32) {
    %c0_i32 = arith.constant 0 : i32
    %c0_i32_0 = arith.constant 0 : i32
    %c0_i32_1 = arith.constant 0 : i32
    %c0_i32_2 = arith.constant 0 : i32
    return %c0_i32, %c0_i32_0, %c0_i32_1 : i32, i32, i32
  }
  func.func @transform_3(%arg0: i32) -> (i32, i32) {
    %c0_i32 = arith.constant 0 : i32
    %c0_i32_0 = arith.constant 0 : i32
    %c0_i32_1 = arith.constant 0 : i32
    return %c0_i32, %c0_i32_0 : i32, i32
  }
  func.func @transform_4(%arg0: i32) -> (i32, i32, i32) {
    %c0_i32 = arith.constant 0 : i32
    %c0_i32_0 = arith.constant 0 : i32
    %c0_i32_1 = arith.constant 0 : i32
    %c0_i32_2 = arith.constant 0 : i32
    return %c0_i32, %c0_i32_0, %c0_i32_1 : i32, i32, i32
  }
  func.func @transform_5(%arg0: i32) -> (i32, i32) {
    %c0_i32 = arith.constant 0 : i32
    %c0_i32_0 = arith.constant 0 : i32
    %c0_i32_1 = arith.constant 0 : i32
    return %c0_i32, %c0_i32_0 : i32, i32
  }
  func.func @transform_6(%arg0: i32) -> (i32, i32, i32) {
    %c0_i32 = arith.constant 0 : i32
    %c0_i32_0 = arith.constant 0 : i32
    %c0_i32_1 = arith.constant 0 : i32
    return %c0_i32, %arg0, %c0_i32_0 : i32, i32, i32
  }
}

</mosaic_0001>

<sc_bundles>
// kernel: kernel.12.cloned.1.call-start
scs
__scs_entry_jumppad:
0x0: {  	(pc) =	sbr.rel $0x88, $3  }
0x1: {  	(tag) =	ssettag $0x0;
	lr =	simm.s32 $0x1  }
0x2: {  	[smem:$0x3F8E] =	sst lr;
	_ =	strace $0xD0000000  }
0x3: {  	_ = 	snop  }
0x4: {  	_ = 	snop  }
0x5: {  	_ = 	snop  }
0x6: {  	_ = 	snop  }
0x7: {  	_ = 	snop  }
__scs_overlays_trampoline_lowered:
0x8: {  	[smem:$0x3F9D] =	sst s0  }
0x9: {  	[smem:$0x3F9E] =	sst s1  }
0xa: {  	[smem:$0x3F9F] =	sst s2  }
0xb: {  	[smem:$0x3FA0] =	sst s3  }
0xc: {  	[smem:$0x3FA1] =	sst s4  }
0xd: {  	[smem:$0x3FA2] =	sst s5  }
0xe: {  	[smem:$0x3FA3] =	sst s6  }
0xf: {  	[smem:$0x3FA4] =	sst s7  }
0x10: {  	[smem:$0x3FA5] =	sst s8  }
0x11: {  	[smem:$0x3FA6] =	sst s9;
	s0 =	simm.s32 @!p0 $0x0  }
0x12: {  	s1 =	sld [smem:$0x3F8C];
	s0 =	simm.s32 @p0 $0x1  }
0x13: {  	[smem:$0x3FA7] =	sst s0;
	s0 =	simm.s32 @!p1 $0x0  }
0x14: {  	s2 =	sld [smem:$0x3F8B];
	s0 =	simm.s32 @p1 $0x1  }
0x15: {  	[smem:$0x3FA8] =	sst s0;
	s0 =	simm.s32 @!p2 $0x0  }
0x16: {  	s3 =	sld [smem:$0x3FDB];
	s0 =	simm.s32 @p2 $0x1  }
0x17: {  	s4 =	simm.s32 $0x1BF5;
	[smem:$0x3FAA] =	sst s0  }
0x18: {  	s0 =	sld [smem:$0x3F8D];
	_ =	swait.ge [sflag:s4], $0x0  }
0x19: {  	s7 =	sld [smem:$0x3F8E]  }
0x1a: {  	s8 =	sadd.s32 $0xFFFFE003, lr  }
0x1b: {  	s9 =	sadd.s32 $0xFFFFFEF7, lr;
	s5 =	simm.s32 $0xFFFFFFFF;
	p2 =	slt.u32 s8, $0xFFFFF086  }
0x1c: {  	p1 =	slt.u32 s9, $0xF7A;
	s5 =	simm.s32 @!p2 $0x0  }
0x1d: {  	s5 =	simm.s32 @p1 $0x1;
	p0 =	seq.s32 s7, s2  }
0x1e: {  	s7 =	smul.u32 @!p0 $0xF7A, s2;
	p2 =	seq.s32 @!p0 s5, $0x0  }
0x1f: {  	s9 =	smul.u32 $0xF7A, s1;
	s8 =	simm.s32 @!p0 $0x1BF5;
	p2 =	por !p2, p0  }
0x20: {  	[sflag:s8] =	ssyncset.s32 @!p0 $0xFFFFF086;
	s6 =	sadd.s32 @!p0 s3, s7;
	s7 =	simm.s32 @!p0 $0x108  }
0x21: {  	s3 =	sadd.s32 s3, s9;
	s6 =	sadd.s32 @!p0 $0x88, s6;
	s7 =	simm.s32 @p2 $0x1082  }
0x22: {  	[simem:s7], [sflag:s8] =	dma.local @!p0 [hbm:s6], $0xF7A  }
0x23: {  	s9 =	sor.u32 $0xD0000000, s2;
	s6 =	simm.s32 $0x108;
	_ =	swait.ge @!p0 [sflag:s8], $0x0  }
0x24: {  	s3 =	sadd.s32 $0x88, s3;
	s6 =	simm.s32 @!p1 $0x1082;
	[sflag:s4] =	ssyncset.s32 $0xFFFFF086  }
0x25: {  	[simem:s6], [sflag:s4] =	dma.local [hbm:s3], $0xF7A  }
0x26: {  	[smem:$0x3F8E] =	sst s1;
	(tag) =	ssettag s2;
	_ =	strace s9  }
0x27: {  	s1 =	sld [smem:$0x3F9E]  }
0x28: {  	s2 =	sld [smem:$0x3F9F]  }
0x29: {  	s4 =	sld [smem:$0x3FA1]  }
0x2a: {  	p0 =	seq.s32 s5, $0x0;
	s5 =	sld [smem:$0x3FA2]  }
0x2b: {  	s6 =	sld [smem:$0x3FA3]  }
0x2c: {  	s7 =	sld [smem:$0x3FA4]  }
0x2d: {  	s3 =	simm.s32 $0x108;
	s8 =	sld [smem:$0x3FA5]  }
0x2e: {  	s3 =	simm.s32 @!p0 $0x1082;
	s9 =	sld [smem:$0x3FA6]  }
0x2f: {  	lr =	sadd.s32 s0, s3;
	s0 =	sld [smem:$0x3F9D]  }
0x30: {  	s3 =	sld [smem:$0x3FA0]  }
0x31: {  	[smem:$0x3FA9] =	sst s10  }
0x32: {  	s10 =	sld [smem:$0x3FA7];
	_ =	sdelay $0x3  }
0x33: {  	p0 =	seq.s32 s10, $0x1;
	s10 =	sld [smem:$0x3FA9];
	_ =	sdelay $0x3  }
0x34: {  	[smem:$0x3FA9] =	sst s10  }
0x35: {  	s10 =	sld [smem:$0x3FA8];
	_ =	sdelay $0x3  }
0x36: {  	p1 =	seq.s32 s10, $0x1;
	s10 =	sld [smem:$0x3FA9];
	_ =	sdelay $0x3  }
0x37: {  	[smem:$0x3FA9] =	sst s10  }
0x38: {  	s10 =	sld [smem:$0x3FAA]  }
0x39: {  	_ = 	snop;
	(pc) =	sbr.ind lr, $3  }
0x3a: {  	_ = 	snop  }
0x3b: {  	_ = 	snop  }
0x3c: {  	p2 =	seq.s32 s10, $0x1;
	s10 =	sld [smem:$0x3FA9]  }
0x3d: {  	_ =	shalt  }
0x3e: {  	_ =	shalt  }
0x3f: {  	_ =	shalt  }
0x40: {  	_ =	shalt  }
0x41: {  	_ =	shalt  }
0x42: {  	_ =	shalt  }
0x43: {  	_ =	shalt  }
0x44: {  	_ =	shalt  }
0x45: {  	_ =	shalt  }
0x46: {  	_ =	shalt  }
0x47: {  	_ =	shalt  }
0x48: {  	_ =	shalt  }
0x49: {  	_ =	shalt  }
0x4a: {  	_ =	shalt  }
0x4b: {  	_ =	shalt  }
0x4c: {  	_ =	shalt  }
0x4d: {  	_ =	shalt  }
0x4e: {  	_ =	shalt  }
0x4f: {  	_ =	shalt  }
0x50: {  	_ =	shalt  }
0x51: {  	_ =	shalt  }
0x52: {  	_ =	shalt  }
0x53: {  	_ =	shalt  }
0x54: {  	_ =	shalt  }
0x55: {  	_ =	shalt  }
0x56: {  	_ =	shalt  }
0x57: {  	_ =	shalt  }
0x58: {  	_ =	shalt  }
0x59: {  	_ =	shalt  }
0x5a: {  	_ =	shalt  }
0x5b: {  	_ =	shalt  }
0x5c: {  	_ =	shalt  }
0x5d: {  	_ =	shalt  }
0x5e: {  	_ =	shalt  }
0x5f: {  	_ =	shalt  }
0x60: {  	_ =	shalt  }
0x61: {  	_ =	shalt  }
0x62: {  	_ =	shalt  }
0x63: {  	_ =	shalt  }
0x64: {  	_ =	shalt  }
0x65: {  	_ =	shalt  }
0x66: {  	_ =	shalt  }
0x67: {  	_ =	shalt  }
0x68: {  	_ =	shalt  }
0x69: {  	_ =	shalt  }
0x6a: {  	_ =	shalt  }
0x6b: {  	_ =	shalt  }
0x6c: {  	_ =	shalt  }
0x6d: {  	_ =	shalt  }
0x6e: {  	_ =	shalt  }
0x6f: {  	_ =	shalt  }
0x70: {  	_ =	shalt  }
0x71: {  	_ =	shalt  }
0x72: {  	_ =	shalt  }
0x73: {  	_ =	shalt  }
0x74: {  	_ =	shalt  }
0x75: {  	_ =	shalt  }
0x76: {  	_ =	shalt  }
0x77: {  	_ =	shalt  }
0x78: {  	_ =	shalt  }
0x79: {  	_ =	shalt  }
0x7a: {  	_ =	shalt  }
0x7b: {  	_ =	shalt  }
0x7c: {  	_ =	shalt  }
0x7d: {  	_ =	shalt  }
0x7e: {  	_ =	shalt  }
0x7f: {  	_ =	shalt  }
0x80: {  	_ =	shalt  }
0x81: {  	_ =	shalt  }
0x82: {  	_ =	shalt  }
0x83: {  	_ =	shalt  }
0x84: {  	_ =	shalt  }
0x85: {  	_ =	shalt  }
0x86: {  	_ =	shalt  }
0x87: {  	_ =	shalt  }
.Lfunc_end0:
.L_simem_size_0:
called_computation.1_lowered:
.L_overlay_start_0:
0x88: {  	s2 =	sld [smem:$0x3FD9]  }
0x89: {  	s3 =	sld [smem:$0x3FFE];
	_ =	sdelay $0x1  }
0x8a: {  	s1 =	srdreg.scid  }
0x8b: {  	s0 =	sand.u32 $0x1, s1  }
0x8c: {  	s17 =	sshll.u32 s0, $0xA;
	s2 =	sadd.s32 s3, s2  }
0x8d: {  	s2 =	sadd.s32 s2, s17  }
0x8e: {  	[smem:$0x3FB5] =	sst s2  }
0x8f: {  	_ = 	snop  }
0x90: {  	s2 =	sld [smem:$0x3FD0];
	(tm) =	ssettm $0x1  }
0x91: {  	s18 =	sld [smem:$0x3FFB];
	_ =	sdelay $0x3  }
0x92: {  	_ =	strace s18  }
0x93: {  	s3 =	sld [smem:$0x3FFC];
	_ =	sdelay $0x3  }
0x94: {  	_ =	strace s3  }
0x95: {  	s3 =	sld [smem:$0x3FFD];
	_ =	sdelay $0x3  }
0x96: {  	_ =	strace s3  }
0x97: {  	_ =	strace $0x8FFFFFFF  }
0x98: {  	s19 =	sld [smem:$0x3FDB];
	_ =	sdelay $0x1  }
0x99: {  	s4 =	simm.s32 $_scs_section_size  }
0x9a: {  	s5 =	simm.s32 $_size__tile_overlayer_lowered;
	s6 =	simm.s32 $_tile_overlayer_lowered  }
0x9b: {  	s22 =	simm.s32 $0x1BFF;
	s21 =	sshll.u32 s6, $0x1;
	s3 =	sadd.s32 s4, s19  }
0x9c: {  	s7 =	simm.s32 $0x0;
	s20 =	sshll.u32 s5, $0x1;
	s5 =	sadd.s32 s21, s3  }
0x9d: {  	[timem:s7], [sflag:s22] =	dma.local [hbm:s5], s20  }
0x9e: {  	_ =	swait.ge [sflag:s22], s20  }
0x9f: {  	s4 =	ssub.s32 $0x0, s20;
	[sflag:s22] =	ssyncset.done $0x0  }
0xa0: {  	[sflag:s22] =	ssyncadd.s32 s4;
	_ =	sdelay $0x1  }
0xa1: {  	s23 =	simm.s32 $0x1B8B  }
0xa2: {  	_ =	swait.ge [sflag:s23], $0x1  }
0xa3: {  	[sflag:s23] =	ssyncset.done $0x0  }
0xa4: {  	s25 =	simm.s32 $0x1B8E;
	s24 =	sld [smem:$0x3FFE];
	[sflag:s23] =	ssyncadd.s32 $0xFFFFFFFF  }
0xa5: {  	s26 =	simm.s32 $execute0_lowered;
	[smem:$0x3FD2] =	sst s25  }
0xa6: {  	s5 =	sshll.u32 s26, $0x1;
	_ =	strace $0x80000049;
	[dreg:$0x1] =	wrdreg $0xFFFFFFFF  }
0xa7: {  	s28 =	simm.s32 $_size_execute0_lowered;
	s3 =	sadd.s32 s3, s5;
	[dreg:$0x0] =	wrdreg $0x0  }
0xa8: {  	s5 =	sshll.u32 s28, $0x1;
	[dreg:$0x2] =	wrdreg s3  }
0xa9: {  	[dreg:$0x3] =	wrdreg s5  }
0xaa: {  	[dreg:$0x4] =	wrdreg $0xC0  }
0xab: {  	_ =	task [dreg:s7], $0x5FFFF  }
0xac: {  	[dreg:$0x1] =	wrdreg $0xFFFFFFFF  }
0xad: {  	[dreg:$0x0] =	wrdreg $0x60  }
0xae: {  	[dreg:$0x2] =	wrdreg s2  }
0xaf: {  	[dreg:$0x3] =	wrdreg s24  }
0xb0: {  	[dreg:$0x4] =	wrdreg $0xA2000  }
0xb1: {  	[dreg:$0x5] =	wrdreg $0x9  }
0xb2: {  	_ =	task.clear_ibuf [dreg:s7], $0x6FFFF;
	_ =	strace $0x90000049  }
0xb3: {  	s29 =	simm.s32 $0x9;
	_ =	strace $0x8000004B  }
0xb4: {  	_ =	swait.ge [sflag:s29], $0x1  }
0xb5: {  	[sflag:s29] =	ssyncadd.s32 $0xFFFFFFFF  }
0xb6: {  	_ =	strace $0x9000004B  }
0xb7: {  	_ =	sfence  }
0xb8: {  	s30 =	sld [smem:$0x0];
	_ =	sdelay $0x2  }
0xb9: {  	s31 =	sshll.u32 s1, $0xD;
	s1 =	sshrl.u32 s1, $0x2  }
0xba: {  	s3 =	sand.u32 $0x4000, s31;
	s1 =	sadd.s32 s1, s30  }
0xbb: {  	s0 =	sor.u32 s3, s0;
	s1 =	sshll.u32 s1, $0x11  }
0xbc: {  	s0 =	sor.u32 s1, s0  }
0xbd: {  	s0 =	sadd.s32 $0x8F2B, s0  }
0xbe: {  	[sflag:s0] =	ssyncadd.remote.s32 $0x1  }
0xbf: {  	_ =	sfence.sel $0xFFFF  }
0xc0: {  	[dreg:$0x0] =	wrdreg $0xFFFFFFFF;
	(pc) =	sbr.abs _section_cstart, $3  }
0xc1: {  	[dreg:$0x1] =	wrdreg $0xFFFFFFFF  }
0xc2: {  	_ =	task.clear_ibuf [dreg:s7], $0x2FFFF;
	_ =	strace $0x9FFFFFFF  }
0xc3: {  	(tm) =	ssettm $0x7FFFFFFF  }
tec
execute0_lowered:
.L_overlay_start_1:
0x0: {  	(tag) =	ssettag $0x1  }
0x1: {  	s1 =	rddreg [dreg:$0x0]  }
0x2: {  	s0 =	rddreg [dreg:$0x1]  }
0x3: {  	s3 =	rddreg [dreg:$0x2]  }
0x4: {  	s4 =	simm.s32 $0x0;
	s10 =	stileid.u32;
	s6 =	srdreg.scid  }
0x5: {  	s29 =	simm.s32 $0x5;
	s30 =	simm.s32 $0x80;
	s31 =	simm.s32 $0x8200  }
0x6: {  	[smem:$0x7FF] =	sst s4;
	s2 =	smul.u32 $0x1400, s10;
	s5 =	sadd.s32 $0x19A00, s0  }
0x7: {  	s6 =	sand.u32 $0x1, s6;
	s9 =	smul.u32 $0x50000, s10;
	s8 =	sadd.s32 $0x41A00, s0  }
0x8: {  	s24 =	smul.u32 $0x280, s10;
	_ =	strace $0x8000004A;
	s7 =	ssub.s32 $0x2, s6  }
0x9: {  	[dreg:$0x4] =	wrdreg s8;
	s2 =	sadd.s32 s2, s0;
	s0 =	sadd.s32 $0x69A00, s0  }
0xa: {  	p0 =	seq.s32 s6, $0x0;
	s12 =	sadd.s32 $0x240, s24;
	[dreg:$0x5] =	wrdreg s0  }
0xb: {  	s22 =	sshrl.u32 s7, $0x1;
	s13 =	sadd.s32 $0x200, s24;
	[dreg:$0xb] =	wrdreg s12  }
0xc: {  	s0 =	ssub.s32 s7, s22;
	s7 =	sadd.s32 $0x5A20, s2;
	[dreg:$0xc] =	wrdreg s13  }
0xd: {  	s23 =	sshrl.u32 s9, $0x2;
	s11 =	sadd.s32 $0x5A40, s2;
	[dreg:$0x9] =	wrdreg s7  }
0xe: {  	s8 =	sadd.s32 $0x5A00, s2;
	s2 =	sadd.s32 $0x6DE0, s2;
	[dreg:$0xa] =	wrdreg s11  }
0xf: {  	s9 =	sadd.s32 s23, s3;
	s0 =	smax.u32 s0, $0x1;
	[dreg:$0xe] =	wrdreg s2  }
0x10: {  	s14 =	sadd.s32 $0x180, s24;
	s25 =	sadd.s32 $0x2000, s9;
	[dreg:$0x6] =	wrdreg s0  }
0x11: {  	s15 =	sadd.s32 $0x140, s24;
	s26 =	sadd.s32 $0x4000, s9;
	[dreg:$0x7] =	wrdreg s25  }
0x12: {  	s16 =	sadd.s32 $0x100, s24;
	s19 =	sadd.s32 $0x6000, s9;
	[dreg:$0x8] =	wrdreg s26  }
0x13: {  	s17 =	sadd.s32 $0xC0, s24;
	s20 =	sadd.s32 $0x8000, s9;
	[dreg:$0xf] =	wrdreg s19  }
0x14: {  	s18 =	sadd.s32 $0x80, s24;
	s21 =	sadd.s32 $0xA000, s9;
	[dreg:$0x10] =	wrdreg s20  }
0x15: {  	s6 =	sor.u32 $0x40, s24;
	s23 =	sadd.s32 $0xC000, s9;
	[dreg:$0x11] =	wrdreg s21  }
0x16: {  	s11 =	sadd.s32 $0x1C0, s24;
	s24 =	sadd.s32 $0xE000, s9;
	[dreg:$0x12] =	wrdreg s23  }
0x17: {  	s28 =	smul.u32 $0x2800, s10;
	s22 =	smov.u32 s5;
	[dreg:$0x13] =	wrdreg s24  }
0x18: {  	s22 =	smov.u32 @p0 s1;
	s25 =	sadd.s32 $0x10000, s9;
	[dreg:$0xd] =	wrdreg s11  }
0x19: {  	s2 =	simm.s32 $0x3;
	s26 =	sadd.s32 $0x12000, s9;
	[dreg:$0x14] =	wrdreg s25  }
0x1a: {  	s7 =	simm.s32 $0x0;
	s0 =	sshll.u32 s12, $0x4;
	[dreg:$0x15] =	wrdreg s26  }
0x1b: {  	s12 =	sshll.u32 s13, $0x4;
	s13 =	sshll.u32 s11, $0x4;
	[dreg:$0x16] =	wrdreg s0  }
0x1c: {  	s19 =	sshll.u32 s14, $0x4;
	s24 =	smov.u32 s15;
	[dreg:$0x17] =	wrdreg s12  }
0x1d: {  	s20 =	sshll.u32 s15, $0x4;
	s23 =	smov.u32 s16;
	[dreg:$0x18] =	wrdreg s13  }
0x1e: {  	s21 =	sshll.u32 s16, $0x4;
	s15 =	simm.s32 $0x200;
	[dreg:$0x19] =	wrdreg s19  }
0x1f: {  	s16 =	simm.s32 $0x100;
	s13 =	smov.u32 s14;
	[dreg:$0x1a] =	wrdreg s20  }
.Ltmp0:
0x20: {  	[dreg:$0x1b] =	wrdreg s21;
	s14 =	smov.u32 s17;
	(pc) =	sbr.rel .LBB2_1-.Ltmp0, $4  }
0x21: {  	s25 =	sshll.u32 s17, $0x4;
	s12 =	smov.u32 s18;
	s26 =	sshll.u32 s18, $0x4  }
0x22: {  	s0 =	simm.s32 $0x4200;
	s17 =	simm.s32 $0x1;
	[dreg:$0x1c] =	wrdreg s25  }
0x23: {  	s18 =	simm.s32 $0x2;
	s19 =	simm.s32 $0x4;
	[dreg:$0x1d] =	wrdreg s26  }
0x24: {  	v0 =	vimm.f32 $0.0e+00;
	s25 =	smov.u32 s6;
	s26 =	sshll.u32 s6, $0x4;
	s6 =	simm.s32 $0x180  }
.LBB2_6:
0x25: {  	[spmem:s3] =	stream.indirect.scatter.add.f32 [tilespmem:s0], [sflag:$0x4], $0x80, s6, s30, $0xb8;
	[tilespmem:$0x1E200] =	vst v63  }
0x26: {  	_ =	swait.ge [sflag:s19], $0x4000  }
0x27: {  	[sflag:s19] =	ssyncset.done $0x0  }
0x28: {  	s10 =	rddreg [dreg:$0xe];
	[sflag:s19] =	ssyncadd.s32 $0xFFFFC000  }
0x29: {  	[tilespmem:s16], [sflag:$0x5] =	stream.linear.gather [hbm4b:s10+s4], $0x100, $0x38;
	[tilespmem:$0x1E200] =	vst v63  }
0x2a: {  	_ =	swait.ge [sflag:s29], $0x100  }
0x2b: {  	[sflag:s29] =	ssyncset.done $0x0  }
0x2c: {  	[sflag:s29] =	ssyncadd.s32 $0xFFFFFF00  }
0x2d: {  	[tilespmem:s0], [sflag:$0x2] =	stream.indirect.gather [hbm4b:s5+s30], $0x80, s16, s30, $0xb8;
	[tilespmem:$0x1E200] =	vst v63  }
0x2e: {  	_ =	swait.ge [sflag:s17], $0x4000  }
0x2f: {  	[sflag:s17] =	ssyncset.done $0x0  }
0x30: {  	[sflag:s17] =	ssyncadd.s32 $0xFFFFC000  }
0x31: {  	[spmem:s3] =	stream.indirect.scatter.add.f32 [tilespmem:s15], [sflag:$0x3], $0x80, s30, s30, $0xb8;
	[tilespmem:$0x1E200] =	vst v63  }
0x32: {  	_ =	swait.ge [sflag:s2], $0x4000  }
0x33: {  	[sflag:s2] =	ssyncset.done $0x0  }
0x34: {  	[sflag:s2] =	ssyncadd.s32 $0xFFFFC000  }
0x35: {  	_ =	swait.ge [sflag:s18], $0x4000  }
0x36: {  	[sflag:s18] =	ssyncset.done $0x0  }
0x37: {  	s20 =	rddreg [dreg:$0x5];
	[sflag:s18] =	ssyncadd.s32 $0xFFFFC000  }
0x38: {  	[spmem:s3] =	stream.indirect.scatter.add.f32 [tilespmem:s0], [sflag:$0x4], $0x80, s6, s30, $0xb8;
	[tilespmem:$0x1E200] =	vst v63  }
.LBB2_10:
0x39: {  	_ =	swait.ge [sflag:s19], $0x4000  }
0x3a: {  	[sflag:s19] =	ssyncset.done $0x0  }
0x3b: {  	[sflag:s19] =	ssyncadd.s32 $0xFFFFC000  }
0x3c: {  	[bflag:$0x0] =	sbarrier.arrive $0xFFFF  }
0x3d: {  	[tilespmem:s31], [sflag:$0x5] =	stream.linear.gather [spmem:s9], $0x2000, $0x38;
	[tilespmem:$0x1E200] =	vst v63  }
0x3e: {  	_ =	swait.ge [sflag:s29], $0x2000  }
0x3f: {  	[sflag:s29] =	ssyncset.done $0x0  }
0x40: {  	s10 =	sadd.s32 s20, s28;
	[sflag:s29] =	ssyncadd.s32 $0xFFFFE000  }
0x41: {  	[hbm4b:s10+s4] =	stream.linear.scatter [tilespmem:s31], [sflag:$0x5], $0x2000, $0x38;
	[tilespmem:$0x1E200] =	vst v63  }
0x42: {  	_ =	swait.ge [sflag:s29], $0x2000  }
0x43: {  	s21 =	sshll.u32 s25, $0x7;
	[sflag:s29] =	ssyncset.done $0x0  }
0x44: {  	s10 =	sadd.s32 s21, s3;
	[sflag:s29] =	ssyncadd.s32 $0xFFFFE000  }
0x45: {  	[tilespmem:s31], [sflag:$0x5] =	stream.linear.gather [spmem:s10], $0x2000, $0x38;
	[tilespmem:$0x1E200] =	vst v63  }
0x46: {  	_ =	swait.ge [sflag:s29], $0x2000  }
0x47: {  	[sflag:s29] =	ssyncset.done $0x0  }
0x48: {  	s11 =	sadd.s32 s20, s26;
	[sflag:s29] =	ssyncadd.s32 $0xFFFFE000  }
0x49: {  	[hbm4b:s11+s4] =	stream.linear.scatter [tilespmem:s31], [sflag:$0x5], $0x2000, $0x38;
	[tilespmem:$0x1E200] =	vst v63  }
0x4a: {  	_ =	swait.ge [sflag:s29], $0x2000  }
0x4b: {  	s21 =	sshll.u32 s12, $0x7;
	[sflag:s29] =	ssyncset.done $0x0  }
0x4c: {  	s10 =	sadd.s32 s21, s3;
	[sflag:s29] =	ssyncadd.s32 $0xFFFFE000  }
0x4d: {  	[tilespmem:s31], [sflag:$0x5] =	stream.linear.gather [spmem:s10], $0x2000, $0x38;
	[tilespmem:$0x1E200] =	vst v63  }
0x4e: {  	_ =	swait.ge [sflag:s29], $0x2000  }
0x4f: {  	[sflag:s29] =	ssyncset.done $0x0;
	s11 =	rddreg [dreg:$0x1d]  }
0x50: {  	s10 =	sadd.s32 s20, s11;
	[sflag:s29] =	ssyncadd.s32 $0xFFFFE000  }
0x51: {  	[hbm4b:s10+s4] =	stream.linear.scatter [tilespmem:s31], [sflag:$0x5], $0x2000, $0x38;
	[tilespmem:$0x1E200] =	vst v63  }
0x52: {  	_ =	swait.ge [sflag:s29], $0x2000  }
0x53: {  	s21 =	sshll.u32 s14, $0x7;
	[sflag:s29] =	ssyncset.done $0x0  }
0x54: {  	s10 =	sadd.s32 s21, s3;
	[sflag:s29] =	ssyncadd.s32 $0xFFFFE000  }
0x55: {  	[tilespmem:s31], [sflag:$0x5] =	stream.linear.gather [spmem:s10], $0x2000, $0x38;
	[tilespmem:$0x1E200] =	vst v63  }
0x56: {  	_ =	swait.ge [sflag:s29], $0x2000  }
0x57: {  	[sflag:s29] =	ssyncset.done $0x0;
	s11 =	rddreg [dreg:$0x1c]  }
0x58: {  	s10 =	sadd.s32 s20, s11;
	[sflag:s29] =	ssyncadd.s32 $0xFFFFE000  }
0x59: {  	[hbm4b:s10+s4] =	stream.linear.scatter [tilespmem:s31], [sflag:$0x5], $0x2000, $0x38;
	[tilespmem:$0x1E200] =	vst v63  }
0x5a: {  	_ =	swait.ge [sflag:s29], $0x2000  }
0x5b: {  	s21 =	sshll.u32 s23, $0x7;
	[sflag:s29] =	ssyncset.done $0x0  }
0x5c: {  	s10 =	sadd.s32 s21, s3;
	[sflag:s29] =	ssyncadd.s32 $0xFFFFE000  }
0x5d: {  	[tilespmem:s31], [sflag:$0x5] =	stream.linear.gather [spmem:s10], $0x2000, $0x38;
	[tilespmem:$0x1E200] =	vst v63  }
0x5e: {  	_ =	swait.ge [sflag:s29], $0x2000  }
0x5f: {  	[sflag:s29] =	ssyncset.done $0x0;
	s11 =	rddreg [dreg:$0x1b]  }
0x60: {  	s10 =	sadd.s32 s20, s11;
	[sflag:s29] =	ssyncadd.s32 $0xFFFFE000  }
0x61: {  	[hbm4b:s10+s4] =	stream.linear.scatter [tilespmem:s31], [sflag:$0x5], $0x2000, $0x38;
	[tilespmem:$0x1E200] =	vst v63  }
0x62: {  	_ =	swait.ge [sflag:s29], $0x2000  }
0x63: {  	s21 =	sshll.u32 s24, $0x7;
	[sflag:s29] =	ssyncset.done $0x0  }
0x64: {  	s10 =	sadd.s32 s21, s3;
	[sflag:s29] =	ssyncadd.s32 $0xFFFFE000  }
0x65: {  	[tilespmem:s31], [sflag:$0x5] =	stream.linear.gather [spmem:s10], $0x2000, $0x38;
	[tilespmem:$0x1E200] =	vst v63  }
0x66: {  	_ =	swait.ge [sflag:s29], $0x2000  }
0x67: {  	[sflag:s29] =	ssyncset.done $0x0;
	s11 =	rddreg [dreg:$0x1a]  }
0x68: {  	s10 =	sadd.s32 s20, s11;
	[sflag:s29] =	ssyncadd.s32 $0xFFFFE000  }
0x69: {  	[hbm4b:s10+s4] =	stream.linear.scatter [tilespmem:s31], [sflag:$0x5], $0x2000, $0x38;
	[tilespmem:$0x1E200] =	vst v63  }
0x6a: {  	_ =	swait.ge [sflag:s29], $0x2000  }
0x6b: {  	s21 =	sshll.u32 s13, $0x7;
	[sflag:s29] =	ssyncset.done $0x0  }
0x6c: {  	s10 =	sadd.s32 s21, s3;
	[sflag:s29] =	ssyncadd.s32 $0xFFFFE000  }
0x6d: {  	[tilespmem:s31], [sflag:$0x5] =	stream.linear.gather [spmem:s10], $0x2000, $0x38;
	[tilespmem:$0x1E200] =	vst v63  }
0x6e: {  	_ =	swait.ge [sflag:s29], $0x2000  }
0x6f: {  	[sflag:s29] =	ssyncset.done $0x0;
	s11 =	rddreg [dreg:$0x19]  }
0x70: {  	s10 =	sadd.s32 s20, s11;
	[sflag:s29] =	ssyncadd.s32 $0xFFFFE000  }
0x71: {  	[hbm4b:s10+s4] =	stream.linear.scatter [tilespmem:s31], [sflag:$0x5], $0x2000, $0x38;
	[tilespmem:$0x1E200] =	vst v63  }
0x72: {  	_ =	swait.ge [sflag:s29], $0x2000  }
0x73: {  	s21 =	rddreg [dreg:$0xd]  }
0x74: {  	[sflag:s29] =	ssyncset.done $0x0;
	s10 =	sshll.u32 s21, $0x7  }
0x75: {  	[sflag:s29] =	ssyncadd.s32 $0xFFFFE000;
	s10 =	sadd.s32 s10, s3  }
0x76: {  	[tilespmem:s31], [sflag:$0x5] =	stream.linear.gather [spmem:s10], $0x2000, $0x38;
	[tilespmem:$0x1E200] =	vst v63  }
0x77: {  	_ =	swait.ge [sflag:s29], $0x2000  }
0x78: {  	[sflag:s29] =	ssyncset.done $0x0;
	s11 =	rddreg [dreg:$0x18]  }
0x79: {  	s10 =	sadd.s32 s20, s11;
	[sflag:s29] =	ssyncadd.s32 $0xFFFFE000  }
0x7a: {  	[hbm4b:s10+s4] =	stream.linear.scatter [tilespmem:s31], [sflag:$0x5], $0x2000, $0x38;
	[tilespmem:$0x1E200] =	vst v63  }
0x7b: {  	_ =	swait.ge [sflag:s29], $0x2000  }
0x7c: {  	s21 =	rddreg [dreg:$0xc]  }
0x7d: {  	[sflag:s29] =	ssyncset.done $0x0;
	s10 =	sshll.u32 s21, $0x7  }
0x7e: {  	[sflag:s29] =	ssyncadd.s32 $0xFFFFE000;
	s10 =	sadd.s32 s10, s3  }
0x7f: {  	[tilespmem:s31], [sflag:$0x5] =	stream.linear.gather [spmem:s10], $0x2000, $0x38;
	[tilespmem:$0x1E200] =	vst v63  }
0x80: {  	_ =	swait.ge [sflag:s29], $0x2000  }
0x81: {  	[sflag:s29] =	ssyncset.done $0x0;
	s11 =	rddreg [dreg:$0x17]  }
0x82: {  	s10 =	sadd.s32 s20, s11;
	[sflag:s29] =	ssyncadd.s32 $0xFFFFE000  }
0x83: {  	[hbm4b:s10+s4] =	stream.linear.scatter [tilespmem:s31], [sflag:$0x5], $0x2000, $0x38;
	[tilespmem:$0x1E200] =	vst v63  }
0x84: {  	_ =	swait.ge [sflag:s29], $0x2000  }
0x85: {  	s21 =	rddreg [dreg:$0xb]  }
0x86: {  	[sflag:s29] =	ssyncset.done $0x0;
	s10 =	sshll.u32 s21, $0x7  }
0x87: {  	[sflag:s29] =	ssyncadd.s32 $0xFFFFE000;
	s10 =	sadd.s32 s10, s3  }
0x88: {  	[tilespmem:s31], [sflag:$0x5] =	stream.linear.gather [spmem:s10], $0x2000, $0x38;
	[tilespmem:$0x1E200] =	vst v63  }
0x89: {  	_ =	swait.ge [sflag:s29], $0x2000  }
0x8a: {  	[sflag:s29] =	ssyncset.done $0x0;
	s11 =	rddreg [dreg:$0x16]  }
0x8b: {  	s10 =	sadd.s32 s20, s11;
	[sflag:s29] =	ssyncadd.s32 $0xFFFFE000  }
0x8c: {  	[hbm4b:s10+s4] =	stream.linear.scatter [tilespmem:s31], [sflag:$0x5], $0x2000, $0x38;
	[tilespmem:$0x1E200] =	vst v63  }
0x8d: {  	_ =	swait.ge [sflag:s29], $0x2000  }
0x8e: {  	s7 =	sadd.s32 $0x1, s7;
	s21 =	rddreg [dreg:$0x6]  }
0x8f: {  	p1 =	sne.s32 s7, s21  }
.Ltmp1:
0x90: {  	_ = 	snop;
	(pc) =	sbr.rel @!p1 .LBB2_11-.Ltmp1, $3  }
0x91: {  	_ =	sdelay $0x1  }
0x92: {  	[sflag:s29] =	ssyncset.done $0x0  }
0x93: {  	[sflag:s29] =	ssyncadd.s32 $0xFFFFE000  }
.LBB2_1:
0x94: {  	s10 =	sand.u32 $0x7E00, s4  }
0x95: {  	s21 =	sand.u32 $0x70, s4;
	s10 =	sshrl.u32 s10, $0x2  }
0x96: {  	s20 =	simm.s32 $0x40;
	s21 =	sor.u32 s21, s10;
	s10 =	simm.s32 $0x0  }
.LBB2_2:
0x97: {  	p1 =	sne.s32 s20, $0x7FC0  }
0x98: {  	[tilespmem:s21+$0x8200] =	vst v0;
	s10 =	sadd.s32 $0x10, s10;
	s21 =	smov.u32 s20;
	s20 =	sadd.s32 $0x40, s20  }
.Ltmp2:
0x99: {  	(pc) =	sbr.rel @p1 .LBB2_2-.Ltmp2, $4  }
0x9a: {  	_ = 	snop  }
0x9b: {  	s21 =	sand.u32 $0x7E00, s21  }
0x9c: {  	s11 =	sand.u32 $0x70, s10;
	s21 =	sshrl.u32 s21, $0x2  }
0x9d: {  	s21 =	sor.u32 s11, s21  }
0x9e: {  	[tilespmem:s21+$0x8200] =	vst v0  }
0x9f: {  	[tilespmem:s4], [sflag:$0x5] =	stream.linear.gather [hbm4b:s8+s4], $0x100, $0x38;
	[tilespmem:$0x1E200] =	vst v63  }
0xa0: {  	_ =	swait.ge [sflag:s29], $0x100  }
0xa1: {  	[sflag:s29] =	ssyncset.done $0x0  }
0xa2: {  	[sflag:s29] =	ssyncadd.s32 $0xFFFFFF00  }
0xa3: {  	[tilespmem:s15], [sflag:$0x1] =	stream.indirect.gather [hbm4b:s22+s30], $0x80, s4, s30, $0xb8;
	[tilespmem:$0x1E200] =	vst v63  }
0xa4: {  	_ = 	snop  }
0xa5: {  	[spmem:s9] =	stream.linear.scatter [tilespmem:s31], [sflag:$0x5], $0x2000, $0x38;
	[tilespmem:$0x1E200] =	vst v63  }
0xa6: {  	_ =	swait.ge [sflag:s29], $0x2000  }
0xa7: {  	[sflag:s29] =	ssyncset.done $0x0  }
0xa8: {  	s10 =	rddreg [dreg:$0x7];
	[sflag:s29] =	ssyncadd.s32 $0xFFFFE000  }
0xa9: {  	[spmem:s10] =	stream.linear.scatter [tilespmem:s31], [sflag:$0x5], $0x2000, $0x38;
	[tilespmem:$0x1E200] =	vst v63  }
0xaa: {  	_ =	swait.ge [sflag:s29], $0x2000  }
0xab: {  	[sflag:s29] =	ssyncset.done $0x0  }
0xac: {  	s20 =	rddreg [dreg:$0x8];
	[sflag:s29] =	ssyncadd.s32 $0xFFFFE000  }
0xad: {  	[spmem:s20] =	stream.linear.scatter [tilespmem:s31], [sflag:$0x5], $0x2000, $0x38;
	[tilespmem:$0x1E200] =	vst v63  }
0xae: {  	_ =	swait.ge [sflag:s29], $0x2000  }
0xaf: {  	[sflag:s29] =	ssyncset.done $0x0  }
0xb0: {  	s21 =	rddreg [dreg:$0xf];
	[sflag:s29] =	ssyncadd.s32 $0xFFFFE000  }
0xb1: {  	[spmem:s21] =	stream.linear.scatter [tilespmem:s31], [sflag:$0x5], $0x2000, $0x38;
	[tilespmem:$0x1E200] =	vst v63  }
0xb2: {  	_ =	swait.ge [sflag:s29], $0x2000  }
0xb3: {  	[sflag:s29] =	ssyncset.done $0x0  }
0xb4: {  	s11 =	rddreg [dreg:$0x10];
	[sflag:s29] =	ssyncadd.s32 $0xFFFFE000  }
0xb5: {  	[spmem:s11] =	stream.linear.scatter [tilespmem:s31], [sflag:$0x5], $0x2000, $0x38;
	[tilespmem:$0x1E200] =	vst v63  }
0xb6: {  	_ =	swait.ge [sflag:s29], $0x2000  }
0xb7: {  	[sflag:s29] =	ssyncset.done $0x0  }
0xb8: {  	s20 =	rddreg [dreg:$0x11];
	[sflag:s29] =	ssyncadd.s32 $0xFFFFE000  }
0xb9: {  	[spmem:s20] =	stream.linear.scatter [tilespmem:s31], [sflag:$0x5], $0x2000, $0x38;
	[tilespmem:$0x1E200] =	vst v63  }
0xba: {  	_ =	swait.ge [sflag:s29], $0x2000  }
0xbb: {  	[sflag:s29] =	ssyncset.done $0x0  }
0xbc: {  	s21 =	rddreg [dreg:$0x12];
	[sflag:s29] =	ssyncadd.s32 $0xFFFFE000  }
0xbd: {  	[spmem:s21] =	stream.linear.scatter [tilespmem:s31], [sflag:$0x5], $0x2000, $0x38;
	[tilespmem:$0x1E200] =	vst v63  }
0xbe: {  	_ =	swait.ge [sflag:s29], $0x2000  }
0xbf: {  	[sflag:s29] =	ssyncset.done $0x0  }
0xc0: {  	s11 =	rddreg [dreg:$0x13];
	[sflag:s29] =	ssyncadd.s32 $0xFFFFE000  }
0xc1: {  	[spmem:s11] =	stream.linear.scatter [tilespmem:s31], [sflag:$0x5], $0x2000, $0x38;
	[tilespmem:$0x1E200] =	vst v63  }
0xc2: {  	_ =	swait.ge [sflag:s29], $0x2000  }
0xc3: {  	[sflag:s29] =	ssyncset.done $0x0  }
0xc4: {  	s20 =	rddreg [dreg:$0x14];
	[sflag:s29] =	ssyncadd.s32 $0xFFFFE000  }
0xc5: {  	[spmem:s20] =	stream.linear.scatter [tilespmem:s31], [sflag:$0x5], $0x2000, $0x38;
	[tilespmem:$0x1E200] =	vst v63  }
0xc6: {  	_ =	swait.ge [sflag:s29], $0x2000  }
0xc7: {  	[sflag:s29] =	ssyncset.done $0x0  }
0xc8: {  	s21 =	rddreg [dreg:$0x15];
	[sflag:s29] =	ssyncadd.s32 $0xFFFFE000  }
0xc9: {  	[spmem:s21] =	stream.linear.scatter [tilespmem:s31], [sflag:$0x5], $0x2000, $0x38;
	[tilespmem:$0x1E200] =	vst v63  }
.Ltmp3:
0xca: {  	_ =	swait.ge [sflag:s29], $0x2000;
	(pc) =	sbr.rel @!p0 .LBB2_4-.Ltmp3, $3  }
0xcb: {  	[sflag:s29] =	ssyncset.done $0x0  }
0xcc: {  	[sflag:s29] =	ssyncadd.s32 $0xFFFFE000  }
0xcd: {  	[bflag:$0x0] =	sbarrier.arrive $0xFFFF;
	_ =	sdelay $0x1  }
0xce: {  	s10 =	rddreg [dreg:$0x9]  }
0xcf: {  	[tilespmem:s16], [sflag:$0x5] =	stream.linear.gather [hbm4b:s10+s4], $0x100, $0x38;
	[tilespmem:$0x1E200] =	vst v63  }
0xd0: {  	_ =	swait.ge [sflag:s29], $0x100  }
0xd1: {  	[sflag:s29] =	ssyncset.done $0x0  }
0xd2: {  	[sflag:s29] =	ssyncadd.s32 $0xFFFFFF00  }
0xd3: {  	[tilespmem:s0], [sflag:$0x2] =	stream.indirect.gather [hbm4b:s1+s30], $0x80, s16, s30, $0xb8;
	[tilespmem:$0x1E200] =	vst v63  }
0xd4: {  	_ =	swait.ge [sflag:s17], $0x4000  }
0xd5: {  	[sflag:s17] =	ssyncset.done $0x0  }
0xd6: {  	[sflag:s17] =	ssyncadd.s32 $0xFFFFC000  }
0xd7: {  	[spmem:s3] =	stream.indirect.scatter.add.f32 [tilespmem:s15], [sflag:$0x3], $0x80, s30, s30, $0xb8;
	[tilespmem:$0x1E200] =	vst v63  }
0xd8: {  	_ =	swait.ge [sflag:s2], $0x4000  }
0xd9: {  	[sflag:s2] =	ssyncset.done $0x0  }
0xda: {  	s20 =	rddreg [dreg:$0xa];
	[sflag:s2] =	ssyncadd.s32 $0xFFFFC000  }
0xdb: {  	[tilespmem:s4], [sflag:$0x5] =	stream.linear.gather [hbm4b:s20+s4], $0x100, $0x38;
	[tilespmem:$0x1E200] =	vst v63  }
0xdc: {  	_ =	swait.ge [sflag:s29], $0x100  }
0xdd: {  	[sflag:s29] =	ssyncset.done $0x0  }
0xde: {  	[sflag:s29] =	ssyncadd.s32 $0xFFFFFF00  }
0xdf: {  	[tilespmem:s15], [sflag:$0x1] =	stream.indirect.gather [hbm4b:s1+s30], $0x80, s4, s30, $0xb8;
	[tilespmem:$0x1E200] =	vst v63  }
0xe0: {  	_ =	swait.ge [sflag:s18], $0x4000  }
0xe1: {  	[sflag:s18] =	ssyncset.done $0x0  }
0xe2: {  	[sflag:s18] =	ssyncadd.s32 $0xFFFFC000  }
0xe3: {  	[spmem:s3] =	stream.indirect.scatter.add.f32 [tilespmem:s0], [sflag:$0x4], $0x80, s6, s30, $0xb8;
	[tilespmem:$0x1E200] =	vst v63  }
0xe4: {  	_ =	swait.ge [sflag:s19], $0x4000  }
0xe5: {  	s21 =	sadd.s32 $0xFFFFEC80, s8;
	[sflag:s19] =	ssyncset.done $0x0  }
0xe6: {  	s11 =	sadd.s32 $0x13E0, s21;
	[sflag:s19] =	ssyncadd.s32 $0xFFFFC000  }
0xe7: {  	[tilespmem:s16], [sflag:$0x5] =	stream.linear.gather [hbm4b:s11+s4], $0x100, $0x38;
	[tilespmem:$0x1E200] =	vst v63  }
0xe8: {  	_ =	swait.ge [sflag:s29], $0x100  }
0xe9: {  	[sflag:s29] =	ssyncset.done $0x0  }
0xea: {  	[sflag:s29] =	ssyncadd.s32 $0xFFFFFF00  }
0xeb: {  	[tilespmem:s0], [sflag:$0x2] =	stream.indirect.gather [hbm4b:s1+s30], $0x80, s16, s30, $0xb8;
	[tilespmem:$0x1E200] =	vst v63  }
0xec: {  	_ =	swait.ge [sflag:s17], $0x4000  }
0xed: {  	[sflag:s17] =	ssyncset.done $0x0  }
0xee: {  	[sflag:s17] =	ssyncadd.s32 $0xFFFFC000  }
0xef: {  	[spmem:s3] =	stream.indirect.scatter.add.f32 [tilespmem:s15], [sflag:$0x3], $0x80, s30, s30, $0xb8;
	[tilespmem:$0x1E200] =	vst v63  }
0xf0: {  	_ =	swait.ge [sflag:s2], $0x4000  }
0xf1: {  	[sflag:s2] =	ssyncset.done $0x0  }
0xf2: {  	s10 =	sadd.s32 $0x1400, s21;
	[sflag:s2] =	ssyncadd.s32 $0xFFFFC000  }
0xf3: {  	[tilespmem:s4], [sflag:$0x5] =	stream.linear.gather [hbm4b:s10+s4], $0x100, $0x38;
	[tilespmem:$0x1E200] =	vst v63  }
0xf4: {  	_ =	swait.ge [sflag:s29], $0x100  }
0xf5: {  	[sflag:s29] =	ssyncset.done $0x0  }
0xf6: {  	[sflag:s29] =	ssyncadd.s32 $0xFFFFFF00  }
0xf7: {  	[tilespmem:s15], [sflag:$0x1] =	stream.indirect.gather [hbm4b:s1+s30], $0x80, s4, s30, $0xb8;
	[tilespmem:$0x1E200] =	vst v63  }
0xf8: {  	_ =	swait.ge [sflag:s18], $0x4000  }
0xf9: {  	[sflag:s18] =	ssyncset.done $0x0  }
0xfa: {  	s20 =	simm.s32 $0xFFFFECC0;
	[sflag:s18] =	ssyncadd.s32 $0xFFFFC000  }
.LBB2_8:
0xfb: {  	[spmem:s3] =	stream.indirect.scatter.add.f32 [tilespmem:s0], [sflag:$0x4], $0x80, s6, s30, $0xb8;
	[tilespmem:$0x1E200] =	vst v63  }
0xfc: {  	s10 =	smov.u32 s20  }
0xfd: {  	p1 =	seq.s32 s20, $0xFFFFFFC0;
	s20 =	sadd.s32 $0x40, s20;
	_ =	swait.ge [sflag:s19], $0x4000  }
0xfe: {  	s10 =	sadd.s32 s10, s8;
	[sflag:s19] =	ssyncset.done $0x0  }
0xff: {  	s11 =	sadd.s32 $0x13E0, s10;
	[sflag:s19] =	ssyncadd.s32 $0xFFFFC000  }
0x100: {  	[tilespmem:s16], [sflag:$0x5] =	stream.linear.gather [hbm4b:s11+s4], $0x100, $0x38;
	[tilespmem:$0x1E200] =	vst v63  }
0x101: {  	_ =	swait.ge [sflag:s29], $0x100  }
0x102: {  	[sflag:s29] =	ssyncset.done $0x0  }
0x103: {  	[sflag:s29] =	ssyncadd.s32 $0xFFFFFF00  }
0x104: {  	[tilespmem:s0], [sflag:$0x2] =	stream.indirect.gather [hbm4b:s1+s30], $0x80, s16, s30, $0xb8;
	[tilespmem:$0x1E200] =	vst v63  }
0x105: {  	_ =	swait.ge [sflag:s17], $0x4000  }
0x106: {  	[sflag:s17] =	ssyncset.done $0x0  }
0x107: {  	[sflag:s17] =	ssyncadd.s32 $0xFFFFC000  }
0x108: {  	[spmem:s3] =	stream.indirect.scatter.add.f32 [tilespmem:s15], [sflag:$0x3], $0x80, s30, s30, $0xb8;
	[tilespmem:$0x1E200] =	vst v63  }
0x109: {  	_ =	swait.ge [sflag:s2], $0x4000  }
0x10a: {  	[sflag:s2] =	ssyncset.done $0x0  }
0x10b: {  	s10 =	sadd.s32 $0x1400, s10;
	[sflag:s2] =	ssyncadd.s32 $0xFFFFC000  }
0x10c: {  	[tilespmem:s4], [sflag:$0x5] =	stream.linear.gather [hbm4b:s10+s4], $0x100, $0x38;
	[tilespmem:$0x1E200] =	vst v63  }
0x10d: {  	_ =	swait.ge [sflag:s29], $0x100  }
0x10e: {  	[sflag:s29] =	ssyncset.done $0x0  }
.Ltmp4:
0x10f: {  	[sflag:s29] =	ssyncadd.s32 $0xFFFFFF00;
	(pc) =	sbr.rel @!p1 .LBB2_8-.Ltmp4, $4  }
0x110: {  	[tilespmem:s15], [sflag:$0x1] =	stream.indirect.gather [hbm4b:s1+s30], $0x80, s4, s30, $0xb8;
	[tilespmem:$0x1E200] =	vst v63  }
0x111: {  	_ =	swait.ge [sflag:s18], $0x4000  }
0x112: {  	[sflag:s18] =	ssyncset.done $0x0  }
0x113: {  	[sflag:s18] =	ssyncadd.s32 $0xFFFFC000  }
0x114: {  	[spmem:s3] =	stream.indirect.scatter.add.f32 [tilespmem:s0], [sflag:$0x4], $0x80, s6, s30, $0xb8;
	[tilespmem:$0x1E200] =	vst v63  }
0x115: {  	_ =	swait.ge [sflag:s19], $0x4000  }
0x116: {  	[sflag:s19] =	ssyncset.done $0x0  }
0x117: {  	s10 =	rddreg [dreg:$0xe];
	[sflag:s19] =	ssyncadd.s32 $0xFFFFC000  }
0x118: {  	[tilespmem:s16], [sflag:$0x5] =	stream.linear.gather [hbm4b:s10+s4], $0x100, $0x38;
	[tilespmem:$0x1E200] =	vst v63  }
0x119: {  	_ =	swait.ge [sflag:s29], $0x100  }
0x11a: {  	[sflag:s29] =	ssyncset.done $0x0  }
0x11b: {  	[sflag:s29] =	ssyncadd.s32 $0xFFFFFF00  }
0x11c: {  	[tilespmem:s0], [sflag:$0x2] =	stream.indirect.gather [hbm4b:s1+s30], $0x80, s16, s30, $0xb8;
	[tilespmem:$0x1E200] =	vst v63  }
0x11d: {  	_ =	swait.ge [sflag:s17], $0x4000  }
0x11e: {  	[sflag:s17] =	ssyncset.done $0x0  }
0x11f: {  	[sflag:s17] =	ssyncadd.s32 $0xFFFFC000  }
0x120: {  	[spmem:s3] =	stream.indirect.scatter.add.f32 [tilespmem:s15], [sflag:$0x3], $0x80, s30, s30, $0xb8;
	[tilespmem:$0x1E200] =	vst v63  }
0x121: {  	_ =	swait.ge [sflag:s2], $0x4000  }
0x122: {  	[sflag:s2] =	ssyncset.done $0x0  }
.Ltmp5:
0x123: {  	[sflag:s2] =	ssyncadd.s32 $0xFFFFC000;
	(pc) =	sbr.rel .LBB2_10-.Ltmp5, $4  }
0x124: {  	_ =	swait.ge [sflag:s18], $0x4000  }
0x125: {  	[sflag:s18] =	ssyncset.done $0x0  }
0x126: {  	s20 =	rddreg [dreg:$0x4];
	[sflag:s18] =	ssyncadd.s32 $0xFFFFC000  }
0x127: {  	[spmem:s3] =	stream.indirect.scatter.add.f32 [tilespmem:s0], [sflag:$0x4], $0x80, s6, s30, $0xb8;
	[tilespmem:$0x1E200] =	vst v63  }
.LBB2_4:
0x128: {  	s10 =	rddreg [dreg:$0x9]  }
0x129: {  	[tilespmem:s16], [sflag:$0x5] =	stream.linear.gather [hbm4b:s10+s4], $0x100, $0x38;
	[tilespmem:$0x1E200] =	vst v63  }
0x12a: {  	_ =	swait.ge [sflag:s29], $0x100  }
0x12b: {  	[sflag:s29] =	ssyncset.done $0x0  }
0x12c: {  	[sflag:s29] =	ssyncadd.s32 $0xFFFFFF00  }
0x12d: {  	[tilespmem:s0], [sflag:$0x2] =	stream.indirect.gather [hbm4b:s5+s30], $0x80, s16, s30, $0xb8;
	[tilespmem:$0x1E200] =	vst v63  }
0x12e: {  	_ =	swait.ge [sflag:s17], $0x4000  }
0x12f: {  	[sflag:s17] =	ssyncset.done $0x0  }
0x130: {  	[sflag:s17] =	ssyncadd.s32 $0xFFFFC000  }
0x131: {  	[spmem:s3] =	stream.indirect.scatter.add.f32 [tilespmem:s15], [sflag:$0x3], $0x80, s30, s30, $0xb8;
	[tilespmem:$0x1E200] =	vst v63  }
0x132: {  	_ =	swait.ge [sflag:s2], $0x4000  }
0x133: {  	[sflag:s2] =	ssyncset.done $0x0  }
0x134: {  	s20 =	rddreg [dreg:$0xa];
	[sflag:s2] =	ssyncadd.s32 $0xFFFFC000  }
0x135: {  	[tilespmem:s4], [sflag:$0x5] =	stream.linear.gather [hbm4b:s20+s4], $0x100, $0x38;
	[tilespmem:$0x1E200] =	vst v63  }
0x136: {  	_ =	swait.ge [sflag:s29], $0x100  }
0x137: {  	[sflag:s29] =	ssyncset.done $0x0  }
0x138: {  	[sflag:s29] =	ssyncadd.s32 $0xFFFFFF00  }
0x139: {  	[tilespmem:s15], [sflag:$0x1] =	stream.indirect.gather [hbm4b:s5+s30], $0x80, s4, s30, $0xb8;
	[tilespmem:$0x1E200] =	vst v63  }
0x13a: {  	_ =	swait.ge [sflag:s18], $0x4000  }
0x13b: {  	[sflag:s18] =	ssyncset.done $0x0  }
0x13c: {  	[sflag:s18] =	ssyncadd.s32 $0xFFFFC000  }
0x13d: {  	[spmem:s3] =	stream.indirect.scatter.add.f32 [tilespmem:s0], [sflag:$0x4], $0x80, s6, s30, $0xb8;
	[tilespmem:$0x1E200] =	vst v63  }
0x13e: {  	_ =	swait.ge [sflag:s19], $0x4000  }
0x13f: {  	s21 =	sadd.s32 $0xFFFFEC80, s8;
	[sflag:s19] =	ssyncset.done $0x0  }
0x140: {  	s11 =	sadd.s32 $0x13E0, s21;
	[sflag:s19] =	ssyncadd.s32 $0xFFFFC000  }
0x141: {  	[tilespmem:s16], [sflag:$0x5] =	stream.linear.gather [hbm4b:s11+s4], $0x100, $0x38;
	[tilespmem:$0x1E200] =	vst v63  }
0x142: {  	_ =	swait.ge [sflag:s29], $0x100  }
0x143: {  	[sflag:s29] =	ssyncset.done $0x0  }
0x144: {  	[sflag:s29] =	ssyncadd.s32 $0xFFFFFF00  }
0x145: {  	[tilespmem:s0], [sflag:$0x2] =	stream.indirect.gather [hbm4b:s5+s30], $0x80, s16, s30, $0xb8;
	[tilespmem:$0x1E200] =	vst v63  }
0x146: {  	_ =	swait.ge [sflag:s17], $0x4000  }
0x147: {  	[sflag:s17] =	ssyncset.done $0x0  }
0x148: {  	[sflag:s17] =	ssyncadd.s32 $0xFFFFC000  }
0x149: {  	[spmem:s3] =	stream.indirect.scatter.add.f32 [tilespmem:s15], [sflag:$0x3], $0x80, s30, s30, $0xb8;
	[tilespmem:$0x1E200] =	vst v63  }
0x14a: {  	_ =	swait.ge [sflag:s2], $0x4000  }
0x14b: {  	[sflag:s2] =	ssyncset.done $0x0  }
0x14c: {  	s10 =	sadd.s32 $0x1400, s21;
	[sflag:s2] =	ssyncadd.s32 $0xFFFFC000  }
0x14d: {  	[tilespmem:s4], [sflag:$0x5] =	stream.linear.gather [hbm4b:s10+s4], $0x100, $0x38;
	[tilespmem:$0x1E200] =	vst v63  }
0x14e: {  	_ =	swait.ge [sflag:s29], $0x100  }
0x14f: {  	[sflag:s29] =	ssyncset.done $0x0  }
0x150: {  	[sflag:s29] =	ssyncadd.s32 $0xFFFFFF00  }
0x151: {  	[tilespmem:s15], [sflag:$0x1] =	stream.indirect.gather [hbm4b:s5+s30], $0x80, s4, s30, $0xb8;
	[tilespmem:$0x1E200] =	vst v63  }
0x152: {  	_ =	swait.ge [sflag:s18], $0x4000  }
0x153: {  	[sflag:s18] =	ssyncset.done $0x0  }
0x154: {  	s20 =	simm.s32 $0xFFFFECC0;
	[sflag:s18] =	ssyncadd.s32 $0xFFFFC000  }
.LBB2_5:
0x155: {  	[spmem:s3] =	stream.indirect.scatter.add.f32 [tilespmem:s0], [sflag:$0x4], $0x80, s6, s30, $0xb8;
	[tilespmem:$0x1E200] =	vst v63  }
0x156: {  	s10 =	smov.u32 s20  }
0x157: {  	p1 =	seq.s32 s20, $0xFFFFFFC0;
	s20 =	sadd.s32 $0x40, s20;
	_ =	swait.ge [sflag:s19], $0x4000  }
0x158: {  	s10 =	sadd.s32 s10, s8;
	[sflag:s19] =	ssyncset.done $0x0  }
0x159: {  	s11 =	sadd.s32 $0x13E0, s10;
	[sflag:s19] =	ssyncadd.s32 $0xFFFFC000  }
0x15a: {  	[tilespmem:s16], [sflag:$0x5] =	stream.linear.gather [hbm4b:s11+s4], $0x100, $0x38;
	[tilespmem:$0x1E200] =	vst v63  }
0x15b: {  	_ =	swait.ge [sflag:s29], $0x100  }
0x15c: {  	[sflag:s29] =	ssyncset.done $0x0  }
0x15d: {  	[sflag:s29] =	ssyncadd.s32 $0xFFFFFF00  }
0x15e: {  	[tilespmem:s0], [sflag:$0x2] =	stream.indirect.gather [hbm4b:s5+s30], $0x80, s16, s30, $0xb8;
	[tilespmem:$0x1E200] =	vst v63  }
0x15f: {  	_ =	swait.ge [sflag:s17], $0x4000  }
0x160: {  	[sflag:s17] =	ssyncset.done $0x0  }
0x161: {  	[sflag:s17] =	ssyncadd.s32 $0xFFFFC000  }
0x162: {  	[spmem:s3] =	stream.indirect.scatter.add.f32 [tilespmem:s15], [sflag:$0x3], $0x80, s30, s30, $0xb8;
	[tilespmem:$0x1E200] =	vst v63  }
0x163: {  	_ =	swait.ge [sflag:s2], $0x4000  }
0x164: {  	[sflag:s2] =	ssyncset.done $0x0  }
0x165: {  	s10 =	sadd.s32 $0x1400, s10;
	[sflag:s2] =	ssyncadd.s32 $0xFFFFC000  }
0x166: {  	[tilespmem:s4], [sflag:$0x5] =	stream.linear.gather [hbm4b:s10+s4], $0x100, $0x38;
	[tilespmem:$0x1E200] =	vst v63  }
0x167: {  	_ =	swait.ge [sflag:s29], $0x100  }
0x168: {  	[sflag:s29] =	ssyncset.done $0x0  }
.Ltmp6:
0x169: {  	[sflag:s29] =	ssyncadd.s32 $0xFFFFFF00;
	(pc) =	sbr.rel @!p1 .LBB2_5-.Ltmp6, $4  }
0x16a: {  	[tilespmem:s15], [sflag:$0x1] =	stream.indirect.gather [hbm4b:s5+s30], $0x80, s4, s30, $0xb8;
	[tilespmem:$0x1E200] =	vst v63  }
0x16b: {  	_ =	swait.ge [sflag:s18], $0x4000  }
0x16c: {  	[sflag:s18] =	ssyncset.done $0x0  }
0x16d: {  	[sflag:s18] =	ssyncadd.s32 $0xFFFFC000  }
.Ltmp7:
0x16e: {  	_ = 	snop;
	(pc) =	sbr.rel .LBB2_6-.Ltmp7, $1  }
0x16f: {  	_ =	sdelay $0x3  }
.LBB2_11:
0x170: {  	_ =	sfence.sel $0x180000  }
0x171: {  	[bflag:$0x0] =	sbarrier.arrive $0xFFFF  }
0x172: {  	_ =	strace $0x9000004A  }
0x173: {  	s0 =	stileid.u32;
	[bflag:$0x2] =	sbarrier.arrive $0xFFFF  }
0x174: {  	p0 =	sne.s32 s0, $0x0;
	s0 =	rddreg [dreg:$0x3]  }
0x175: {  	s0 =	sadd.s32 @!p0 $0x100000, s0  }
0x176: {  	[sflag:s0] =	ssyncadd.tile.s32 @!p0 $0x1;
	_ =	shalt  }
.Lfunc_end2:
_tile_overlayer_lowered:
.L_overlay_start_2:
0x177: {  	(tag) =	ssettag $0x2  }
0x178: {  	s0 =	rddreg [dreg:$0x0];
	s2 =	stileid.u32  }
0x179: {  	s1 =	rddreg [dreg:$0x1];
	p0 =	sne.s32 s2, $0x0  }
0x17a: {  	s3 =	rddreg [dreg:$0x2];
	[bflag:$0x3] =	sbarrier.arrive $0xFFFF;
	s2 =	simm.s32 @!p0 $0x1C05  }
0x17b: {  	[timem:s3], [sflag:s2] =	dma.local @!p0 [hbm:s0], s1  }
0x17c: {  	s0 =	simm.s32 @!p0 $0x5  }
0x17d: {  	_ =	swait.ge @!p0 [sflag:s0], s1  }
0x17e: {  	s1 =	ssub.s32 @!p0 $0x0, s1;
	[sflag:s0] =	ssyncset.done @!p0 $0x0  }
0x17f: {  	[sflag:s0] =	ssyncadd.s32 @!p0 s1  }
0x180: {  	[bflag:$0x3] =	sbarrier.arrive $0xFFFF  }
0x181: {  	_ =	shalt  }

// kernel: kernel.15.cloned.1.call-start
scs
__scs_entry_jumppad:
0x0: {  	(pc) =	sbr.rel $0x88, $3  }
0x1: {  	(tag) =	ssettag $0x0;
	lr =	simm.s32 $0x1  }
0x2: {  	[smem:$0x3F8E] =	sst lr;
	_ =	strace $0xD0000000  }
0x3: {  	_ = 	snop  }
0x4: {  	_ = 	snop  }
0x5: {  	_ = 	snop  }
0x6: {  	_ = 	snop  }
0x7: {  	_ = 	snop  }
__scs_overlays_trampoline_lowered:
0x8: {  	[smem:$0x3F9D] =	sst s0  }
0x9: {  	[smem:$0x3F9E] =	sst s1  }
0xa: {  	[smem:$0x3F9F] =	sst s2  }
0xb: {  	[smem:$0x3FA0] =	sst s3  }
0xc: {  	[smem:$0x3FA1] =	sst s4  }
0xd: {  	[smem:$0x3FA2] =	sst s5  }
0xe: {  	[smem:$0x3FA3] =	sst s6  }
0xf: {  	[smem:$0x3FA4] =	sst s7  }
0x10: {  	[smem:$0x3FA5] =	sst s8  }
0x11: {  	[smem:$0x3FA6] =	sst s9;
	s0 =	simm.s32 @!p0 $0x0  }
0x12: {  	s1 =	sld [smem:$0x3F8C];
	s0 =	simm.s32 @p0 $0x1  }
0x13: {  	[smem:$0x3FA7] =	sst s0;
	s0 =	simm.s32 @!p1 $0x0  }
0x14: {  	s2 =	sld [smem:$0x3F8B];
	s0 =	simm.s32 @p1 $0x1  }
0x15: {  	[smem:$0x3FA8] =	sst s0;
	s0 =	simm.s32 @!p2 $0x0  }
0x16: {  	s3 =	sld [smem:$0x3FDB];
	s0 =	simm.s32 @p2 $0x1  }
0x17: {  	s4 =	simm.s32 $0x1BF5;
	[smem:$0x3FAA] =	sst s0  }
0x18: {  	s0 =	sld [smem:$0x3F8D];
	_ =	swait.ge [sflag:s4], $0x0  }
0x19: {  	s7 =	sld [smem:$0x3F8E]  }
0x1a: {  	s8 =	sadd.s32 $0xFFFFE003, lr  }
0x1b: {  	s9 =	sadd.s32 $0xFFFFFEF7, lr;
	s5 =	simm.s32 $0xFFFFFFFF;
	p2 =	slt.u32 s8, $0xFFFFF086  }
0x1c: {  	p1 =	slt.u32 s9, $0xF7A;
	s5 =	simm.s32 @!p2 $0x0  }
0x1d: {  	s5 =	simm.s32 @p1 $0x1;
	p0 =	seq.s32 s7, s2  }
0x1e: {  	s7 =	smul.u32 @!p0 $0xF7A, s2;
	p2 =	seq.s32 @!p0 s5, $0x0  }
0x1f: {  	s9 =	smul.u32 $0xF7A, s1;
	s8 =	simm.s32 @!p0 $0x1BF5;
	p2 =	por !p2, p0  }
0x20: {  	[sflag:s8] =	ssyncset.s32 @!p0 $0xFFFFF086;
	s6 =	sadd.s32 @!p0 s3, s7;
	s7 =	simm.s32 @!p0 $0x108  }
0x21: {  	s3 =	sadd.s32 s3, s9;
	s6 =	sadd.s32 @!p0 $0x88, s6;
	s7 =	simm.s32 @p2 $0x1082  }
0x22: {  	[simem:s7], [sflag:s8] =	dma.local @!p0 [hbm:s6], $0xF7A  }
0x23: {  	s9 =	sor.u32 $0xD0000000, s2;
	s6 =	simm.s32 $0x108;
	_ =	swait.ge @!p0 [sflag:s8], $0x0  }
0x24: {  	s3 =	sadd.s32 $0x88, s3;
	s6 =	simm.s32 @!p1 $0x1082;
	[sflag:s4] =	ssyncset.s32 $0xFFFFF086  }
0x25: {  	[simem:s6], [sflag:s4] =	dma.local [hbm:s3], $0xF7A  }
0x26: {  	[smem:$0x3F8E] =	sst s1;
	(tag) =	ssettag s2;
	_ =	strace s9  }
0x27: {  	s1 =	sld [smem:$0x3F9E]  }
0x28: {  	s2 =	sld [smem:$0x3F9F]  }
0x29: {  	s4 =	sld [smem:$0x3FA1]  }
0x2a: {  	p0 =	seq.s32 s5, $0x0;
	s5 =	sld [smem:$0x3FA2]  }
0x2b: {  	s6 =	sld [smem:$0x3FA3]  }
0x2c: {  	s7 =	sld [smem:$0x3FA4]  }
0x2d: {  	s3 =	simm.s32 $0x108;
	s8 =	sld [smem:$0x3FA5]  }
0x2e: {  	s3 =	simm.s32 @!p0 $0x1082;
	s9 =	sld [smem:$0x3FA6]  }
0x2f: {  	lr =	sadd.s32 s0, s3;
	s0 =	sld [smem:$0x3F9D]  }
0x30: {  	s3 =	sld [smem:$0x3FA0]  }
0x31: {  	[smem:$0x3FA9] =	sst s10  }
0x32: {  	s10 =	sld [smem:$0x3FA7];
	_ =	sdelay $0x3  }
0x33: {  	p0 =	seq.s32 s10, $0x1;
	s10 =	sld [smem:$0x3FA9];
	_ =	sdelay $0x3  }
0x34: {  	[smem:$0x3FA9] =	sst s10  }
0x35: {  	s10 =	sld [smem:$0x3FA8];
	_ =	sdelay $0x3  }
0x36: {  	p1 =	seq.s32 s10, $0x1;
	s10 =	sld [smem:$0x3FA9];
	_ =	sdelay $0x3  }
0x37: {  	[smem:$0x3FA9] =	sst s10  }
0x38: {  	s10 =	sld [smem:$0x3FAA]  }
0x39: {  	_ = 	snop;
	(pc) =	sbr.ind lr, $3  }
0x3a: {  	_ = 	snop  }
0x3b: {  	_ = 	snop  }
0x3c: {  	p2 =	seq.s32 s10, $0x1;
	s10 =	sld [smem:$0x3FA9]  }
0x3d: {  	_ =	shalt  }
0x3e: {  	_ =	shalt  }
0x3f: {  	_ =	shalt  }
0x40: {  	_ =	shalt  }
0x41: {  	_ =	shalt  }
0x42: {  	_ =	shalt  }
0x43: {  	_ =	shalt  }
0x44: {  	_ =	shalt  }
0x45: {  	_ =	shalt  }
0x46: {  	_ =	shalt  }
0x47: {  	_ =	shalt  }
0x48: {  	_ =	shalt  }
0x49: {  	_ =	shalt  }
0x4a: {  	_ =	shalt  }
0x4b: {  	_ =	shalt  }
0x4c: {  	_ =	shalt  }
0x4d: {  	_ =	shalt  }
0x4e: {  	_ =	shalt  }
0x4f: {  	_ =	shalt  }
0x50: {  	_ =	shalt  }
0x51: {  	_ =	shalt  }
0x52: {  	_ =	shalt  }
0x53: {  	_ =	shalt  }
0x54: {  	_ =	shalt  }
0x55: {  	_ =	shalt  }
0x56: {  	_ =	shalt  }
0x57: {  	_ =	shalt  }
0x58: {  	_ =	shalt  }
0x59: {  	_ =	shalt  }
0x5a: {  	_ =	shalt  }
0x5b: {  	_ =	shalt  }
0x5c: {  	_ =	shalt  }
0x5d: {  	_ =	shalt  }
0x5e: {  	_ =	shalt  }
0x5f: {  	_ =	shalt  }
0x60: {  	_ =	shalt  }
0x61: {  	_ =	shalt  }
0x62: {  	_ =	shalt  }
0x63: {  	_ =	shalt  }
0x64: {  	_ =	shalt  }
0x65: {  	_ =	shalt  }
0x66: {  	_ =	shalt  }
0x67: {  	_ =	shalt  }
0x68: {  	_ =	shalt  }
0x69: {  	_ =	shalt  }
0x6a: {  	_ =	shalt  }
0x6b: {  	_ =	shalt  }
0x6c: {  	_ =	shalt  }
0x6d: {  	_ =	shalt  }
0x6e: {  	_ =	shalt  }
0x6f: {  	_ =	shalt  }
0x70: {  	_ =	shalt  }
0x71: {  	_ =	shalt  }
0x72: {  	_ =	shalt  }
0x73: {  	_ =	shalt  }
0x74: {  	_ =	shalt  }
0x75: {  	_ =	shalt  }
0x76: {  	_ =	shalt  }
0x77: {  	_ =	shalt  }
0x78: {  	_ =	shalt  }
0x79: {  	_ =	shalt  }
0x7a: {  	_ =	shalt  }
0x7b: {  	_ =	shalt  }
0x7c: {  	_ =	shalt  }
0x7d: {  	_ =	shalt  }
0x7e: {  	_ =	shalt  }
0x7f: {  	_ =	shalt  }
0x80: {  	_ =	shalt  }
0x81: {  	_ =	shalt  }
0x82: {  	_ =	shalt  }
0x83: {  	_ =	shalt  }
0x84: {  	_ =	shalt  }
0x85: {  	_ =	shalt  }
0x86: {  	_ =	shalt  }
0x87: {  	_ =	shalt  }
.Lfunc_end0:
.L_simem_size_0:
called_computation.2_lowered:
.L_overlay_start_0:
0x88: {  	s2 =	sld [smem:$0x3FD9]  }
0x89: {  	s3 =	sld [smem:$0x3FFE];
	_ =	sdelay $0x1  }
0x8a: {  	s1 =	srdreg.scid  }
0x8b: {  	s0 =	sand.u32 $0x1, s1  }
0x8c: {  	s17 =	sshll.u32 s0, $0xA;
	s2 =	sadd.s32 s3, s2  }
0x8d: {  	s2 =	sadd.s32 s2, s17  }
0x8e: {  	[smem:$0x3FB5] =	sst s2  }
0x8f: {  	_ = 	snop  }
0x90: {  	s2 =	sld [smem:$0x3FD0];
	(tm) =	ssettm $0x1  }
0x91: {  	s18 =	sld [smem:$0x3FFB];
	_ =	sdelay $0x3  }
0x92: {  	_ =	strace s18  }
0x93: {  	s3 =	sld [smem:$0x3FFC];
	_ =	sdelay $0x3  }
0x94: {  	_ =	strace s3  }
0x95: {  	s3 =	sld [smem:$0x3FFD];
	_ =	sdelay $0x3  }
0x96: {  	_ =	strace s3  }
0x97: {  	_ =	strace $0x8FFFFFFF  }
0x98: {  	s19 =	sld [smem:$0x3FDB];
	_ =	sdelay $0x1  }
0x99: {  	s4 =	simm.s32 $_scs_section_size  }
0x9a: {  	s5 =	simm.s32 $_size__tile_overlayer_lowered;
	s6 =	simm.s32 $_tile_overlayer_lowered  }
0x9b: {  	s22 =	simm.s32 $0x1BFF;
	s21 =	sshll.u32 s6, $0x1;
	s3 =	sadd.s32 s4, s19  }
0x9c: {  	s7 =	simm.s32 $0x0;
	s20 =	sshll.u32 s5, $0x1;
	s5 =	sadd.s32 s21, s3  }
0x9d: {  	[timem:s7], [sflag:s22] =	dma.local [hbm:s5], s20  }
0x9e: {  	_ =	swait.ge [sflag:s22], s20  }
0x9f: {  	s4 =	ssub.s32 $0x0, s20;
	[sflag:s22] =	ssyncset.done $0x0  }
0xa0: {  	[sflag:s22] =	ssyncadd.s32 s4;
	_ =	sdelay $0x1  }
0xa1: {  	s23 =	simm.s32 $0x1B8B  }
0xa2: {  	_ =	swait.ge [sflag:s23], $0x1  }
0xa3: {  	[sflag:s23] =	ssyncset.done $0x0  }
0xa4: {  	s25 =	simm.s32 $0x1B8E;
	s24 =	sld [smem:$0x3FFE];
	[sflag:s23] =	ssyncadd.s32 $0xFFFFFFFF  }
0xa5: {  	s26 =	simm.s32 $execute0_lowered;
	[smem:$0x3FD2] =	sst s25  }
0xa6: {  	s5 =	sshll.u32 s26, $0x1;
	_ =	strace $0x8000004C;
	[dreg:$0x1] =	wrdreg $0xFFFFFFFF  }
0xa7: {  	s28 =	simm.s32 $_size_execute0_lowered;
	s3 =	sadd.s32 s3, s5;
	[dreg:$0x0] =	wrdreg $0x0  }
0xa8: {  	s5 =	sshll.u32 s28, $0x1;
	[dreg:$0x2] =	wrdreg s3  }
0xa9: {  	[dreg:$0x3] =	wrdreg s5  }
0xaa: {  	[dreg:$0x4] =	wrdreg $0xC0  }
0xab: {  	_ =	task [dreg:s7], $0x5FFFF  }
0xac: {  	[dreg:$0x1] =	wrdreg $0xFFFFFFFF  }
0xad: {  	[dreg:$0x0] =	wrdreg $0x60  }
0xae: {  	[dreg:$0x2] =	wrdreg s2  }
0xaf: {  	[dreg:$0x3] =	wrdreg s24  }
0xb0: {  	[dreg:$0x4] =	wrdreg $0xA2000  }
0xb1: {  	[dreg:$0x5] =	wrdreg $0x9  }
0xb2: {  	_ =	task.clear_ibuf [dreg:s7], $0x6FFFF;
	_ =	strace $0x9000004C  }
0xb3: {  	s29 =	simm.s32 $0x9;
	_ =	strace $0x8000004E  }
0xb4: {  	_ =	swait.ge [sflag:s29], $0x1  }
0xb5: {  	[sflag:s29] =	ssyncadd.s32 $0xFFFFFFFF  }
0xb6: {  	_ =	strace $0x9000004E  }
0xb7: {  	_ =	sfence  }
0xb8: {  	s30 =	sld [smem:$0x0];
	_ =	sdelay $0x2  }
0xb9: {  	s31 =	sshll.u32 s1, $0xD;
	s1 =	sshrl.u32 s1, $0x2  }
0xba: {  	s3 =	sand.u32 $0x4000, s31;
	s1 =	sadd.s32 s1, s30  }
0xbb: {  	s0 =	sor.u32 s3, s0;
	s1 =	sshll.u32 s1, $0x11  }
0xbc: {  	s0 =	sor.u32 s1, s0  }
0xbd: {  	s0 =	sadd.s32 $0x8F2B, s0  }
0xbe: {  	[sflag:s0] =	ssyncadd.remote.s32 $0x1  }
0xbf: {  	_ =	sfence.sel $0xFFFF  }
0xc0: {  	[dreg:$0x0] =	wrdreg $0xFFFFFFFF;
	(pc) =	sbr.abs _section_cstart, $3  }
0xc1: {  	[dreg:$0x1] =	wrdreg $0xFFFFFFFF  }
0xc2: {  	_ =	task.clear_ibuf [dreg:s7], $0x2FFFF;
	_ =	strace $0x9FFFFFFF  }
0xc3: {  	(tm) =	ssettm $0x7FFFFFFF  }
tec
execute0_lowered:
.L_overlay_start_1:
0x0: {  	(tag) =	ssettag $0x1  }
0x1: {  	s1 =	rddreg [dreg:$0x0]  }
0x2: {  	s0 =	rddreg [dreg:$0x1]  }
0x3: {  	s3 =	rddreg [dreg:$0x2]  }
0x4: {  	s4 =	simm.s32 $0x0;
	s10 =	stileid.u32;
	s6 =	srdreg.scid  }
0x5: {  	s29 =	simm.s32 $0x5;
	s30 =	simm.s32 $0x80;
	s31 =	simm.s32 $0x8200  }
0x6: {  	[smem:$0x7FF] =	sst s4;
	s2 =	smul.u32 $0x1400, s10;
	s5 =	sadd.s32 $0x19A00, s0  }
0x7: {  	s6 =	sand.u32 $0x1, s6;
	s9 =	smul.u32 $0x50000, s10;
	s8 =	sadd.s32 $0x41A00, s0  }
0x8: {  	s24 =	smul.u32 $0x280, s10;
	_ =	strace $0x8000004D;
	s7 =	ssub.s32 $0x2, s6  }
0x9: {  	[dreg:$0x4] =	wrdreg s8;
	s2 =	sadd.s32 s2, s0;
	s0 =	sadd.s32 $0x69A00, s0  }
0xa: {  	p0 =	seq.s32 s6, $0x0;
	s12 =	sadd.s32 $0x240, s24;
	[dreg:$0x5] =	wrdreg s0  }
0xb: {  	s22 =	sshrl.u32 s7, $0x1;
	s13 =	sadd.s32 $0x200, s24;
	[dreg:$0xb] =	wrdreg s12  }
0xc: {  	s0 =	ssub.s32 s7, s22;
	s7 =	sadd.s32 $0x5A20, s2;
	[dreg:$0xc] =	wrdreg s13  }
0xd: {  	s23 =	sshrl.u32 s9, $0x2;
	s11 =	sadd.s32 $0x5A40, s2;
	[dreg:$0x9] =	wrdreg s7  }
0xe: {  	s8 =	sadd.s32 $0x5A00, s2;
	s2 =	sadd.s32 $0x6DE0, s2;
	[dreg:$0xa] =	wrdreg s11  }
0xf: {  	s9 =	sadd.s32 s23, s3;
	s0 =	smax.u32 s0, $0x1;
	[dreg:$0xe] =	wrdreg s2  }
0x10: {  	s14 =	sadd.s32 $0x180, s24;
	s25 =	sadd.s32 $0x2000, s9;
	[dreg:$0x6] =	wrdreg s0  }
0x11: {  	s15 =	sadd.s32 $0x140, s24;
	s26 =	sadd.s32 $0x4000, s9;
	[dreg:$0x7] =	wrdreg s25  }
0x12: {  	s16 =	sadd.s32 $0x100, s24;
	s19 =	sadd.s32 $0x6000, s9;
	[dreg:$0x8] =	wrdreg s26  }
0x13: {  	s17 =	sadd.s32 $0xC0, s24;
	s20 =	sadd.s32 $0x8000, s9;
	[dreg:$0xf] =	wrdreg s19  }
0x14: {  	s18 =	sadd.s32 $0x80, s24;
	s21 =	sadd.s32 $0xA000, s9;
	[dreg:$0x10] =	wrdreg s20  }
0x15: {  	s6 =	sor.u32 $0x40, s24;
	s23 =	sadd.s32 $0xC000, s9;
	[dreg:$0x11] =	wrdreg s21  }
0x16: {  	s11 =	sadd.s32 $0x1C0, s24;
	s24 =	sadd.s32 $0xE000, s9;
	[dreg:$0x12] =	wrdreg s23  }
0x17: {  	s28 =	smul.u32 $0x2800, s10;
	s22 =	smov.u32 s5;
	[dreg:$0x13] =	wrdreg s24  }
0x18: {  	s22 =	smov.u32 @p0 s1;
	s25 =	sadd.s32 $0x10000, s9;
	[dreg:$0xd] =	wrdreg s11  }
0x19: {  	s2 =	simm.s32 $0x3;
	s26 =	sadd.s32 $0x12000, s9;
	[dreg:$0x14] =	wrdreg s25  }
0x1a: {  	s7 =	simm.s32 $0x0;
	s0 =	sshll.u32 s12, $0x4;
	[dreg:$0x15] =	wrdreg s26  }
0x1b: {  	s12 =	sshll.u32 s13, $0x4;
	s13 =	sshll.u32 s11, $0x4;
	[dreg:$0x16] =	wrdreg s0  }
0x1c: {  	s19 =	sshll.u32 s14, $0x4;
	s24 =	smov.u32 s15;
	[dreg:$0x17] =	wrdreg s12  }
0x1d: {  	s20 =	sshll.u32 s15, $0x4;
	s23 =	smov.u32 s16;
	[dreg:$0x18] =	wrdreg s13  }
0x1e: {  	s21 =	sshll.u32 s16, $0x4;
	s15 =	simm.s32 $0x200;
	[dreg:$0x19] =	wrdreg s19  }
0x1f: {  	s16 =	simm.s32 $0x100;
	s13 =	smov.u32 s14;
	[dreg:$0x1a] =	wrdreg s20  }
.Ltmp0:
0x20: {  	[dreg:$0x1b] =	wrdreg s21;
	s14 =	smov.u32 s17;
	(pc) =	sbr.rel .LBB2_1-.Ltmp0, $4  }
0x21: {  	s25 =	sshll.u32 s17, $0x4;
	s12 =	smov.u32 s18;
	s26 =	sshll.u32 s18, $0x4  }
0x22: {  	s0 =	simm.s32 $0x4200;
	s17 =	simm.s32 $0x1;
	[dreg:$0x1c] =	wrdreg s25  }
0x23: {  	s18 =	simm.s32 $0x2;
	s19 =	simm.s32 $0x4;
	[dreg:$0x1d] =	wrdreg s26  }
0x24: {  	v0 =	vimm.f32 $0.0e+00;
	s25 =	smov.u32 s6;
	s26 =	sshll.u32 s6, $0x4;
	s6 =	simm.s32 $0x180  }
.LBB2_6:
0x25: {  	[spmem:s3] =	stream.indirect.scatter.add.f32 [tilespmem:s0], [sflag:$0x4], $0x80, s6, s30, $0xb8;
	[tilespmem:$0x1E200] =	vst v63  }
0x26: {  	_ =	swait.ge [sflag:s19], $0x4000  }
0x27: {  	[sflag:s19] =	ssyncset.done $0x0  }
0x28: {  	s10 =	rddreg [dreg:$0xe];
	[sflag:s19] =	ssyncadd.s32 $0xFFFFC000  }
0x29: {  	[tilespmem:s16], [sflag:$0x5] =	stream.linear.gather [hbm4b:s10+s4], $0x100, $0x38;
	[tilespmem:$0x1E200] =	vst v63  }
0x2a: {  	_ =	swait.ge [sflag:s29], $0x100  }
0x2b: {  	[sflag:s29] =	ssyncset.done $0x0  }
0x2c: {  	[sflag:s29] =	ssyncadd.s32 $0xFFFFFF00  }
0x2d: {  	[tilespmem:s0], [sflag:$0x2] =	stream.indirect.gather [hbm4b:s5+s30], $0x80, s16, s30, $0xb8;
	[tilespmem:$0x1E200] =	vst v63  }
0x2e: {  	_ =	swait.ge [sflag:s17], $0x4000  }
0x2f: {  	[sflag:s17] =	ssyncset.done $0x0  }
0x30: {  	[sflag:s17] =	ssyncadd.s32 $0xFFFFC000  }
0x31: {  	[spmem:s3] =	stream.indirect.scatter.add.f32 [tilespmem:s15], [sflag:$0x3], $0x80, s30, s30, $0xb8;
	[tilespmem:$0x1E200] =	vst v63  }
0x32: {  	_ =	swait.ge [sflag:s2], $0x4000  }
0x33: {  	[sflag:s2] =	ssyncset.done $0x0  }
0x34: {  	[sflag:s2] =	ssyncadd.s32 $0xFFFFC000  }
0x35: {  	_ =	swait.ge [sflag:s18], $0x4000  }
0x36: {  	[sflag:s18] =	ssyncset.done $0x0  }
0x37: {  	s20 =	rddreg [dreg:$0x5];
	[sflag:s18] =	ssyncadd.s32 $0xFFFFC000  }
0x38: {  	[spmem:s3] =	stream.indirect.scatter.add.f32 [tilespmem:s0], [sflag:$0x4], $0x80, s6, s30, $0xb8;
	[tilespmem:$0x1E200] =	vst v63  }
.LBB2_10:
0x39: {  	_ =	swait.ge [sflag:s19], $0x4000  }
0x3a: {  	[sflag:s19] =	ssyncset.done $0x0  }
0x3b: {  	[sflag:s19] =	ssyncadd.s32 $0xFFFFC000  }
0x3c: {  	[bflag:$0x0] =	sbarrier.arrive $0xFFFF  }
0x3d: {  	[tilespmem:s31], [sflag:$0x5] =	stream.linear.gather [spmem:s9], $0x2000, $0x38;
	[tilespmem:$0x1E200] =	vst v63  }
0x3e: {  	_ =	swait.ge [sflag:s29], $0x2000  }
0x3f: {  	[sflag:s29] =	ssyncset.done $0x0  }
0x40: {  	s10 =	sadd.s32 s20, s28;
	[sflag:s29] =	ssyncadd.s32 $0xFFFFE000  }
0x41: {  	[hbm4b:s10+s4] =	stream.linear.scatter [tilespmem:s31], [sflag:$0x5], $0x2000, $0x38;
	[tilespmem:$0x1E200] =	vst v63  }
0x42: {  	_ =	swait.ge [sflag:s29], $0x2000  }
0x43: {  	s21 =	sshll.u32 s25, $0x7;
	[sflag:s29] =	ssyncset.done $0x0  }
0x44: {  	s10 =	sadd.s32 s21, s3;
	[sflag:s29] =	ssyncadd.s32 $0xFFFFE000  }
0x45: {  	[tilespmem:s31], [sflag:$0x5] =	stream.linear.gather [spmem:s10], $0x2000, $0x38;
	[tilespmem:$0x1E200] =	vst v63  }
0x46: {  	_ =	swait.ge [sflag:s29], $0x2000  }
0x47: {  	[sflag:s29] =	ssyncset.done $0x0  }
0x48: {  	s11 =	sadd.s32 s20, s26;
	[sflag:s29] =	ssyncadd.s32 $0xFFFFE000  }
0x49: {  	[hbm4b:s11+s4] =	stream.linear.scatter [tilespmem:s31], [sflag:$0x5], $0x2000, $0x38;
	[tilespmem:$0x1E200] =	vst v63  }
0x4a: {  	_ =	swait.ge [sflag:s29], $0x2000  }
0x4b: {  	s21 =	sshll.u32 s12, $0x7;
	[sflag:s29] =	ssyncset.done $0x0  }
0x4c: {  	s10 =	sadd.s32 s21, s3;
	[sflag:s29] =	ssyncadd.s32 $0xFFFFE000  }
0x4d: {  	[tilespmem:s31], [sflag:$0x5] =	stream.linear.gather [spmem:s10], $0x2000, $0x38;
	[tilespmem:$0x1E200] =	vst v63  }
0x4e: {  	_ =	swait.ge [sflag:s29], $0x2000  }
0x4f: {  	[sflag:s29] =	ssyncset.done $0x0;
	s11 =	rddreg [dreg:$0x1d]  }
0x50: {  	s10 =	sadd.s32 s20, s11;
	[sflag:s29] =	ssyncadd.s32 $0xFFFFE000  }
0x51: {  	[hbm4b:s10+s4] =	stream.linear.scatter [tilespmem:s31], [sflag:$0x5], $0x2000, $0x38;
	[tilespmem:$0x1E200] =	vst v63  }
0x52: {  	_ =	swait.ge [sflag:s29], $0x2000  }
0x53: {  	s21 =	sshll.u32 s14, $0x7;
	[sflag:s29] =	ssyncset.done $0x0  }
0x54: {  	s10 =	sadd.s32 s21, s3;
	[sflag:s29] =	ssyncadd.s32 $0xFFFFE000  }
0x55: {  	[tilespmem:s31], [sflag:$0x5] =	stream.linear.gather [spmem:s10], $0x2000, $0x38;
	[tilespmem:$0x1E200] =	vst v63  }
0x56: {  	_ =	swait.ge [sflag:s29], $0x2000  }
0x57: {  	[sflag:s29] =	ssyncset.done $0x0;
	s11 =	rddreg [dreg:$0x1c]  }
0x58: {  	s10 =	sadd.s32 s20, s11;
	[sflag:s29] =	ssyncadd.s32 $0xFFFFE000  }
0x59: {  	[hbm4b:s10+s4] =	stream.linear.scatter [tilespmem:s31], [sflag:$0x5], $0x2000, $0x38;
	[tilespmem:$0x1E200] =	vst v63  }
0x5a: {  	_ =	swait.ge [sflag:s29], $0x2000  }
0x5b: {  	s21 =	sshll.u32 s23, $0x7;
	[sflag:s29] =	ssyncset.done $0x0  }
0x5c: {  	s10 =	sadd.s32 s21, s3;
	[sflag:s29] =	ssyncadd.s32 $0xFFFFE000  }
0x5d: {  	[tilespmem:s31], [sflag:$0x5] =	stream.linear.gather [spmem:s10], $0x2000, $0x38;
	[tilespmem:$0x1E200] =	vst v63  }
0x5e: {  	_ =	swait.ge [sflag:s29], $0x2000  }
0x5f: {  	[sflag:s29] =	ssyncset.done $0x0;
	s11 =	rddreg [dreg:$0x1b]  }
0x60: {  	s10 =	sadd.s32 s20, s11;
	[sflag:s29] =	ssyncadd.s32 $0xFFFFE000  }
0x61: {  	[hbm4b:s10+s4] =	stream.linear.scatter [tilespmem:s31], [sflag:$0x5], $0x2000, $0x38;
	[tilespmem:$0x1E200] =	vst v63  }
0x62: {  	_ =	swait.ge [sflag:s29], $0x2000  }
0x63: {  	s21 =	sshll.u32 s24, $0x7;
	[sflag:s29] =	ssyncset.done $0x0  }
0x64: {  	s10 =	sadd.s32 s21, s3;
	[sflag:s29] =	ssyncadd.s32 $0xFFFFE000  }
0x65: {  	[tilespmem:s31], [sflag:$0x5] =	stream.linear.gather [spmem:s10], $0x2000, $0x38;
	[tilespmem:$0x1E200] =	vst v63  }
0x66: {  	_ =	swait.ge [sflag:s29], $0x2000  }
0x67: {  	[sflag:s29] =	ssyncset.done $0x0;
	s11 =	rddreg [dreg:$0x1a]  }
0x68: {  	s10 =	sadd.s32 s20, s11;
	[sflag:s29] =	ssyncadd.s32 $0xFFFFE000  }
0x69: {  	[hbm4b:s10+s4] =	stream.linear.scatter [tilespmem:s31], [sflag:$0x5], $0x2000, $0x38;
	[tilespmem:$0x1E200] =	vst v63  }
0x6a: {  	_ =	swait.ge [sflag:s29], $0x2000  }
0x6b: {  	s21 =	sshll.u32 s13, $0x7;
	[sflag:s29] =	ssyncset.done $0x0  }
0x6c: {  	s10 =	sadd.s32 s21, s3;
	[sflag:s29] =	ssyncadd.s32 $0xFFFFE000  }
0x6d: {  	[tilespmem:s31], [sflag:$0x5] =	stream.linear.gather [spmem:s10], $0x2000, $0x38;
	[tilespmem:$0x1E200] =	vst v63  }
0x6e: {  	_ =	swait.ge [sflag:s29], $0x2000  }
0x6f: {  	[sflag:s29] =	ssyncset.done $0x0;
	s11 =	rddreg [dreg:$0x19]  }
0x70: {  	s10 =	sadd.s32 s20, s11;
	[sflag:s29] =	ssyncadd.s32 $0xFFFFE000  }
0x71: {  	[hbm4b:s10+s4] =	stream.linear.scatter [tilespmem:s31], [sflag:$0x5], $0x2000, $0x38;
	[tilespmem:$0x1E200] =	vst v63  }
0x72: {  	_ =	swait.ge [sflag:s29], $0x2000  }
0x73: {  	s21 =	rddreg [dreg:$0xd]  }
0x74: {  	[sflag:s29] =	ssyncset.done $0x0;
	s10 =	sshll.u32 s21, $0x7  }
0x75: {  	[sflag:s29] =	ssyncadd.s32 $0xFFFFE000;
	s10 =	sadd.s32 s10, s3  }
0x76: {  	[tilespmem:s31], [sflag:$0x5] =	stream.linear.gather [spmem:s10], $0x2000, $0x38;
	[tilespmem:$0x1E200] =	vst v63  }
0x77: {  	_ =	swait.ge [sflag:s29], $0x2000  }
0x78: {  	[sflag:s29] =	ssyncset.done $0x0;
	s11 =	rddreg [dreg:$0x18]  }
0x79: {  	s10 =	sadd.s32 s20, s11;
	[sflag:s29] =	ssyncadd.s32 $0xFFFFE000  }
0x7a: {  	[hbm4b:s10+s4] =	stream.linear.scatter [tilespmem:s31], [sflag:$0x5], $0x2000, $0x38;
	[tilespmem:$0x1E200] =	vst v63  }
0x7b: {  	_ =	swait.ge [sflag:s29], $0x2000  }
0x7c: {  	s21 =	rddreg [dreg:$0xc]  }
0x7d: {  	[sflag:s29] =	ssyncset.done $0x0;
	s10 =	sshll.u32 s21, $0x7  }
0x7e: {  	[sflag:s29] =	ssyncadd.s32 $0xFFFFE000;
	s10 =	sadd.s32 s10, s3  }
0x7f: {  	[tilespmem:s31], [sflag:$0x5] =	stream.linear.gather [spmem:s10], $0x2000, $0x38;
	[tilespmem:$0x1E200] =	vst v63  }
0x80: {  	_ =	swait.ge [sflag:s29], $0x2000  }
0x81: {  	[sflag:s29] =	ssyncset.done $0x0;
	s11 =	rddreg [dreg:$0x17]  }
0x82: {  	s10 =	sadd.s32 s20, s11;
	[sflag:s29] =	ssyncadd.s32 $0xFFFFE000  }
0x83: {  	[hbm4b:s10+s4] =	stream.linear.scatter [tilespmem:s31], [sflag:$0x5], $0x2000, $0x38;
	[tilespmem:$0x1E200] =	vst v63  }
0x84: {  	_ =	swait.ge [sflag:s29], $0x2000  }
0x85: {  	s21 =	rddreg [dreg:$0xb]  }
0x86: {  	[sflag:s29] =	ssyncset.done $0x0;
	s10 =	sshll.u32 s21, $0x7  }
0x87: {  	[sflag:s29] =	ssyncadd.s32 $0xFFFFE000;
	s10 =	sadd.s32 s10, s3  }
0x88: {  	[tilespmem:s31], [sflag:$0x5] =	stream.linear.gather [spmem:s10], $0x2000, $0x38;
	[tilespmem:$0x1E200] =	vst v63  }
0x89: {  	_ =	swait.ge [sflag:s29], $0x2000  }
0x8a: {  	[sflag:s29] =	ssyncset.done $0x0;
	s11 =	rddreg [dreg:$0x16]  }
0x8b: {  	s10 =	sadd.s32 s20, s11;
	[sflag:s29] =	ssyncadd.s32 $0xFFFFE000  }
0x8c: {  	[hbm4b:s10+s4] =	stream.linear.scatter [tilespmem:s31], [sflag:$0x5], $0x2000, $0x38;
	[tilespmem:$0x1E200] =	vst v63  }
0x8d: {  	_ =	swait.ge [sflag:s29], $0x2000  }
0x8e: {  	s7 =	sadd.s32 $0x1, s7;
	s21 =	rddreg [dreg:$0x6]  }
0x8f: {  	p1 =	sne.s32 s7, s21  }
.Ltmp1:
0x90: {  	_ = 	snop;
	(pc) =	sbr.rel @!p1 .LBB2_11-.Ltmp1, $3  }
0x91: {  	_ =	sdelay $0x1  }
0x92: {  	[sflag:s29] =	ssyncset.done $0x0  }
0x93: {  	[sflag:s29] =	ssyncadd.s32 $0xFFFFE000  }
.LBB2_1:
0x94: {  	s10 =	sand.u32 $0x7E00, s4  }
0x95: {  	s21 =	sand.u32 $0x70, s4;
	s10 =	sshrl.u32 s10, $0x2  }
0x96: {  	s20 =	simm.s32 $0x40;
	s21 =	sor.u32 s21, s10;
	s10 =	simm.s32 $0x0  }
.LBB2_2:
0x97: {  	p1 =	sne.s32 s20, $0x7FC0  }
0x98: {  	[tilespmem:s21+$0x8200] =	vst v0;
	s10 =	sadd.s32 $0x10, s10;
	s21 =	smov.u32 s20;
	s20 =	sadd.s32 $0x40, s20  }
.Ltmp2:
0x99: {  	(pc) =	sbr.rel @p1 .LBB2_2-.Ltmp2, $4  }
0x9a: {  	_ = 	snop  }
0x9b: {  	s21 =	sand.u32 $0x7E00, s21  }
0x9c: {  	s11 =	sand.u32 $0x70, s10;
	s21 =	sshrl.u32 s21, $0x2  }
0x9d: {  	s21 =	sor.u32 s11, s21  }
0x9e: {  	[tilespmem:s21+$0x8200] =	vst v0  }
0x9f: {  	[tilespmem:s4], [sflag:$0x5] =	stream.linear.gather [hbm4b:s8+s4], $0x100, $0x38;
	[tilespmem:$0x1E200] =	vst v63  }
0xa0: {  	_ =	swait.ge [sflag:s29], $0x100  }
0xa1: {  	[sflag:s29] =	ssyncset.done $0x0  }
0xa2: {  	[sflag:s29] =	ssyncadd.s32 $0xFFFFFF00  }
0xa3: {  	[tilespmem:s15], [sflag:$0x1] =	stream.indirect.gather [hbm4b:s22+s30], $0x80, s4, s30, $0xb8;
	[tilespmem:$0x1E200] =	vst v63  }
0xa4: {  	_ = 	snop  }
0xa5: {  	[spmem:s9] =	stream.linear.scatter [tilespmem:s31], [sflag:$0x5], $0x2000, $0x38;
	[tilespmem:$0x1E200] =	vst v63  }
0xa6: {  	_ =	swait.ge [sflag:s29], $0x2000  }
0xa7: {  	[sflag:s29] =	ssyncset.done $0x0  }
0xa8: {  	s10 =	rddreg [dreg:$0x7];
	[sflag:s29] =	ssyncadd.s32 $0xFFFFE000  }
0xa9: {  	[spmem:s10] =	stream.linear.scatter [tilespmem:s31], [sflag:$0x5], $0x2000, $0x38;
	[tilespmem:$0x1E200] =	vst v63  }
0xaa: {  	_ =	swait.ge [sflag:s29], $0x2000  }
0xab: {  	[sflag:s29] =	ssyncset.done $0x0  }
0xac: {  	s20 =	rddreg [dreg:$0x8];
	[sflag:s29] =	ssyncadd.s32 $0xFFFFE000  }
0xad: {  	[spmem:s20] =	stream.linear.scatter [tilespmem:s31], [sflag:$0x5], $0x2000, $0x38;
	[tilespmem:$0x1E200] =	vst v63  }
0xae: {  	_ =	swait.ge [sflag:s29], $0x2000  }
0xaf: {  	[sflag:s29] =	ssyncset.done $0x0  }
0xb0: {  	s21 =	rddreg [dreg:$0xf];
	[sflag:s29] =	ssyncadd.s32 $0xFFFFE000  }
0xb1: {  	[spmem:s21] =	stream.linear.scatter [tilespmem:s31], [sflag:$0x5], $0x2000, $0x38;
	[tilespmem:$0x1E200] =	vst v63  }
0xb2: {  	_ =	swait.ge [sflag:s29], $0x2000  }
0xb3: {  	[sflag:s29] =	ssyncset.done $0x0  }
0xb4: {  	s11 =	rddreg [dreg:$0x10];
	[sflag:s29] =	ssyncadd.s32 $0xFFFFE000  }
0xb5: {  	[spmem:s11] =	stream.linear.scatter [tilespmem:s31], [sflag:$0x5], $0x2000, $0x38;
	[tilespmem:$0x1E200] =	vst v63  }
0xb6: {  	_ =	swait.ge [sflag:s29], $0x2000  }
0xb7: {  	[sflag:s29] =	ssyncset.done $0x0  }
0xb8: {  	s20 =	rddreg [dreg:$0x11];
	[sflag:s29] =	ssyncadd.s32 $0xFFFFE000  }
0xb9: {  	[spmem:s20] =	stream.linear.scatter [tilespmem:s31], [sflag:$0x5], $0x2000, $0x38;
	[tilespmem:$0x1E200] =	vst v63  }
0xba: {  	_ =	swait.ge [sflag:s29], $0x2000  }
0xbb: {  	[sflag:s29] =	ssyncset.done $0x0  }
0xbc: {  	s21 =	rddreg [dreg:$0x12];
	[sflag:s29] =	ssyncadd.s32 $0xFFFFE000  }
0xbd: {  	[spmem:s21] =	stream.linear.scatter [tilespmem:s31], [sflag:$0x5], $0x2000, $0x38;
	[tilespmem:$0x1E200] =	vst v63  }
0xbe: {  	_ =	swait.ge [sflag:s29], $0x2000  }
0xbf: {  	[sflag:s29] =	ssyncset.done $0x0  }
0xc0: {  	s11 =	rddreg [dreg:$0x13];
	[sflag:s29] =	ssyncadd.s32 $0xFFFFE000  }
0xc1: {  	[spmem:s11] =	stream.linear.scatter [tilespmem:s31], [sflag:$0x5], $0x2000, $0x38;
	[tilespmem:$0x1E200] =	vst v63  }
0xc2: {  	_ =	swait.ge [sflag:s29], $0x2000  }
0xc3: {  	[sflag:s29] =	ssyncset.done $0x0  }
0xc4: {  	s20 =	rddreg [dreg:$0x14];
	[sflag:s29] =	ssyncadd.s32 $0xFFFFE000  }
0xc5: {  	[spmem:s20] =	stream.linear.scatter [tilespmem:s31], [sflag:$0x5], $0x2000, $0x38;
	[tilespmem:$0x1E200] =	vst v63  }
0xc6: {  	_ =	swait.ge [sflag:s29], $0x2000  }
0xc7: {  	[sflag:s29] =	ssyncset.done $0x0  }
0xc8: {  	s21 =	rddreg [dreg:$0x15];
	[sflag:s29] =	ssyncadd.s32 $0xFFFFE000  }
0xc9: {  	[spmem:s21] =	stream.linear.scatter [tilespmem:s31], [sflag:$0x5], $0x2000, $0x38;
	[tilespmem:$0x1E200] =	vst v63  }
.Ltmp3:
0xca: {  	_ =	swait.ge [sflag:s29], $0x2000;
	(pc) =	sbr.rel @!p0 .LBB2_4-.Ltmp3, $3  }
0xcb: {  	[sflag:s29] =	ssyncset.done $0x0  }
0xcc: {  	[sflag:s29] =	ssyncadd.s32 $0xFFFFE000  }
0xcd: {  	[bflag:$0x0] =	sbarrier.arrive $0xFFFF;
	_ =	sdelay $0x1  }
0xce: {  	s10 =	rddreg [dreg:$0x9]  }
0xcf: {  	[tilespmem:s16], [sflag:$0x5] =	stream.linear.gather [hbm4b:s10+s4], $0x100, $0x38;
	[tilespmem:$0x1E200] =	vst v63  }
0xd0: {  	_ =	swait.ge [sflag:s29], $0x100  }
0xd1: {  	[sflag:s29] =	ssyncset.done $0x0  }
0xd2: {  	[sflag:s29] =	ssyncadd.s32 $0xFFFFFF00  }
0xd3: {  	[tilespmem:s0], [sflag:$0x2] =	stream.indirect.gather [hbm4b:s1+s30], $0x80, s16, s30, $0xb8;
	[tilespmem:$0x1E200] =	vst v63  }
0xd4: {  	_ =	swait.ge [sflag:s17], $0x4000  }
0xd5: {  	[sflag:s17] =	ssyncset.done $0x0  }
0xd6: {  	[sflag:s17] =	ssyncadd.s32 $0xFFFFC000  }
0xd7: {  	[spmem:s3] =	stream.indirect.scatter.add.f32 [tilespmem:s15], [sflag:$0x3], $0x80, s30, s30, $0xb8;
	[tilespmem:$0x1E200] =	vst v63  }
0xd8: {  	_ =	swait.ge [sflag:s2], $0x4000  }
0xd9: {  	[sflag:s2] =	ssyncset.done $0x0  }
0xda: {  	s20 =	rddreg [dreg:$0xa];
	[sflag:s2] =	ssyncadd.s32 $0xFFFFC000  }
0xdb: {  	[tilespmem:s4], [sflag:$0x5] =	stream.linear.gather [hbm4b:s20+s4], $0x100, $0x38;
	[tilespmem:$0x1E200] =	vst v63  }
0xdc: {  	_ =	swait.ge [sflag:s29], $0x100  }
0xdd: {  	[sflag:s29] =	ssyncset.done $0x0  }
0xde: {  	[sflag:s29] =	ssyncadd.s32 $0xFFFFFF00  }
0xdf: {  	[tilespmem:s15], [sflag:$0x1] =	stream.indirect.gather [hbm4b:s1+s30], $0x80, s4, s30, $0xb8;
	[tilespmem:$0x1E200] =	vst v63  }
0xe0: {  	_ =	swait.ge [sflag:s18], $0x4000  }
0xe1: {  	[sflag:s18] =	ssyncset.done $0x0  }
0xe2: {  	[sflag:s18] =	ssyncadd.s32 $0xFFFFC000  }
0xe3: {  	[spmem:s3] =	stream.indirect.scatter.add.f32 [tilespmem:s0], [sflag:$0x4], $0x80, s6, s30, $0xb8;
	[tilespmem:$0x1E200] =	vst v63  }
0xe4: {  	_ =	swait.ge [sflag:s19], $0x4000  }
0xe5: {  	s21 =	sadd.s32 $0xFFFFEC80, s8;
	[sflag:s19] =	ssyncset.done $0x0  }
0xe6: {  	s11 =	sadd.s32 $0x13E0, s21;
	[sflag:s19] =	ssyncadd.s32 $0xFFFFC000  }
0xe7: {  	[tilespmem:s16], [sflag:$0x5] =	stream.linear.gather [hbm4b:s11+s4], $0x100, $0x38;
	[tilespmem:$0x1E200] =	vst v63  }
0xe8: {  	_ =	swait.ge [sflag:s29], $0x100  }
0xe9: {  	[sflag:s29] =	ssyncset.done $0x0  }
0xea: {  	[sflag:s29] =	ssyncadd.s32 $0xFFFFFF00  }
0xeb: {  	[tilespmem:s0], [sflag:$0x2] =	stream.indirect.gather [hbm4b:s1+s30], $0x80, s16, s30, $0xb8;
	[tilespmem:$0x1E200] =	vst v63  }
0xec: {  	_ =	swait.ge [sflag:s17], $0x4000  }
0xed: {  	[sflag:s17] =	ssyncset.done $0x0  }
0xee: {  	[sflag:s17] =	ssyncadd.s32 $0xFFFFC000  }
0xef: {  	[spmem:s3] =	stream.indirect.scatter.add.f32 [tilespmem:s15], [sflag:$0x3], $0x80, s30, s30, $0xb8;
	[tilespmem:$0x1E200] =	vst v63  }
0xf0: {  	_ =	swait.ge [sflag:s2], $0x4000  }
0xf1: {  	[sflag:s2] =	ssyncset.done $0x0  }
0xf2: {  	s10 =	sadd.s32 $0x1400, s21;
	[sflag:s2] =	ssyncadd.s32 $0xFFFFC000  }
0xf3: {  	[tilespmem:s4], [sflag:$0x5] =	stream.linear.gather [hbm4b:s10+s4], $0x100, $0x38;
	[tilespmem:$0x1E200] =	vst v63  }
0xf4: {  	_ =	swait.ge [sflag:s29], $0x100  }
0xf5: {  	[sflag:s29] =	ssyncset.done $0x0  }
0xf6: {  	[sflag:s29] =	ssyncadd.s32 $0xFFFFFF00  }
0xf7: {  	[tilespmem:s15], [sflag:$0x1] =	stream.indirect.gather [hbm4b:s1+s30], $0x80, s4, s30, $0xb8;
	[tilespmem:$0x1E200] =	vst v63  }
0xf8: {  	_ =	swait.ge [sflag:s18], $0x4000  }
0xf9: {  	[sflag:s18] =	ssyncset.done $0x0  }
0xfa: {  	s20 =	simm.s32 $0xFFFFECC0;
	[sflag:s18] =	ssyncadd.s32 $0xFFFFC000  }
.LBB2_8:
0xfb: {  	[spmem:s3] =	stream.indirect.scatter.add.f32 [tilespmem:s0], [sflag:$0x4], $0x80, s6, s30, $0xb8;
	[tilespmem:$0x1E200] =	vst v63  }
0xfc: {  	s10 =	smov.u32 s20  }
0xfd: {  	p1 =	seq.s32 s20, $0xFFFFFFC0;
	s20 =	sadd.s32 $0x40, s20;
	_ =	swait.ge [sflag:s19], $0x4000  }
0xfe: {  	s10 =	sadd.s32 s10, s8;
	[sflag:s19] =	ssyncset.done $0x0  }
0xff: {  	s11 =	sadd.s32 $0x13E0, s10;
	[sflag:s19] =	ssyncadd.s32 $0xFFFFC000  }
0x100: {  	[tilespmem:s16], [sflag:$0x5] =	stream.linear.gather [hbm4b:s11+s4], $0x100, $0x38;
	[tilespmem:$0x1E200] =	vst v63  }
0x101: {  	_ =	swait.ge [sflag:s29], $0x100  }
0x102: {  	[sflag:s29] =	ssyncset.done $0x0  }
0x103: {  	[sflag:s29] =	ssyncadd.s32 $0xFFFFFF00  }
0x104: {  	[tilespmem:s0], [sflag:$0x2] =	stream.indirect.gather [hbm4b:s1+s30], $0x80, s16, s30, $0xb8;
	[tilespmem:$0x1E200] =	vst v63  }
0x105: {  	_ =	swait.ge [sflag:s17], $0x4000  }
0x106: {  	[sflag:s17] =	ssyncset.done $0x0  }
0x107: {  	[sflag:s17] =	ssyncadd.s32 $0xFFFFC000  }
0x108: {  	[spmem:s3] =	stream.indirect.scatter.add.f32 [tilespmem:s15], [sflag:$0x3], $0x80, s30, s30, $0xb8;
	[tilespmem:$0x1E200] =	vst v63  }
0x109: {  	_ =	swait.ge [sflag:s2], $0x4000  }
0x10a: {  	[sflag:s2] =	ssyncset.done $0x0  }
0x10b: {  	s10 =	sadd.s32 $0x1400, s10;
	[sflag:s2] =	ssyncadd.s32 $0xFFFFC000  }
0x10c: {  	[tilespmem:s4], [sflag:$0x5] =	stream.linear.gather [hbm4b:s10+s4], $0x100, $0x38;
	[tilespmem:$0x1E200] =	vst v63  }
0x10d: {  	_ =	swait.ge [sflag:s29], $0x100  }
0x10e: {  	[sflag:s29] =	ssyncset.done $0x0  }
.Ltmp4:
0x10f: {  	[sflag:s29] =	ssyncadd.s32 $0xFFFFFF00;
	(pc) =	sbr.rel @!p1 .LBB2_8-.Ltmp4, $4  }
0x110: {  	[tilespmem:s15], [sflag:$0x1] =	stream.indirect.gather [hbm4b:s1+s30], $0x80, s4, s30, $0xb8;
	[tilespmem:$0x1E200] =	vst v63  }
0x111: {  	_ =	swait.ge [sflag:s18], $0x4000  }
0x112: {  	[sflag:s18] =	ssyncset.done $0x0  }
0x113: {  	[sflag:s18] =	ssyncadd.s32 $0xFFFFC000  }
0x114: {  	[spmem:s3] =	stream.indirect.scatter.add.f32 [tilespmem:s0], [sflag:$0x4], $0x80, s6, s30, $0xb8;
	[tilespmem:$0x1E200] =	vst v63  }
0x115: {  	_ =	swait.ge [sflag:s19], $0x4000  }
0x116: {  	[sflag:s19] =	ssyncset.done $0x0  }
0x117: {  	s10 =	rddreg [dreg:$0xe];
	[sflag:s19] =	ssyncadd.s32 $0xFFFFC000  }
0x118: {  	[tilespmem:s16], [sflag:$0x5] =	stream.linear.gather [hbm4b:s10+s4], $0x100, $0x38;
	[tilespmem:$0x1E200] =	vst v63  }
0x119: {  	_ =	swait.ge [sflag:s29], $0x100  }
0x11a: {  	[sflag:s29] =	ssyncset.done $0x0  }
0x11b: {  	[sflag:s29] =	ssyncadd.s32 $0xFFFFFF00  }
0x11c: {  	[tilespmem:s0], [sflag:$0x2] =	stream.indirect.gather [hbm4b:s1+s30], $0x80, s16, s30, $0xb8;
	[tilespmem:$0x1E200] =	vst v63  }
0x11d: {  	_ =	swait.ge [sflag:s17], $0x4000  }
0x11e: {  	[sflag:s17] =	ssyncset.done $0x0  }
0x11f: {  	[sflag:s17] =	ssyncadd.s32 $0xFFFFC000  }
0x120: {  	[spmem:s3] =	stream.indirect.scatter.add.f32 [tilespmem:s15], [sflag:$0x3], $0x80, s30, s30, $0xb8;
	[tilespmem:$0x1E200] =	vst v63  }
0x121: {  	_ =	swait.ge [sflag:s2], $0x4000  }
0x122: {  	[sflag:s2] =	ssyncset.done $0x0  }
.Ltmp5:
0x123: {  	[sflag:s2] =	ssyncadd.s32 $0xFFFFC000;
	(pc) =	sbr.rel .LBB2_10-.Ltmp5, $4  }
0x124: {  	_ =	swait.ge [sflag:s18], $0x4000  }
0x125: {  	[sflag:s18] =	ssyncset.done $0x0  }
0x126: {  	s20 =	rddreg [dreg:$0x4];
	[sflag:s18] =	ssyncadd.s32 $0xFFFFC000  }
0x127: {  	[spmem:s3] =	stream.indirect.scatter.add.f32 [tilespmem:s0], [sflag:$0x4], $0x80, s6, s30, $0xb8;
	[tilespmem:$0x1E200] =	vst v63  }
.LBB2_4:
0x128: {  	s10 =	rddreg [dreg:$0x9]  }
0x129: {  	[tilespmem:s16], [sflag:$0x5] =	stream.linear.gather [hbm4b:s10+s4], $0x100, $0x38;
	[tilespmem:$0x1E200] =	vst v63  }
0x12a: {  	_ =	swait.ge [sflag:s29], $0x100  }
0x12b: {  	[sflag:s29] =	ssyncset.done $0x0  }
0x12c: {  	[sflag:s29] =	ssyncadd.s32 $0xFFFFFF00  }
0x12d: {  	[tilespmem:s0], [sflag:$0x2] =	stream.indirect.gather [hbm4b:s5+s30], $0x80, s16, s30, $0xb8;
	[tilespmem:$0x1E200] =	vst v63  }
0x12e: {  	_ =	swait.ge [sflag:s17], $0x4000  }
0x12f: {  	[sflag:s17] =	ssyncset.done $0x0  }
0x130: {  	[sflag:s17] =	ssyncadd.s32 $0xFFFFC000  }
0x131: {  	[spmem:s3] =	stream.indirect.scatter.add.f32 [tilespmem:s15], [sflag:$0x3], $0x80, s30, s30, $0xb8;
	[tilespmem:$0x1E200] =	vst v63  }
0x132: {  	_ =	swait.ge [sflag:s2], $0x4000  }
0x133: {  	[sflag:s2] =	ssyncset.done $0x0  }
0x134: {  	s20 =	rddreg [dreg:$0xa];
	[sflag:s2] =	ssyncadd.s32 $0xFFFFC000  }
0x135: {  	[tilespmem:s4], [sflag:$0x5] =	stream.linear.gather [hbm4b:s20+s4], $0x100, $0x38;
	[tilespmem:$0x1E200] =	vst v63  }
0x136: {  	_ =	swait.ge [sflag:s29], $0x100  }
0x137: {  	[sflag:s29] =	ssyncset.done $0x0  }
0x138: {  	[sflag:s29] =	ssyncadd.s32 $0xFFFFFF00  }
0x139: {  	[tilespmem:s15], [sflag:$0x1] =	stream.indirect.gather [hbm4b:s5+s30], $0x80, s4, s30, $0xb8;
	[tilespmem:$0x1E200] =	vst v63  }
0x13a: {  	_ =	swait.ge [sflag:s18], $0x4000  }
0x13b: {  	[sflag:s18] =	ssyncset.done $0x0  }
0x13c: {  	[sflag:s18] =	ssyncadd.s32 $0xFFFFC000  }
0x13d: {  	[spmem:s3] =	stream.indirect.scatter.add.f32 [tilespmem:s0], [sflag:$0x4], $0x80, s6, s30, $0xb8;
	[tilespmem:$0x1E200] =	vst v63  }
0x13e: {  	_ =	swait.ge [sflag:s19], $0x4000  }
0x13f: {  	s21 =	sadd.s32 $0xFFFFEC80, s8;
	[sflag:s19] =	ssyncset.done $0x0  }
0x140: {  	s11 =	sadd.s32 $0x13E0, s21;
	[sflag:s19] =	ssyncadd.s32 $0xFFFFC000  }
0x141: {  	[tilespmem:s16], [sflag:$0x5] =	stream.linear.gather [hbm4b:s11+s4], $0x100, $0x38;
	[tilespmem:$0x1E200] =	vst v63  }
0x142: {  	_ =	swait.ge [sflag:s29], $0x100  }
0x143: {  	[sflag:s29] =	ssyncset.done $0x0  }
0x144: {  	[sflag:s29] =	ssyncadd.s32 $0xFFFFFF00  }
0x145: {  	[tilespmem:s0], [sflag:$0x2] =	stream.indirect.gather [hbm4b:s5+s30], $0x80, s16, s30, $0xb8;
	[tilespmem:$0x1E200] =	vst v63  }
0x146: {  	_ =	swait.ge [sflag:s17], $0x4000  }
0x147: {  	[sflag:s17] =	ssyncset.done $0x0  }
0x148: {  	[sflag:s17] =	ssyncadd.s32 $0xFFFFC000  }
0x149: {  	[spmem:s3] =	stream.indirect.scatter.add.f32 [tilespmem:s15], [sflag:$0x3], $0x80, s30, s30, $0xb8;
	[tilespmem:$0x1E200] =	vst v63  }
0x14a: {  	_ =	swait.ge [sflag:s2], $0x4000  }
0x14b: {  	[sflag:s2] =	ssyncset.done $0x0  }
0x14c: {  	s10 =	sadd.s32 $0x1400, s21;
	[sflag:s2] =	ssyncadd.s32 $0xFFFFC000  }
0x14d: {  	[tilespmem:s4], [sflag:$0x5] =	stream.linear.gather [hbm4b:s10+s4], $0x100, $0x38;
	[tilespmem:$0x1E200] =	vst v63  }
0x14e: {  	_ =	swait.ge [sflag:s29], $0x100  }
0x14f: {  	[sflag:s29] =	ssyncset.done $0x0  }
0x150: {  	[sflag:s29] =	ssyncadd.s32 $0xFFFFFF00  }
0x151: {  	[tilespmem:s15], [sflag:$0x1] =	stream.indirect.gather [hbm4b:s5+s30], $0x80, s4, s30, $0xb8;
	[tilespmem:$0x1E200] =	vst v63  }
0x152: {  	_ =	swait.ge [sflag:s18], $0x4000  }
0x153: {  	[sflag:s18] =	ssyncset.done $0x0  }
0x154: {  	s20 =	simm.s32 $0xFFFFECC0;
	[sflag:s18] =	ssyncadd.s32 $0xFFFFC000  }
.LBB2_5:
0x155: {  	[spmem:s3] =	stream.indirect.scatter.add.f32 [tilespmem:s0], [sflag:$0x4], $0x80, s6, s30, $0xb8;
	[tilespmem:$0x1E200] =	vst v63  }
0x156: {  	s10 =	smov.u32 s20  }
0x157: {  	p1 =	seq.s32 s20, $0xFFFFFFC0;
	s20 =	sadd.s32 $0x40, s20;
	_ =	swait.ge [sflag:s19], $0x4000  }
0x158: {  	s10 =	sadd.s32 s10, s8;
	[sflag:s19] =	ssyncset.done $0x0  }
0x159: {  	s11 =	sadd.s32 $0x13E0, s10;
	[sflag:s19] =	ssyncadd.s32 $0xFFFFC000  }
0x15a: {  	[tilespmem:s16], [sflag:$0x5] =	stream.linear.gather [hbm4b:s11+s4], $0x100, $0x38;
	[tilespmem:$0x1E200] =	vst v63  }
0x15b: {  	_ =	swait.ge [sflag:s29], $0x100  }
0x15c: {  	[sflag:s29] =	ssyncset.done $0x0  }
0x15d: {  	[sflag:s29] =	ssyncadd.s32 $0xFFFFFF00  }
0x15e: {  	[tilespmem:s0], [sflag:$0x2] =	stream.indirect.gather [hbm4b:s5+s30], $0x80, s16, s30, $0xb8;
	[tilespmem:$0x1E200] =	vst v63  }
0x15f: {  	_ =	swait.ge [sflag:s17], $0x4000  }
0x160: {  	[sflag:s17] =	ssyncset.done $0x0  }
0x161: {  	[sflag:s17] =	ssyncadd.s32 $0xFFFFC000  }
0x162: {  	[spmem:s3] =	stream.indirect.scatter.add.f32 [tilespmem:s15], [sflag:$0x3], $0x80, s30, s30, $0xb8;
	[tilespmem:$0x1E200] =	vst v63  }
0x163: {  	_ =	swait.ge [sflag:s2], $0x4000  }
0x164: {  	[sflag:s2] =	ssyncset.done $0x0  }
0x165: {  	s10 =	sadd.s32 $0x1400, s10;
	[sflag:s2] =	ssyncadd.s32 $0xFFFFC000  }
0x166: {  	[tilespmem:s4], [sflag:$0x5] =	stream.linear.gather [hbm4b:s10+s4], $0x100, $0x38;
	[tilespmem:$0x1E200] =	vst v63  }
0x167: {  	_ =	swait.ge [sflag:s29], $0x100  }
0x168: {  	[sflag:s29] =	ssyncset.done $0x0  }
.Ltmp6:
0x169: {  	[sflag:s29] =	ssyncadd.s32 $0xFFFFFF00;
	(pc) =	sbr.rel @!p1 .LBB2_5-.Ltmp6, $4  }
0x16a: {  	[tilespmem:s15], [sflag:$0x1] =	stream.indirect.gather [hbm4b:s5+s30], $0x80, s4, s30, $0xb8;
	[tilespmem:$0x1E200] =	vst v63  }
0x16b: {  	_ =	swait.ge [sflag:s18], $0x4000  }
0x16c: {  	[sflag:s18] =	ssyncset.done $0x0  }
0x16d: {  	[sflag:s18] =	ssyncadd.s32 $0xFFFFC000  }
.Ltmp7:
0x16e: {  	_ = 	snop;
	(pc) =	sbr.rel .LBB2_6-.Ltmp7, $1  }
0x16f: {  	_ =	sdelay $0x3  }
.LBB2_11:
0x170: {  	_ =	sfence.sel $0x180000  }
0x171: {  	[bflag:$0x0] =	sbarrier.arrive $0xFFFF  }
0x172: {  	_ =	strace $0x9000004D  }
0x173: {  	s0 =	stileid.u32;
	[bflag:$0x2] =	sbarrier.arrive $0xFFFF  }
0x174: {  	p0 =	sne.s32 s0, $0x0;
	s0 =	rddreg [dreg:$0x3]  }
0x175: {  	s0 =	sadd.s32 @!p0 $0x100000, s0  }
0x176: {  	[sflag:s0] =	ssyncadd.tile.s32 @!p0 $0x1;
	_ =	shalt  }
.Lfunc_end2:
_tile_overlayer_lowered:
.L_overlay_start_2:
0x177: {  	(tag) =	ssettag $0x2  }
0x178: {  	s0 =	rddreg [dreg:$0x0];
	s2 =	stileid.u32  }
0x179: {  	s1 =	rddreg [dreg:$0x1];
	p0 =	sne.s32 s2, $0x0  }
0x17a: {  	s3 =	rddreg [dreg:$0x2];
	[bflag:$0x3] =	sbarrier.arrive $0xFFFF;
	s2 =	simm.s32 @!p0 $0x1C05  }
0x17b: {  	[timem:s3], [sflag:s2] =	dma.local @!p0 [hbm:s0], s1  }
0x17c: {  	s0 =	simm.s32 @!p0 $0x5  }
0x17d: {  	_ =	swait.ge @!p0 [sflag:s0], s1  }
0x17e: {  	s1 =	ssub.s32 @!p0 $0x0, s1;
	[sflag:s0] =	ssyncset.done @!p0 $0x0  }
0x17f: {  	[sflag:s0] =	ssyncadd.s32 @!p0 s1  }
0x180: {  	[bflag:$0x3] =	sbarrier.arrive $0xFFFF  }
0x181: {  	_ =	shalt  }

// kernel: kernel.9.cloned.1.call-start
scs
__scs_entry_jumppad:
0x0: {  	(pc) =	sbr.rel $0x88, $3  }
0x1: {  	(tag) =	ssettag $0x0;
	lr =	simm.s32 $0x1  }
0x2: {  	[smem:$0x3F8E] =	sst lr;
	_ =	strace $0xD0000000  }
0x3: {  	_ = 	snop  }
0x4: {  	_ = 	snop  }
0x5: {  	_ = 	snop  }
0x6: {  	_ = 	snop  }
0x7: {  	_ = 	snop  }
__scs_overlays_trampoline_lowered:
0x8: {  	[smem:$0x3F9D] =	sst s0  }
0x9: {  	[smem:$0x3F9E] =	sst s1  }
0xa: {  	[smem:$0x3F9F] =	sst s2  }
0xb: {  	[smem:$0x3FA0] =	sst s3  }
0xc: {  	[smem:$0x3FA1] =	sst s4  }
0xd: {  	[smem:$0x3FA2] =	sst s5  }
0xe: {  	[smem:$0x3FA3] =	sst s6  }
0xf: {  	[smem:$0x3FA4] =	sst s7  }
0x10: {  	[smem:$0x3FA5] =	sst s8  }
0x11: {  	[smem:$0x3FA6] =	sst s9;
	s0 =	simm.s32 @!p0 $0x0  }
0x12: {  	s1 =	sld [smem:$0x3F8C];
	s0 =	simm.s32 @p0 $0x1  }
0x13: {  	[smem:$0x3FA7] =	sst s0;
	s0 =	simm.s32 @!p1 $0x0  }
0x14: {  	s2 =	sld [smem:$0x3F8B];
	s0 =	simm.s32 @p1 $0x1  }
0x15: {  	[smem:$0x3FA8] =	sst s0;
	s0 =	simm.s32 @!p2 $0x0  }
0x16: {  	s3 =	sld [smem:$0x3FDB];
	s0 =	simm.s32 @p2 $0x1  }
0x17: {  	s4 =	simm.s32 $0x1BF5;
	[smem:$0x3FAA] =	sst s0  }
0x18: {  	s0 =	sld [smem:$0x3F8D];
	_ =	swait.ge [sflag:s4], $0x0  }
0x19: {  	s7 =	sld [smem:$0x3F8E]  }
0x1a: {  	s8 =	sadd.s32 $0xFFFFE003, lr  }
0x1b: {  	s9 =	sadd.s32 $0xFFFFFEF7, lr;
	s5 =	simm.s32 $0xFFFFFFFF;
	p2 =	slt.u32 s8, $0xFFFFF086  }
0x1c: {  	p1 =	slt.u32 s9, $0xF7A;
	s5 =	simm.s32 @!p2 $0x0  }
0x1d: {  	s5 =	simm.s32 @p1 $0x1;
	p0 =	seq.s32 s7, s2  }
0x1e: {  	s7 =	smul.u32 @!p0 $0xF7A, s2;
	p2 =	seq.s32 @!p0 s5, $0x0  }
0x1f: {  	s9 =	smul.u32 $0xF7A, s1;
	s8 =	simm.s32 @!p0 $0x1BF5;
	p2 =	por !p2, p0  }
0x20: {  	[sflag:s8] =	ssyncset.s32 @!p0 $0xFFFFF086;
	s6 =	sadd.s32 @!p0 s3, s7;
	s7 =	simm.s32 @!p0 $0x108  }
0x21: {  	s3 =	sadd.s32 s3, s9;
	s6 =	sadd.s32 @!p0 $0x88, s6;
	s7 =	simm.s32 @p2 $0x1082  }
0x22: {  	[simem:s7], [sflag:s8] =	dma.local @!p0 [hbm:s6], $0xF7A  }
0x23: {  	s9 =	sor.u32 $0xD0000000, s2;
	s6 =	simm.s32 $0x108;
	_ =	swait.ge @!p0 [sflag:s8], $0x0  }
0x24: {  	s3 =	sadd.s32 $0x88, s3;
	s6 =	simm.s32 @!p1 $0x1082;
	[sflag:s4] =	ssyncset.s32 $0xFFFFF086  }
0x25: {  	[simem:s6], [sflag:s4] =	dma.local [hbm:s3], $0xF7A  }
0x26: {  	[smem:$0x3F8E] =	sst s1;
	(tag) =	ssettag s2;
	_ =	strace s9  }
0x27: {  	s1 =	sld [smem:$0x3F9E]  }
0x28: {  	s2 =	sld [smem:$0x3F9F]  }
0x29: {  	s4 =	sld [smem:$0x3FA1]  }
0x2a: {  	p0 =	seq.s32 s5, $0x0;
	s5 =	sld [smem:$0x3FA2]  }
0x2b: {  	s6 =	sld [smem:$0x3FA3]  }
0x2c: {  	s7 =	sld [smem:$0x3FA4]  }
0x2d: {  	s3 =	simm.s32 $0x108;
	s8 =	sld [smem:$0x3FA5]  }
0x2e: {  	s3 =	simm.s32 @!p0 $0x1082;
	s9 =	sld [smem:$0x3FA6]  }
0x2f: {  	lr =	sadd.s32 s0, s3;
	s0 =	sld [smem:$0x3F9D]  }
0x30: {  	s3 =	sld [smem:$0x3FA0]  }
0x31: {  	[smem:$0x3FA9] =	sst s10  }
0x32: {  	s10 =	sld [smem:$0x3FA7];
	_ =	sdelay $0x3  }
0x33: {  	p0 =	seq.s32 s10, $0x1;
	s10 =	sld [smem:$0x3FA9];
	_ =	sdelay $0x3  }
0x34: {  	[smem:$0x3FA9] =	sst s10  }
0x35: {  	s10 =	sld [smem:$0x3FA8];
	_ =	sdelay $0x3  }
0x36: {  	p1 =	seq.s32 s10, $0x1;
	s10 =	sld [smem:$0x3FA9];
	_ =	sdelay $0x3  }
0x37: {  	[smem:$0x3FA9] =	sst s10  }
0x38: {  	s10 =	sld [smem:$0x3FAA]  }
0x39: {  	_ = 	snop;
	(pc) =	sbr.ind lr, $3  }
0x3a: {  	_ = 	snop  }
0x3b: {  	_ = 	snop  }
0x3c: {  	p2 =	seq.s32 s10, $0x1;
	s10 =	sld [smem:$0x3FA9]  }
0x3d: {  	_ =	shalt  }
0x3e: {  	_ =	shalt  }
0x3f: {  	_ =	shalt  }
0x40: {  	_ =	shalt  }
0x41: {  	_ =	shalt  }
0x42: {  	_ =	shalt  }
0x43: {  	_ =	shalt  }
0x44: {  	_ =	shalt  }
0x45: {  	_ =	shalt  }
0x46: {  	_ =	shalt  }
0x47: {  	_ =	shalt  }
0x48: {  	_ =	shalt  }
0x49: {  	_ =	shalt  }
0x4a: {  	_ =	shalt  }
0x4b: {  	_ =	shalt  }
0x4c: {  	_ =	shalt  }
0x4d: {  	_ =	shalt  }
0x4e: {  	_ =	shalt  }
0x4f: {  	_ =	shalt  }
0x50: {  	_ =	shalt  }
0x51: {  	_ =	shalt  }
0x52: {  	_ =	shalt  }
0x53: {  	_ =	shalt  }
0x54: {  	_ =	shalt  }
0x55: {  	_ =	shalt  }
0x56: {  	_ =	shalt  }
0x57: {  	_ =	shalt  }
0x58: {  	_ =	shalt  }
0x59: {  	_ =	shalt  }
0x5a: {  	_ =	shalt  }
0x5b: {  	_ =	shalt  }
0x5c: {  	_ =	shalt  }
0x5d: {  	_ =	shalt  }
0x5e: {  	_ =	shalt  }
0x5f: {  	_ =	shalt  }
0x60: {  	_ =	shalt  }
0x61: {  	_ =	shalt  }
0x62: {  	_ =	shalt  }
0x63: {  	_ =	shalt  }
0x64: {  	_ =	shalt  }
0x65: {  	_ =	shalt  }
0x66: {  	_ =	shalt  }
0x67: {  	_ =	shalt  }
0x68: {  	_ =	shalt  }
0x69: {  	_ =	shalt  }
0x6a: {  	_ =	shalt  }
0x6b: {  	_ =	shalt  }
0x6c: {  	_ =	shalt  }
0x6d: {  	_ =	shalt  }
0x6e: {  	_ =	shalt  }
0x6f: {  	_ =	shalt  }
0x70: {  	_ =	shalt  }
0x71: {  	_ =	shalt  }
0x72: {  	_ =	shalt  }
0x73: {  	_ =	shalt  }
0x74: {  	_ =	shalt  }
0x75: {  	_ =	shalt  }
0x76: {  	_ =	shalt  }
0x77: {  	_ =	shalt  }
0x78: {  	_ =	shalt  }
0x79: {  	_ =	shalt  }
0x7a: {  	_ =	shalt  }
0x7b: {  	_ =	shalt  }
0x7c: {  	_ =	shalt  }
0x7d: {  	_ =	shalt  }
0x7e: {  	_ =	shalt  }
0x7f: {  	_ =	shalt  }
0x80: {  	_ =	shalt  }
0x81: {  	_ =	shalt  }
0x82: {  	_ =	shalt  }
0x83: {  	_ =	shalt  }
0x84: {  	_ =	shalt  }
0x85: {  	_ =	shalt  }
0x86: {  	_ =	shalt  }
0x87: {  	_ =	shalt  }
.Lfunc_end0:
.L_simem_size_0:
called_computation_lowered:
.L_overlay_start_0:
0x88: {  	s2 =	sld [smem:$0x3FD9]  }
0x89: {  	s3 =	sld [smem:$0x3FFE];
	_ =	sdelay $0x1  }
0x8a: {  	s1 =	srdreg.scid  }
0x8b: {  	s0 =	sand.u32 $0x1, s1  }
0x8c: {  	s17 =	sshll.u32 s0, $0xA;
	s2 =	sadd.s32 s3, s2  }
0x8d: {  	s2 =	sadd.s32 s2, s17  }
0x8e: {  	[smem:$0x3FB5] =	sst s2  }
0x8f: {  	_ = 	snop  }
0x90: {  	s2 =	sld [smem:$0x3FD0];
	(tm) =	ssettm $0x1  }
0x91: {  	s18 =	sld [smem:$0x3FFB];
	_ =	sdelay $0x3  }
0x92: {  	_ =	strace s18  }
0x93: {  	s3 =	sld [smem:$0x3FFC];
	_ =	sdelay $0x3  }
0x94: {  	_ =	strace s3  }
0x95: {  	s3 =	sld [smem:$0x3FFD];
	_ =	sdelay $0x3  }
0x96: {  	_ =	strace s3  }
0x97: {  	_ =	strace $0x8FFFFFFF  }
0x98: {  	s19 =	sld [smem:$0x3FDB];
	_ =	sdelay $0x1  }
0x99: {  	s4 =	simm.s32 $_scs_section_size  }
0x9a: {  	s5 =	simm.s32 $_size__tile_overlayer_lowered;
	s6 =	simm.s32 $_tile_overlayer_lowered  }
0x9b: {  	s22 =	simm.s32 $0x1BFF;
	s21 =	sshll.u32 s6, $0x1;
	s3 =	sadd.s32 s4, s19  }
0x9c: {  	s7 =	simm.s32 $0x0;
	s20 =	sshll.u32 s5, $0x1;
	s5 =	sadd.s32 s21, s3  }
0x9d: {  	[timem:s7], [sflag:s22] =	dma.local [hbm:s5], s20  }
0x9e: {  	_ =	swait.ge [sflag:s22], s20  }
0x9f: {  	s4 =	ssub.s32 $0x0, s20;
	[sflag:s22] =	ssyncset.done $0x0  }
0xa0: {  	[sflag:s22] =	ssyncadd.s32 s4;
	_ =	sdelay $0x1  }
0xa1: {  	s23 =	simm.s32 $0x1B8B  }
0xa2: {  	_ =	swait.ge [sflag:s23], $0x1  }
0xa3: {  	[sflag:s23] =	ssyncset.done $0x0  }
0xa4: {  	s25 =	simm.s32 $0x1B8E;
	s24 =	sld [smem:$0x3FFE];
	[sflag:s23] =	ssyncadd.s32 $0xFFFFFFFF  }
0xa5: {  	s26 =	simm.s32 $execute0_lowered;
	[smem:$0x3FD2] =	sst s25  }
0xa6: {  	s5 =	sshll.u32 s26, $0x1;
	_ =	strace $0x80000046;
	[dreg:$0x1] =	wrdreg $0xFFFFFFFF  }
0xa7: {  	s28 =	simm.s32 $_size_execute0_lowered;
	s3 =	sadd.s32 s3, s5;
	[dreg:$0x0] =	wrdreg $0x0  }
0xa8: {  	s5 =	sshll.u32 s28, $0x1;
	[dreg:$0x2] =	wrdreg s3  }
0xa9: {  	[dreg:$0x3] =	wrdreg s5  }
0xaa: {  	[dreg:$0x4] =	wrdreg $0xC0  }
0xab: {  	_ =	task [dreg:s7], $0x5FFFF  }
0xac: {  	[dreg:$0x1] =	wrdreg $0xFFFFFFFF  }
0xad: {  	[dreg:$0x0] =	wrdreg $0x60  }
0xae: {  	[dreg:$0x2] =	wrdreg s24  }
0xaf: {  	[dreg:$0x3] =	wrdreg s2  }
0xb0: {  	[dreg:$0x4] =	wrdreg $0x7000  }
0xb1: {  	[dreg:$0x5] =	wrdreg $0x9  }
0xb2: {  	_ =	task.clear_ibuf [dreg:s7], $0x6FFFF;
	_ =	strace $0x90000046  }
0xb3: {  	s29 =	simm.s32 $0x9;
	_ =	strace $0x80000048  }
0xb4: {  	_ =	swait.ge [sflag:s29], $0x1  }
0xb5: {  	[sflag:s29] =	ssyncadd.s32 $0xFFFFFFFF  }
0xb6: {  	_ =	strace $0x90000048  }
0xb7: {  	_ =	sfence  }
0xb8: {  	s30 =	sld [smem:$0x0];
	_ =	sdelay $0x2  }
0xb9: {  	s31 =	sshll.u32 s1, $0xD;
	s1 =	sshrl.u32 s1, $0x2  }
0xba: {  	s3 =	sand.u32 $0x4000, s31;
	s1 =	sadd.s32 s1, s30  }
0xbb: {  	s0 =	sor.u32 s3, s0;
	s1 =	sshll.u32 s1, $0x11  }
0xbc: {  	s0 =	sor.u32 s1, s0  }
0xbd: {  	s0 =	sadd.s32 $0x8F2B, s0  }
0xbe: {  	[sflag:s0] =	ssyncadd.remote.s32 $0x1  }
0xbf: {  	_ =	sfence.sel $0xFFFF  }
0xc0: {  	[dreg:$0x0] =	wrdreg $0xFFFFFFFF;
	(pc) =	sbr.abs _section_cstart, $3  }
0xc1: {  	[dreg:$0x1] =	wrdreg $0xFFFFFFFF  }
0xc2: {  	_ =	task.clear_ibuf [dreg:s7], $0x2FFFF;
	_ =	strace $0x9FFFFFFF  }
0xc3: {  	(tm) =	ssettm $0x7FFFFFFF  }
tec
execute0_lowered:
.L_overlay_start_1:
0x0: {  	(tag) =	ssettag $0x1  }
0x1: {  	s4 =	rddreg [dreg:$0x0]  }
0x2: {  	s13 =	rddreg [dreg:$0x1]  }
0x3: {  	s2 =	rddreg [dreg:$0x2]  }
0x4: {  	s0 =	rddreg [dreg:$0x3]  }
0x5: {  	s1 =	stileid.u32;
	s3 =	simm.s32 $0x0;
	s6 =	srdreg.scid  }
0x6: {  	s16 =	simm.s32 $0x5;
	s17 =	simm.s32 $0x80;
	s18 =	simm.s32 $0x400  }
0x7: {  	s19 =	simm.s32 $0x100;
	s20 =	simm.s32 $0x200;
	s21 =	simm.s32 $0x300  }
0x8: {  	s22 =	simm.s32 $0x1;
	s23 =	simm.s32 $0x2;
	s24 =	simm.s32 $0x3  }
0x9: {  	s25 =	simm.s32 $0x4;
	s26 =	simm.s32 $0x0;
	s5 =	smul.u32 $0x1400, s1  }
0xa: {  	[smem:$0x7FF] =	sst s3;
	s6 =	sand.u32 $0x1, s6;
	s7 =	smul.u32 $0xA00, s1  }
0xb: {  	s10 =	smul.u32 $0x500, s1;
	_ =	strace $0x80000047;
	s8 =	ssub.s32 $0x2, s6  }
0xc: {  	s6 =	sshll.u32 s6, $0x7;
	s11 =	sadd.s32 s5, s4;
	s30 =	sshrl.u32 s8, $0x1  }
0xd: {  	s31 =	sshrl.u32 s7, $0x2;
	s12 =	sor.u32 s6, s10;
	s10 =	sor.u32 $0x200, s6  }
0xe: {  	s14 =	ssub.s32 s8, s30;
	s4 =	sadd.s32 s31, s2;
	s5 =	sadd.s32 $0x5A00, s11  }
0xf: {  	s7 =	sadd.s32 $0x5A20, s11;
	s8 =	sor.u32 $0x100, s6;
	s9 =	sadd.s32 $0x5A40, s11  }
0x10: {  	s11 =	sadd.s32 $0x5A60, s11;
	s15 =	sshrl.u32 s12, $0x3;
	s12 =	sor.u32 $0x300, s6  }
0x11: {  	v0 =	vimm.f32 $1.000000000e+00;
	v1 =	vimm.f32 $0.0e+00;
	s13 =	sadd.s32 s13, s15;
	s14 =	smax.u32 s14, $0x1;
	s15 =	simm.s32 $0x480  }
.LBB2_1:
0x12: {  	[tilespmem:$0x400] =	vst v0  }
0x13: {  	[tilespmem:$0x410] =	vst v0  }
0x14: {  	[tilespmem:$0x420] =	vst v0  }
0x15: {  	[tilespmem:$0x430] =	vst v0  }
0x16: {  	[tilespmem:$0x440] =	vst v0  }
0x17: {  	[tilespmem:$0x450] =	vst v0  }
0x18: {  	[tilespmem:$0x460] =	vst v0  }
0x19: {  	[tilespmem:$0x470] =	vst v0  }
0x1a: {  	[tilespmem:$0x480] =	vst v1  }
0x1b: {  	[tilespmem:$0x490] =	vst v1  }
0x1c: {  	[tilespmem:$0x4A0] =	vst v1  }
0x1d: {  	[tilespmem:$0x4B0] =	vst v1  }
0x1e: {  	[tilespmem:$0x4C0] =	vst v1  }
0x1f: {  	[tilespmem:$0x4D0] =	vst v1  }
0x20: {  	[tilespmem:$0x4E0] =	vst v1  }
0x21: {  	[tilespmem:$0x4F0] =	vst v1  }
0x22: {  	[tilespmem:$0x500] =	vst v1  }
0x23: {  	[tilespmem:$0x510] =	vst v1  }
0x24: {  	[tilespmem:$0x520] =	vst v1  }
0x25: {  	[tilespmem:$0x530] =	vst v1  }
0x26: {  	[tilespmem:$0x540] =	vst v1  }
0x27: {  	[tilespmem:$0x550] =	vst v1  }
0x28: {  	[tilespmem:$0x560] =	vst v1  }
0x29: {  	[tilespmem:$0x570] =	vst v1  }
0x2a: {  	[tilespmem:$0x580] =	vst v1  }
0x2b: {  	[tilespmem:$0x590] =	vst v1  }
0x2c: {  	[tilespmem:$0x5A0] =	vst v1  }
0x2d: {  	[tilespmem:$0x5B0] =	vst v1  }
0x2e: {  	[tilespmem:$0x5C0] =	vst v1  }
0x2f: {  	[tilespmem:$0x5D0] =	vst v1  }
0x30: {  	[tilespmem:$0x5E0] =	vst v1  }
0x31: {  	[tilespmem:$0x5F0] =	vst v1  }
0x32: {  	[tilespmem:$0x600] =	vst v1  }
0x33: {  	[tilespmem:$0x610] =	vst v1  }
0x34: {  	[tilespmem:$0x620] =	vst v1  }
0x35: {  	[tilespmem:$0x630] =	vst v1  }
0x36: {  	[tilespmem:$0x640] =	vst v1  }
0x37: {  	[tilespmem:$0x650] =	vst v1  }
0x38: {  	[tilespmem:$0x660] =	vst v1  }
0x39: {  	[tilespmem:$0x670] =	vst v1  }
0x3a: {  	[tilespmem:$0x680] =	vst v1  }
0x3b: {  	[tilespmem:$0x690] =	vst v1  }
0x3c: {  	[tilespmem:$0x6A0] =	vst v1  }
0x3d: {  	[tilespmem:$0x6B0] =	vst v1  }
0x3e: {  	[tilespmem:$0x6C0] =	vst v1  }
0x3f: {  	[tilespmem:$0x6D0] =	vst v1  }
0x40: {  	[tilespmem:$0x6E0] =	vst v1  }
0x41: {  	[tilespmem:$0x6F0] =	vst v1  }
0x42: {  	[spmem:s4] =	stream.linear.scatter [tilespmem:s15], [sflag:$0x5], $0x280, $0x38;
	[tilespmem:$0x980] =	vst v63  }
0x43: {  	_ =	swait.ge [sflag:s16], $0x280  }
0x44: {  	[sflag:s16] =	ssyncset.done $0x0  }
0x45: {  	[sflag:s16] =	ssyncadd.s32 $0xFFFFFD80  }
0x46: {  	[bflag:$0x0] =	sbarrier.arrive $0xFFFF  }
0x47: {  	[tilespmem:s3], [sflag:$0x5] =	stream.linear.gather [hbm4b:s5+s3], $0x100, $0x38;
	[tilespmem:$0x980] =	vst v63  }
0x48: {  	_ =	swait.ge [sflag:s16], $0x100  }
0x49: {  	[sflag:s16] =	ssyncset.done $0x0  }
0x4a: {  	[sflag:s16] =	ssyncadd.s32 $0xFFFFFF00  }
0x4b: {  	[spmem:s2] =	stream.indirect.scatter.add.f32 [tilespmem:s18], [sflag:$0x1], $0x1, s6, s17, $0xb8;
	[tilespmem:$0x980] =	vst v63  }
0x4c: {  	_ = 	snop  }
0x4d: {  	[tilespmem:s19], [sflag:$0x5] =	stream.linear.gather [hbm4b:s7+s3], $0x100, $0x38;
	[tilespmem:$0x980] =	vst v63  }
0x4e: {  	_ =	swait.ge [sflag:s16], $0x100  }
0x4f: {  	[sflag:s16] =	ssyncset.done $0x0  }
0x50: {  	[sflag:s16] =	ssyncadd.s32 $0xFFFFFF00  }
0x51: {  	[spmem:s2] =	stream.indirect.scatter.add.f32 [tilespmem:s18], [sflag:$0x2], $0x1, s8, s17, $0xb8;
	[tilespmem:$0x980] =	vst v63  }
0x52: {  	_ = 	snop  }
0x53: {  	[tilespmem:s20], [sflag:$0x5] =	stream.linear.gather [hbm4b:s9+s3], $0x100, $0x38;
	[tilespmem:$0x980] =	vst v63  }
0x54: {  	_ =	swait.ge [sflag:s16], $0x100  }
0x55: {  	[sflag:s16] =	ssyncset.done $0x0  }
0x56: {  	[sflag:s16] =	ssyncadd.s32 $0xFFFFFF00  }
0x57: {  	[spmem:s2] =	stream.indirect.scatter.add.f32 [tilespmem:s18], [sflag:$0x3], $0x1, s10, s17, $0xb8;
	[tilespmem:$0x980] =	vst v63  }
0x58: {  	_ = 	snop  }
0x59: {  	[tilespmem:s21], [sflag:$0x5] =	stream.linear.gather [hbm4b:s11+s3], $0x100, $0x38;
	[tilespmem:$0x980] =	vst v63  }
0x5a: {  	_ =	swait.ge [sflag:s16], $0x100  }
0x5b: {  	[sflag:s16] =	ssyncset.done $0x0  }
0x5c: {  	[sflag:s16] =	ssyncadd.s32 $0xFFFFFF00  }
0x5d: {  	[spmem:s2] =	stream.indirect.scatter.add.f32 [tilespmem:s18], [sflag:$0x4], $0x1, s12, s17, $0xb8;
	[tilespmem:$0x980] =	vst v63  }
0x5e: {  	_ =	swait.ge [sflag:s22], $0x80  }
0x5f: {  	s28 =	sadd.s32 $0xFFFFEC80, s5;
	[sflag:s22] =	ssyncset.done $0x0  }
0x60: {  	s29 =	sadd.s32 $0x1400, s28;
	[sflag:s22] =	ssyncadd.s32 $0xFFFFFF80  }
0x61: {  	[tilespmem:s3], [sflag:$0x5] =	stream.linear.gather [hbm4b:s29+s3], $0x100, $0x38;
	[tilespmem:$0x980] =	vst v63  }
0x62: {  	_ =	swait.ge [sflag:s16], $0x100  }
0x63: {  	[sflag:s16] =	ssyncset.done $0x0  }
0x64: {  	[sflag:s16] =	ssyncadd.s32 $0xFFFFFF00  }
0x65: {  	[spmem:s2] =	stream.indirect.scatter.add.f32 [tilespmem:s18], [sflag:$0x1], $0x1, s6, s17, $0xb8;
	[tilespmem:$0x980] =	vst v63  }
0x66: {  	_ =	swait.ge [sflag:s23], $0x80  }
0x67: {  	[sflag:s23] =	ssyncset.done $0x0  }
0x68: {  	s30 =	sadd.s32 $0x1420, s28;
	[sflag:s23] =	ssyncadd.s32 $0xFFFFFF80  }
0x69: {  	[tilespmem:s19], [sflag:$0x5] =	stream.linear.gather [hbm4b:s30+s3], $0x100, $0x38;
	[tilespmem:$0x980] =	vst v63  }
0x6a: {  	_ =	swait.ge [sflag:s16], $0x100  }
0x6b: {  	[sflag:s16] =	ssyncset.done $0x0  }
0x6c: {  	[sflag:s16] =	ssyncadd.s32 $0xFFFFFF00  }
0x6d: {  	[spmem:s2] =	stream.indirect.scatter.add.f32 [tilespmem:s18], [sflag:$0x2], $0x1, s8, s17, $0xb8;
	[tilespmem:$0x980] =	vst v63  }
0x6e: {  	_ =	swait.ge [sflag:s24], $0x80  }
0x6f: {  	[sflag:s24] =	ssyncset.done $0x0  }
0x70: {  	s31 =	sadd.s32 $0x1440, s28;
	[sflag:s24] =	ssyncadd.s32 $0xFFFFFF80  }
0x71: {  	[tilespmem:s20], [sflag:$0x5] =	stream.linear.gather [hbm4b:s31+s3], $0x100, $0x38;
	[tilespmem:$0x980] =	vst v63  }
0x72: {  	_ =	swait.ge [sflag:s16], $0x100  }
0x73: {  	[sflag:s16] =	ssyncset.done $0x0  }
0x74: {  	[sflag:s16] =	ssyncadd.s32 $0xFFFFFF00  }
0x75: {  	[spmem:s2] =	stream.indirect.scatter.add.f32 [tilespmem:s18], [sflag:$0x3], $0x1, s10, s17, $0xb8;
	[tilespmem:$0x980] =	vst v63  }
0x76: {  	_ =	swait.ge [sflag:s25], $0x80  }
0x77: {  	[sflag:s25] =	ssyncset.done $0x0  }
0x78: {  	s28 =	sadd.s32 $0x1460, s28;
	[sflag:s25] =	ssyncadd.s32 $0xFFFFFF80  }
0x79: {  	[tilespmem:s21], [sflag:$0x5] =	stream.linear.gather [hbm4b:s28+s3], $0x100, $0x38;
	[tilespmem:$0x980] =	vst v63  }
0x7a: {  	_ =	swait.ge [sflag:s16], $0x100  }
0x7b: {  	[sflag:s16] =	ssyncset.done $0x0  }
0x7c: {  	s28 =	simm.s32 $0xFFFFED00;
	[sflag:s16] =	ssyncadd.s32 $0xFFFFFF00  }
.LBB2_2:
0x7d: {  	[spmem:s2] =	stream.indirect.scatter.add.f32 [tilespmem:s18], [sflag:$0x4], $0x1, s12, s17, $0xb8;
	[tilespmem:$0x980] =	vst v63  }
0x7e: {  	s29 =	smov.u32 s28  }
0x7f: {  	p0 =	sne.s32 s28, $0xFFFFFF80;
	s28 =	sadd.s32 $0x80, s28;
	_ =	swait.ge [sflag:s22], $0x80  }
0x80: {  	s29 =	sadd.s32 s29, s5;
	[sflag:s22] =	ssyncset.done $0x0  }
0x81: {  	s30 =	sadd.s32 $0x1400, s29;
	[sflag:s22] =	ssyncadd.s32 $0xFFFFFF80  }
0x82: {  	[tilespmem:s3], [sflag:$0x5] =	stream.linear.gather [hbm4b:s30+s3], $0x100, $0x38;
	[tilespmem:$0x980] =	vst v63  }
0x83: {  	_ =	swait.ge [sflag:s16], $0x100  }
0x84: {  	[sflag:s16] =	ssyncset.done $0x0  }
0x85: {  	[sflag:s16] =	ssyncadd.s32 $0xFFFFFF00  }
0x86: {  	[spmem:s2] =	stream.indirect.scatter.add.f32 [tilespmem:s18], [sflag:$0x1], $0x1, s6, s17, $0xb8;
	[tilespmem:$0x980] =	vst v63  }
0x87: {  	_ =	swait.ge [sflag:s23], $0x80  }
0x88: {  	[sflag:s23] =	ssyncset.done $0x0  }
0x89: {  	s30 =	sadd.s32 $0x1420, s29;
	[sflag:s23] =	ssyncadd.s32 $0xFFFFFF80  }
0x8a: {  	[tilespmem:s19], [sflag:$0x5] =	stream.linear.gather [hbm4b:s30+s3], $0x100, $0x38;
	[tilespmem:$0x980] =	vst v63  }
0x8b: {  	_ =	swait.ge [sflag:s16], $0x100  }
0x8c: {  	[sflag:s16] =	ssyncset.done $0x0  }
0x8d: {  	[sflag:s16] =	ssyncadd.s32 $0xFFFFFF00  }
0x8e: {  	[spmem:s2] =	stream.indirect.scatter.add.f32 [tilespmem:s18], [sflag:$0x2], $0x1, s8, s17, $0xb8;
	[tilespmem:$0x980] =	vst v63  }
0x8f: {  	_ =	swait.ge [sflag:s24], $0x80  }
0x90: {  	[sflag:s24] =	ssyncset.done $0x0  }
0x91: {  	s30 =	sadd.s32 $0x1440, s29;
	[sflag:s24] =	ssyncadd.s32 $0xFFFFFF80  }
0x92: {  	[tilespmem:s20], [sflag:$0x5] =	stream.linear.gather [hbm4b:s30+s3], $0x100, $0x38;
	[tilespmem:$0x980] =	vst v63  }
0x93: {  	_ =	swait.ge [sflag:s16], $0x100  }
0x94: {  	[sflag:s16] =	ssyncset.done $0x0  }
0x95: {  	[sflag:s16] =	ssyncadd.s32 $0xFFFFFF00  }
0x96: {  	[spmem:s2] =	stream.indirect.scatter.add.f32 [tilespmem:s18], [sflag:$0x3], $0x1, s10, s17, $0xb8;
	[tilespmem:$0x980] =	vst v63  }
0x97: {  	_ =	swait.ge [sflag:s25], $0x80  }
0x98: {  	[sflag:s25] =	ssyncset.done $0x0  }
.Ltmp0:
0x99: {  	s29 =	sadd.s32 $0x1460, s29;
	[sflag:s25] =	ssyncadd.s32 $0xFFFFFF80;
	(pc) =	sbr.rel @p0 .LBB2_2-.Ltmp0, $4  }
0x9a: {  	[tilespmem:s21], [sflag:$0x5] =	stream.linear.gather [hbm4b:s29+s3], $0x100, $0x38;
	[tilespmem:$0x980] =	vst v63  }
0x9b: {  	_ =	swait.ge [sflag:s16], $0x100  }
0x9c: {  	[sflag:s16] =	ssyncset.done $0x0  }
0x9d: {  	[sflag:s16] =	ssyncadd.s32 $0xFFFFFF00  }
0x9e: {  	[spmem:s2] =	stream.indirect.scatter.add.f32 [tilespmem:s18], [sflag:$0x4], $0x1, s12, s17, $0xb8;
	[tilespmem:$0x980] =	vst v63  }
0x9f: {  	_ =	swait.ge [sflag:s22], $0x80  }
0xa0: {  	[sflag:s22] =	ssyncset.done $0x0  }
0xa1: {  	[sflag:s22] =	ssyncadd.s32 $0xFFFFFF80  }
0xa2: {  	_ =	swait.ge [sflag:s23], $0x80  }
0xa3: {  	[sflag:s23] =	ssyncset.done $0x0  }
0xa4: {  	[sflag:s23] =	ssyncadd.s32 $0xFFFFFF80  }
0xa5: {  	_ =	swait.ge [sflag:s24], $0x80  }
0xa6: {  	[sflag:s24] =	ssyncset.done $0x0  }
0xa7: {  	[sflag:s24] =	ssyncadd.s32 $0xFFFFFF80  }
0xa8: {  	_ =	swait.ge [sflag:s25], $0x80  }
0xa9: {  	[sflag:s25] =	ssyncset.done $0x0  }
0xaa: {  	[sflag:s25] =	ssyncadd.s32 $0xFFFFFF80  }
0xab: {  	[bflag:$0x0] =	sbarrier.arrive $0xFFFF  }
0xac: {  	[tilespmem:s15], [sflag:$0x5] =	stream.linear.gather [spmem:s4], $0x280, $0x38;
	[tilespmem:$0x980] =	vst v63  }
0xad: {  	s26 =	sadd.s32 $0x1, s26;
	_ =	swait.ge [sflag:s16], $0x280  }
0xae: {  	p0 =	sne.s32 s26, s14;
	[sflag:s16] =	ssyncset.done $0x0  }
.Ltmp1:
0xaf: {  	[sflag:s16] =	ssyncadd.s32 $0xFFFFFD80;
	(pc) =	sbr.rel @p0 .LBB2_1-.Ltmp1, $4  }
0xb0: {  	[hbm4b:s13+s17] =	stream.strided.scatter [tilespmem:s15], [sflag:$0x5], $0x280, s19, s17, $0x38;
	[tilespmem:$0x980] =	vst v63  }
0xb1: {  	_ =	swait.ge [sflag:s16], $0x280  }
0xb2: {  	[sflag:s16] =	ssyncset.done $0x0  }
0xb3: {  	[sflag:s16] =	ssyncadd.s32 $0xFFFFFD80  }
0xb4: {  	_ =	sfence.sel $0x180000  }
0xb5: {  	[bflag:$0x0] =	sbarrier.arrive $0xFFFF  }
0xb6: {  	p0 =	sne.s32 s1, $0x0;
	_ =	strace $0x90000047  }
0xb7: {  	s0 =	sadd.s32 @!p0 $0x100000, s0;
	[bflag:$0x2] =	sbarrier.arrive $0xFFFF  }
0xb8: {  	[sflag:s0] =	ssyncadd.tile.s32 @!p0 $0x1;
	_ =	shalt  }
.Lfunc_end2:
_tile_overlayer_lowered:
.L_overlay_start_2:
0xb9: {  	(tag) =	ssettag $0x2  }
0xba: {  	s0 =	rddreg [dreg:$0x0];
	s2 =	stileid.u32  }
0xbb: {  	s1 =	rddreg [dreg:$0x1];
	p0 =	sne.s32 s2, $0x0  }
0xbc: {  	s3 =	rddreg [dreg:$0x2];
	[bflag:$0x3] =	sbarrier.arrive $0xFFFF;
	s2 =	simm.s32 @!p0 $0x1C05  }
0xbd: {  	[timem:s3], [sflag:s2] =	dma.local @!p0 [hbm:s0], s1  }
0xbe: {  	s0 =	simm.s32 @!p0 $0x5  }
0xbf: {  	_ =	swait.ge @!p0 [sflag:s0], s1  }
0xc0: {  	s1 =	ssub.s32 @!p0 $0x0, s1;
	[sflag:s0] =	ssyncset.done @!p0 $0x0  }
0xc1: {  	[sflag:s0] =	ssyncadd.s32 @!p0 s1  }
0xc2: {  	[bflag:$0x3] =	sbarrier.arrive $0xFFFF  }
0xc3: {  	_ =	shalt  }

</sc_bundles>
